<compile_context>
chip_gen: v7x
topology: tpu7x:2x2x1
jax: 0.10.2.dev20260603
libtpu: 0.0.44.dev20260713+nightly
codegen_flags: <defaults>
</compile_context>

<pallas_src>
import functools

import jax
import jax.numpy as jnp
from jax import lax
from jax.experimental import pallas as pl
from jax.experimental.pallas import tpu as pltpu
from jax.experimental.pallas import tpu_sc as plsc

N = 10000
E = 320000
H = 128
NC = 2
NS = 16
NT = NC * NS
NP = 10240
EPT = E // NT
CH = 125
NCHT = EPT // CH
NPS = N // NS
RB = 400
GRID = N // RB


@functools.cache
def _sc_kernels():
    mesh = plsc.VectorSubcoreMesh(core_axis_name="c", subcore_axis_name="s",
                                  num_cores=NC, num_subcores=NS)

    @functools.partial(
        pl.kernel,
        out_type=jax.ShapeDtypeStruct((NT, NP), jnp.float32),
        mesh=mesh,
        compiler_params=pltpu.CompilerParams(needs_layout_passes=False),
        scratch_types=[
            pltpu.VMEM((EPT,), jnp.int32),
            pltpu.VMEM((NP,), jnp.float32),
        ],
    )
    def _sc_degree(dst_hbm, out_hbm, dst_v, hist_v):
        cid = lax.axis_index("c")
        sid = lax.axis_index("s")
        wid = cid * NS + sid
        zero = jnp.zeros((16,), jnp.float32)

        def zbody(i, carry):
            hist_v[pl.ds(i * 16, 16)] = zero
            return carry

        lax.fori_loop(0, NP // 16, zbody, 0)
        pltpu.sync_copy(dst_hbm.at[pl.ds(wid * EPT, EPT)], dst_v)
        ones = jnp.ones((16,), jnp.float32)

        def body(i, carry):
            idx = dst_v[pl.ds(i * 16, 16)]
            plsc.addupdate_scatter(hist_v, [idx], ones)
            return carry

        lax.fori_loop(0, EPT // 16, body, 0)
        pltpu.sync_copy(hist_v, out_hbm.at[wid])

    @functools.partial(
        pl.kernel,
        out_type=jax.ShapeDtypeStruct((NC, N, H), jnp.float32),
        mesh=mesh,
        compiler_params=pltpu.CompilerParams(needs_layout_passes=False,
                                             use_tc_tiling_on_sc=False),
        scratch_types=[
            pltpu.VMEM((NCHT, CH), jnp.int32),
            pltpu.VMEM((NCHT // 2, CH), jnp.int32),
            pltpu.VMEM((CH, H), jnp.float32),
            pltpu.VMEM((CH, H), jnp.float32),
            pltpu.VMEM_SHARED((N, H), jnp.float32),
            pltpu.SemaphoreType.DMA,
            pltpu.SemaphoreType.DMA,
        ],
    )
    def _sc_aggregate(hp_hbm, ei_hbm, out_hbm,
                      sidx_v, didx_v, rows0_v, rows1_v, acc_sh,
                      semA, semB):
        cid = lax.axis_index("c")
        sid = lax.axis_index("s")
        wid = cid * NS + sid
        zero = jnp.zeros((16,), jnp.float32)

        def zbody(i, carry):
            rows0_v[i >> 3, pl.ds((i & 7) * 16, 16)] = zero
            return carry

        lax.fori_loop(0, CH * (H // 16), zbody, 0)
        base = sid * NPS
        for j in range(NPS // CH):
            pltpu.sync_copy(rows0_v, acc_sh.at[pl.ds(base + j * CH, CH)])
        plsc.subcore_barrier()

        pltpu.sync_copy(ei_hbm.at[0, pl.ds(wid * NCHT, NCHT)], sidx_v)
        pltpu.sync_copy(ei_hbm.at[1, pl.ds(wid * NCHT, NCHT // 2)], didx_v)

        def _wait(buf, sem):
            pltpu.make_async_copy(hp_hbm.at[pl.ds(0, CH)], buf, sem).wait()

        pltpu.async_copy(hp_hbm.at[sidx_v.at[0]], rows0_v, semA)

        def body(i, carry):
            j = 2 * i

            @pl.when(i == NCHT // 4)
            def _():
                pltpu.sync_copy(
                    ei_hbm.at[1, pl.ds(wid * NCHT + NCHT // 2, NCHT // 2)],
                    didx_v)

            jr = jnp.where(j >= NCHT // 2, j - NCHT // 2, j)
            pltpu.async_copy(hp_hbm.at[sidx_v.at[j + 1]], rows1_v, semB)
            _wait(rows0_v, semA)
            pltpu.sync_copy(rows0_v, acc_sh.at[didx_v.at[jr]], add=True)

            @pl.when(j + 2 < NCHT)
            def _():
                pltpu.async_copy(hp_hbm.at[sidx_v.at[j + 2]], rows0_v, semA)

            _wait(rows1_v, semB)
            pltpu.sync_copy(rows1_v, acc_sh.at[didx_v.at[jr + 1]], add=True)
            return carry

        lax.fori_loop(0, NCHT // 2, body, 0)
        plsc.subcore_barrier()
        for j in range(NPS // CH):
            pltpu.sync_copy(acc_sh.at[pl.ds(base + j * CH, CH)],
                            out_hbm.at[cid, pl.ds(base + j * CH, CH)])

    return _sc_degree, _sc_aggregate



def _dot(a, b):
    return jnp.dot(a, b, preferred_element_type=jnp.float32,
                   precision=jax.lax.Precision.HIGHEST)


def _tc_first_body(x_ref, w_ref, degT_ref, hp_ref, dinv_ref):
    deg = jnp.sum(degT_ref[...], axis=1, keepdims=True) + 1.0
    dinv = lax.rsqrt(deg)
    h = _dot(x_ref[...], w_ref[...])
    hp_ref[...] = h * dinv
    dinv_ref[...] = dinv


def _tc_first(x, W, degT):
    return pl.pallas_call(
        _tc_first_body,
        grid=(GRID,),
        in_specs=[pl.BlockSpec((RB, H), lambda i: (i, 0)),
                  pl.BlockSpec((H, H), lambda i: (0, 0)),
                  pl.BlockSpec((RB, NT), lambda i: (i, 0))],
        out_specs=[pl.BlockSpec((RB, H), lambda i: (i, 0)),
                   pl.BlockSpec((RB, 1), lambda i: (i, 0))],
        out_shape=[jax.ShapeDtypeStruct((N, H), jnp.float32),
                   jax.ShapeDtypeStruct((N, 1), jnp.float32)],
    )(x, W, degT)


def _bn_coeffs(stats, g, be):
    m = stats[0:1, :] * (1.0 / N)
    v = stats[1:2, :] * (1.0 / N) - m * m
    a = g * lax.rsqrt(v + 1e-5)
    return a, be - m * a


def _post_phase(agg_ref, hp_ref, dinv_ref, b_ref, zs_ref, stats_ref, i):
    s = agg_ref[0] + agg_ref[1] + hp_ref[...]
    z = jnp.maximum(s * dinv_ref[...] + b_ref[...], 0.0)
    zs_ref[pl.ds(i * RB, RB), :] = z
    new = jnp.concatenate([jnp.sum(z, axis=0, keepdims=True),
                           jnp.sum(z * z, axis=0, keepdims=True)], axis=0)

    @pl.when(i == 0)
    def _():
        stats_ref[...] = new

    @pl.when(i > 0)
    def _():
        stats_ref[...] += new


def _tc_postmm_body(agg_ref, hp_ref, dinv_ref, b_ref, g_ref, be_ref, w_ref,
                    out_ref, zs_ref, stats_ref):
    p = pl.program_id(0)
    i = pl.program_id(1)

    @pl.when(p == 0)
    def _():
        _post_phase(agg_ref, hp_ref, dinv_ref, b_ref, zs_ref, stats_ref, i)

    @pl.when(p == 1)
    def _():
        a, c = _bn_coeffs(stats_ref[...], g_ref[...], be_ref[...])
        z = zs_ref[pl.ds(i * RB, RB), :]
        h = _dot(z * a, w_ref[...]) + _dot(c, w_ref[...])
        out_ref[...] = h * dinv_ref[...]


def _tc_postmm(agg, hp, dinv, b, g, be, W):
    return pl.pallas_call(
        _tc_postmm_body,
        grid=(2, GRID),
        in_specs=[pl.BlockSpec((NC, RB, H), lambda p, i: (0, (1 - p) * i, 0)),
                  pl.BlockSpec((RB, H), lambda p, i: ((1 - p) * i, 0)),
                  pl.BlockSpec((RB, 1), lambda p, i: (i, 0)),
                  pl.BlockSpec((1, H), lambda p, i: (0, 0)),
                  pl.BlockSpec((1, H), lambda p, i: (0, 0)),
                  pl.BlockSpec((1, H), lambda p, i: (0, 0)),
                  pl.BlockSpec((H, H), lambda p, i: (0, 0))],
        out_specs=pl.BlockSpec((RB, H), lambda p, i: (p * i, 0)),
        out_shape=jax.ShapeDtypeStruct((N, H), jnp.float32),
        scratch_shapes=[pltpu.VMEM((N, H), jnp.float32),
                        pltpu.VMEM((2, H), jnp.float32)],
    )(agg, hp, dinv, b, g, be, W)


def _tc_postfinal_body(agg_ref, hp_ref, dinv_ref, b_ref, g_ref, be_ref,
                       w_ref, bl_ref, out_ref, zs_ref, stats_ref):
    p = pl.program_id(0)
    i = pl.program_id(1)

    @pl.when(p == 0)
    def _():
        _post_phase(agg_ref, hp_ref, dinv_ref, b_ref, zs_ref, stats_ref, i)

    @pl.when(p == 1)
    def _():
        a, c = _bn_coeffs(stats_ref[...], g_ref[...], be_ref[...])
        z = zs_ref[pl.ds(i * RB, RB), :]
        t = _dot(z * a, w_ref[...]) + _dot(c, w_ref[...]) + bl_ref[...]
        r = jnp.maximum(t, 0.0)
        e = jnp.exp(r - jnp.max(r, axis=1, keepdims=True))
        out_ref[...] = e / jnp.sum(e, axis=1, keepdims=True)


def _tc_postfinal(agg, hp, dinv, b, g, be, W, bl):
    return pl.pallas_call(
        _tc_postfinal_body,
        grid=(2, GRID),
        in_specs=[pl.BlockSpec((NC, RB, H), lambda p, i: (0, (1 - p) * i, 0)),
                  pl.BlockSpec((RB, H), lambda p, i: ((1 - p) * i, 0)),
                  pl.BlockSpec((RB, 1), lambda p, i: (i, 0)),
                  pl.BlockSpec((1, H), lambda p, i: (0, 0)),
                  pl.BlockSpec((1, H), lambda p, i: (0, 0)),
                  pl.BlockSpec((1, H), lambda p, i: (0, 0)),
                  pl.BlockSpec((H, H), lambda p, i: (0, 0)),
                  pl.BlockSpec((1, H), lambda p, i: (0, 0))],
        out_specs=pl.BlockSpec((RB, H), lambda p, i: (p * i, 0)),
        out_shape=jax.ShapeDtypeStruct((N, H), jnp.float32),
        scratch_shapes=[pltpu.VMEM((N, H), jnp.float32),
                        pltpu.VMEM((2, H), jnp.float32)],
    )(agg, hp, dinv, b, g, be, W, bl)



def kernel(x, edge_index, W1, b1, g1, be1, W2, b2, g2, be2,
           W3, b3, g3, be3, Wl, bl):
    _sc_degree, _sc_aggregate = _sc_kernels()
    ei3 = edge_index.reshape(2, NT * NCHT, CH)

    degs = _sc_degree(edge_index[1])
    degT = degs.T

    b1r, g1r, be1r = b1.reshape(1, H), g1.reshape(1, H), be1.reshape(1, H)
    b2r, g2r, be2r = b2.reshape(1, H), g2.reshape(1, H), be2.reshape(1, H)
    b3r, g3r, be3r = b3.reshape(1, H), g3.reshape(1, H), be3.reshape(1, H)
    blr = bl.reshape(1, H)

    hp, dinv = _tc_first(x, W1, degT)

    agg = _sc_aggregate(hp, ei3)
    hp = _tc_postmm(agg, hp, dinv, b1r, g1r, be1r, W2)

    agg = _sc_aggregate(hp, ei3)
    hp = _tc_postmm(agg, hp, dinv, b2r, g2r, be2r, W3)

    agg = _sc_aggregate(hp, ei3)
    return _tc_postfinal(agg, hp, dinv, b3r, g3r, be3r, Wl, blr)

# --- scband reference (transcript-rebuilt; emitter-appended) ---
"""Pipeline reference for scband-gnn-76562087018930 (READ-ONLY COPY).

The authoritative reference and input builder live on the scoring server;
editing this copy changes nothing except your own understanding.
"""

import jax, jax.numpy as jnp
import numpy as np

N = 10000
E = 320000
D = 128
H = 128


def setup_inputs(seed: int = 0) -> dict:
    key = jax.random.key(seed)
    ks = jax.random.split(key, 16)
    x = jax.random.normal(ks[0], (N, D), dtype=jnp.float32)
    edge_index = jax.random.randint(ks[1], (2, E), 0, N, dtype=jnp.int32)
    W1 = jax.random.normal(ks[2], (D, H), dtype=jnp.float32) * 0.05
    b1 = jnp.zeros((H,), dtype=jnp.float32)
    g1 = jnp.ones((H,), dtype=jnp.float32)
    be1 = jnp.zeros((H,), dtype=jnp.float32)
    W2 = jax.random.normal(ks[3], (H, H), dtype=jnp.float32) * 0.05
    b2 = jnp.zeros((H,), dtype=jnp.float32)
    g2 = jnp.ones((H,), dtype=jnp.float32)
    be2 = jnp.zeros((H,), dtype=jnp.float32)
    W3 = jax.random.normal(ks[4], (H, H), dtype=jnp.float32) * 0.05
    b3 = jnp.zeros((H,), dtype=jnp.float32)
    g3 = jnp.ones((H,), dtype=jnp.float32)
    be3 = jnp.zeros((H,), dtype=jnp.float32)
    Wl = jax.random.normal(ks[5], (H, H), dtype=jnp.float32) * 0.05
    bl = jnp.zeros((H,), dtype=jnp.float32)
    return {"x": x, "edge_index": edge_index,
            "W1": W1, "b1": b1, "g1": g1, "be1": be1,
            "W2": W2, "b2": b2, "g2": g2, "be2": be2,
            "W3": W3, "b3": b3, "g3": g3, "be3": be3,
            "Wl": Wl, "bl": bl}


def _gcn_conv(x, src, dst, W, b):
    # GCNConv with normalize=True: add self loops, sym-normalize, aggregate
    h = x @ W
    loop = jnp.arange(N, dtype=src.dtype)
    s = jnp.concatenate([src, loop])
    d = jnp.concatenate([dst, loop])
    deg = jnp.zeros((N,), dtype=jnp.float32).at[d].add(1.0)
    dinv = jnp.where(deg > 0, 1.0 / jnp.sqrt(deg), 0.0)
    norm = dinv[s] * dinv[d]
    msg = h[s] * norm[:, None]
    out = jnp.zeros((N, h.shape[1]), dtype=jnp.float32).at[d].add(msg)
    return out + b


def _batchnorm(x, g, b):
    # BatchNorm1d in training mode (batch statistics)
    m = jnp.mean(x, axis=0)
    v = jnp.var(x, axis=0)
    return (x - m) / jnp.sqrt(v + 1e-5) * g + b


def reference(x, edge_index, W1, b1, g1, be1, W2, b2, g2, be2, W3, b3, g3, be3, Wl, bl):
    src = edge_index[0]
    dst = edge_index[1]
    h = _batchnorm(jax.nn.relu(_gcn_conv(x, src, dst, W1, b1)), g1, be1)
    h = _batchnorm(jax.nn.relu(_gcn_conv(h, src, dst, W2, b2)), g2, be2)
    h = _batchnorm(jax.nn.relu(_gcn_conv(h, src, dst, W3, b3)), g3, be3)
    h = jax.nn.relu(h @ Wl + bl)
    return jax.nn.softmax(h, axis=-1)

if __name__ == "__main__":
    import jax
    _d = setup_inputs()
    print(jax.jit(kernel)(*tuple(_d.values())))

</pallas_src>

<mosaic_0001>
#map = affine_map<(d0, d1) -> (0, 0)>
#map1 = affine_map<(d0, d1) -> (0, 0, 0)>
module attributes {stable_mosaic.version = 14 : i64} {
  func.func @_sc_aggregate(%arg0: i32, %arg1: i32, %arg2: memref<10000x128xf32, #tpu.memory_space<hbm>>, %arg3: memref<2x2560x125xi32, #tpu.memory_space<hbm>>, %arg4: memref<2x10000x128xf32, #tpu.memory_space<hbm>>, %arg5: memref<80x125xi32, #tpu.memory_space<vmem>>, %arg6: memref<40x125xi32, #tpu.memory_space<vmem>>, %arg7: memref<125x128xf32, #tpu.memory_space<vmem>>, %arg8: memref<125x128xf32, #tpu.memory_space<vmem>>, %arg9: memref<10000x128xf32, #tpu.memory_space<vmem_shared>>, %arg10: memref<!tpu.dma_semaphore, #tpu.memory_space<semaphore_mem>>, %arg11: memref<!tpu.dma_semaphore, #tpu.memory_space<semaphore_mem>>) attributes {dimension_semantics = [#tpu.dimension_semantics<core_parallel>, #tpu.dimension_semantics<subcore_parallel>], iteration_bounds = array<i64: 2, 16>, scalar_prefetch = 0 : i64, scratch_operands = 7 : i64, tpu.core_type = #tpu.core_type<sc_vector_subcore>, window_params = [{transform_indices = #map}, {transform_indices = #map1}, {transform_indices = #map1}]} {
    %mul3A = arith.constant 16 : i32
    %mul3A_0 = arith.muli %arg0, %mul3A : i32
    %add3A = arith.addi %mul3A_0, %arg1 : i32
    %broadcast_in_dim3A = arith.constant 0.000000e+00 : f32
    %broadcast_in_dim3A_1 = vector.broadcast %broadcast_in_dim3A : f32 to vector<16xf32>
    %scan3A = arith.constant 0 : i32
    %scan3A_2 = arith.constant 0 : i32
    %scan3A_3 = arith.constant 1000 : i32
    %scan3A_4 = arith.addi %scan3A_2, %scan3A_3 : i32
    %scan3A_5 = arith.constant 1 : i32
    scf.for %scan3A_57 = %scan3A_2 to %scan3A_4 step %scan3A_5  : i32 {
      %shift_right_arithmetic3A = arith.constant 3 : i32
      %shift_right_arithmetic3A_58 = arith.shrsi %scan3A_57, %shift_right_arithmetic3A : i32
      %and3A = arith.constant 7 : i32
      %and3A_59 = arith.andi %scan3A_57, %and3A : i32
      %mul3A_60 = arith.constant 16 : i32
      %mul3A_61 = arith.muli %and3A_59, %mul3A_60 : i32
      %swap3A = arith.index_cast %shift_right_arithmetic3A_58 : i32 to index
      %swap3A_62 = arith.index_cast %mul3A_61 : i32 to index
      %swap3A_63 = tpu.vector_load %arg7[%swap3A, %swap3A_62] {strides = array<i32>} : memref<125x128xf32, #tpu.memory_space<vmem>>, vector<16xf32>,
      tpu.vector_store %arg7[%swap3A, %swap3A_62], %broadcast_in_dim3A_1 {strides = array<i32>} : memref<125x128xf32, #tpu.memory_space<vmem>>, vector<16xf32>,
    }
    %scan3A_6 = arith.constant 1000 : i32
    %mul3A_7 = arith.constant 625 : i32
    %mul3A_8 = arith.muli %arg1, %mul3A_7 : i32
    %add3A_9 = arith.constant 0 : i32
    %add3A_10 = arith.addi %mul3A_8, %add3A_9 : i32
    "tpu.region"() ({
      %run_scoped3A_57 = tpu.sem_alloc : memref<!tpu.dma_semaphore, #tpu.memory_space<semaphore_mem>>
      %dma_start3A_58 = arith.constant 0 : i32
      %dma_start3A_59 = tpu.memref_slice %arg9[%add3A_10, %dma_start3A_58] : memref<10000x128xf32, #tpu.memory_space<vmem_shared>> -> memref<125x128xf32, #tpu.memory_space<vmem_shared>>
      %dma_start3A_60 = arith.constant 0 : i32
      %dma_start3A_61 = tpu.memref_slice %arg9[%add3A_10, %dma_start3A_60] : memref<10000x128xf32, #tpu.memory_space<vmem_shared>> -> memref<125x128xf32, #tpu.memory_space<vmem_shared>>
      tpu.enqueue_dma source(%arg7 : memref<125x128xf32, #tpu.memory_space<vmem>>) target(%dma_start3A_61 : memref<125x128xf32, #tpu.memory_space<vmem_shared>>) target_semaphore(%run_scoped3A_57 : memref<!tpu.dma_semaphore, #tpu.memory_space<semaphore_mem>>)
      %dma_wait3A = arith.constant 0 : i32
      %dma_wait3A_62 = tpu.memref_slice %arg9[%add3A_10, %dma_wait3A] : memref<10000x128xf32, #tpu.memory_space<vmem_shared>> -> memref<125x128xf32, #tpu.memory_space<vmem_shared>>
      %dma_wait3A_63 = arith.constant 0 : i32
      %dma_wait3A_64 = tpu.memref_slice %arg9[%add3A_10, %dma_wait3A_63] : memref<10000x128xf32, #tpu.memory_space<vmem_shared>> -> memref<125x128xf32, #tpu.memory_space<vmem_shared>>
      tpu.wait_dma2 semaphore(%run_scoped3A_57 : memref<!tpu.dma_semaphore, #tpu.memory_space<semaphore_mem>>) src(%arg7 : memref<125x128xf32, #tpu.memory_space<vmem>>) dst(%dma_wait3A_64 : memref<125x128xf32, #tpu.memory_space<vmem_shared>>)
      tpu.yield
    }) : () -> ()
    %add3A_11 = arith.constant 125 : i32
    %add3A_12 = arith.addi %mul3A_8, %add3A_11 : i32
    "tpu.region"() ({
      %run_scoped3A_57 = tpu.sem_alloc : memref<!tpu.dma_semaphore, #tpu.memory_space<semaphore_mem>>
      %dma_start3A_58 = arith.constant 0 : i32
      %dma_start3A_59 = tpu.memref_slice %arg9[%add3A_12, %dma_start3A_58] : memref<10000x128xf32, #tpu.memory_space<vmem_shared>> -> memref<125x128xf32, #tpu.memory_space<vmem_shared>>
      %dma_start3A_60 = arith.constant 0 : i32
      %dma_start3A_61 = tpu.memref_slice %arg9[%add3A_12, %dma_start3A_60] : memref<10000x128xf32, #tpu.memory_space<vmem_shared>> -> memref<125x128xf32, #tpu.memory_space<vmem_shared>>
      tpu.enqueue_dma source(%arg7 : memref<125x128xf32, #tpu.memory_space<vmem>>) target(%dma_start3A_61 : memref<125x128xf32, #tpu.memory_space<vmem_shared>>) target_semaphore(%run_scoped3A_57 : memref<!tpu.dma_semaphore, #tpu.memory_space<semaphore_mem>>)
      %dma_wait3A = arith.constant 0 : i32
      %dma_wait3A_62 = tpu.memref_slice %arg9[%add3A_12, %dma_wait3A] : memref<10000x128xf32, #tpu.memory_space<vmem_shared>> -> memref<125x128xf32, #tpu.memory_space<vmem_shared>>
      %dma_wait3A_63 = arith.constant 0 : i32
      %dma_wait3A_64 = tpu.memref_slice %arg9[%add3A_12, %dma_wait3A_63] : memref<10000x128xf32, #tpu.memory_space<vmem_shared>> -> memref<125x128xf32, #tpu.memory_space<vmem_shared>>
      tpu.wait_dma2 semaphore(%run_scoped3A_57 : memref<!tpu.dma_semaphore, #tpu.memory_space<semaphore_mem>>) src(%arg7 : memref<125x128xf32, #tpu.memory_space<vmem>>) dst(%dma_wait3A_64 : memref<125x128xf32, #tpu.memory_space<vmem_shared>>)
      tpu.yield
    }) : () -> ()
    %add3A_13 = arith.constant 250 : i32
    %add3A_14 = arith.addi %mul3A_8, %add3A_13 : i32
    "tpu.region"() ({
      %run_scoped3A_57 = tpu.sem_alloc : memref<!tpu.dma_semaphore, #tpu.memory_space<semaphore_mem>>
      %dma_start3A_58 = arith.constant 0 : i32
      %dma_start3A_59 = tpu.memref_slice %arg9[%add3A_14, %dma_start3A_58] : memref<10000x128xf32, #tpu.memory_space<vmem_shared>> -> memref<125x128xf32, #tpu.memory_space<vmem_shared>>
      %dma_start3A_60 = arith.constant 0 : i32
      %dma_start3A_61 = tpu.memref_slice %arg9[%add3A_14, %dma_start3A_60] : memref<10000x128xf32, #tpu.memory_space<vmem_shared>> -> memref<125x128xf32, #tpu.memory_space<vmem_shared>>
      tpu.enqueue_dma source(%arg7 : memref<125x128xf32, #tpu.memory_space<vmem>>) target(%dma_start3A_61 : memref<125x128xf32, #tpu.memory_space<vmem_shared>>) target_semaphore(%run_scoped3A_57 : memref<!tpu.dma_semaphore, #tpu.memory_space<semaphore_mem>>)
      %dma_wait3A = arith.constant 0 : i32
      %dma_wait3A_62 = tpu.memref_slice %arg9[%add3A_14, %dma_wait3A] : memref<10000x128xf32, #tpu.memory_space<vmem_shared>> -> memref<125x128xf32, #tpu.memory_space<vmem_shared>>
      %dma_wait3A_63 = arith.constant 0 : i32
      %dma_wait3A_64 = tpu.memref_slice %arg9[%add3A_14, %dma_wait3A_63] : memref<10000x128xf32, #tpu.memory_space<vmem_shared>> -> memref<125x128xf32, #tpu.memory_space<vmem_shared>>
      tpu.wait_dma2 semaphore(%run_scoped3A_57 : memref<!tpu.dma_semaphore, #tpu.memory_space<semaphore_mem>>) src(%arg7 : memref<125x128xf32, #tpu.memory_space<vmem>>) dst(%dma_wait3A_64 : memref<125x128xf32, #tpu.memory_space<vmem_shared>>)
      tpu.yield
    }) : () -> ()
    %add3A_15 = arith.constant 375 : i32
    %add3A_16 = arith.addi %mul3A_8, %add3A_15 : i32
    "tpu.region"() ({
      %run_scoped3A_57 = tpu.sem_alloc : memref<!tpu.dma_semaphore, #tpu.memory_space<semaphore_mem>>
      %dma_start3A_58 = arith.constant 0 : i32
      %dma_start3A_59 = tpu.memref_slice %arg9[%add3A_16, %dma_start3A_58] : memref<10000x128xf32, #tpu.memory_space<vmem_shared>> -> memref<125x128xf32, #tpu.memory_space<vmem_shared>>
      %dma_start3A_60 = arith.constant 0 : i32
      %dma_start3A_61 = tpu.memref_slice %arg9[%add3A_16, %dma_start3A_60] : memref<10000x128xf32, #tpu.memory_space<vmem_shared>> -> memref<125x128xf32, #tpu.memory_space<vmem_shared>>
      tpu.enqueue_dma source(%arg7 : memref<125x128xf32, #tpu.memory_space<vmem>>) target(%dma_start3A_61 : memref<125x128xf32, #tpu.memory_space<vmem_shared>>) target_semaphore(%run_scoped3A_57 : memref<!tpu.dma_semaphore, #tpu.memory_space<semaphore_mem>>)
      %dma_wait3A = arith.constant 0 : i32
      %dma_wait3A_62 = tpu.memref_slice %arg9[%add3A_16, %dma_wait3A] : memref<10000x128xf32, #tpu.memory_space<vmem_shared>> -> memref<125x128xf32, #tpu.memory_space<vmem_shared>>
      %dma_wait3A_63 = arith.constant 0 : i32
      %dma_wait3A_64 = tpu.memref_slice %arg9[%add3A_16, %dma_wait3A_63] : memref<10000x128xf32, #tpu.memory_space<vmem_shared>> -> memref<125x128xf32, #tpu.memory_space<vmem_shared>>
      tpu.wait_dma2 semaphore(%run_scoped3A_57 : memref<!tpu.dma_semaphore, #tpu.memory_space<semaphore_mem>>) src(%arg7 : memref<125x128xf32, #tpu.memory_space<vmem>>) dst(%dma_wait3A_64 : memref<125x128xf32, #tpu.memory_space<vmem_shared>>)
      tpu.yield
    }) : () -> ()
    %add3A_17 = arith.constant 500 : i32
    %add3A_18 = arith.addi %mul3A_8, %add3A_17 : i32
    "tpu.region"() ({
      %run_scoped3A_57 = tpu.sem_alloc : memref<!tpu.dma_semaphore, #tpu.memory_space<semaphore_mem>>
      %dma_start3A_58 = arith.constant 0 : i32
      %dma_start3A_59 = tpu.memref_slice %arg9[%add3A_18, %dma_start3A_58] : memref<10000x128xf32, #tpu.memory_space<vmem_shared>> -> memref<125x128xf32, #tpu.memory_space<vmem_shared>>
      %dma_start3A_60 = arith.constant 0 : i32
      %dma_start3A_61 = tpu.memref_slice %arg9[%add3A_18, %dma_start3A_60] : memref<10000x128xf32, #tpu.memory_space<vmem_shared>> -> memref<125x128xf32, #tpu.memory_space<vmem_shared>>
      tpu.enqueue_dma source(%arg7 : memref<125x128xf32, #tpu.memory_space<vmem>>) target(%dma_start3A_61 : memref<125x128xf32, #tpu.memory_space<vmem_shared>>) target_semaphore(%run_scoped3A_57 : memref<!tpu.dma_semaphore, #tpu.memory_space<semaphore_mem>>)
      %dma_wait3A = arith.constant 0 : i32
      %dma_wait3A_62 = tpu.memref_slice %arg9[%add3A_18, %dma_wait3A] : memref<10000x128xf32, #tpu.memory_space<vmem_shared>> -> memref<125x128xf32, #tpu.memory_space<vmem_shared>>
      %dma_wait3A_63 = arith.constant 0 : i32
      %dma_wait3A_64 = tpu.memref_slice %arg9[%add3A_18, %dma_wait3A_63] : memref<10000x128xf32, #tpu.memory_space<vmem_shared>> -> memref<125x128xf32, #tpu.memory_space<vmem_shared>>
      tpu.wait_dma2 semaphore(%run_scoped3A_57 : memref<!tpu.dma_semaphore, #tpu.memory_space<semaphore_mem>>) src(%arg7 : memref<125x128xf32, #tpu.memory_space<vmem>>) dst(%dma_wait3A_64 : memref<125x128xf32, #tpu.memory_space<vmem_shared>>)
      tpu.yield
    }) : () -> ()
    %barrier3A = arith.constant 0 : index
    tpu.barrier barrier_id(%barrier3A)
    %mul3A_19 = arith.constant 80 : i32
    %mul3A_20 = arith.muli %add3A, %mul3A_19 : i32
    %run_scoped3A = arith.constant 0 : i32
    "tpu.region"() ({
      %run_scoped3A_57 = tpu.sem_alloc : memref<!tpu.dma_semaphore, #tpu.memory_space<semaphore_mem>>
      %dma_start3A_58 = arith.constant 0 : i32
      %dma_start3A_59 = tpu.memref_slice %arg3[%run_scoped3A, %mul3A_20, %dma_start3A_58] : memref<2x2560x125xi32, #tpu.memory_space<hbm>> -> memref<1x80x125xi32, #tpu.memory_space<hbm>>
      %dma_start3A_60 = tpu.memref_squeeze %dma_start3A_59 : memref<1x80x125xi32, #tpu.memory_space<hbm>> -> memref<80x125xi32, #tpu.memory_space<hbm>>
      %dma_start3A_61 = arith.constant 0 : i32
      %dma_start3A_62 = tpu.memref_slice %arg3[%run_scoped3A, %mul3A_20, %dma_start3A_61] : memref<2x2560x125xi32, #tpu.memory_space<hbm>> -> memref<1x80x125xi32, #tpu.memory_space<hbm>>
      %dma_start3A_63 = tpu.memref_squeeze %dma_start3A_62 : memref<1x80x125xi32, #tpu.memory_space<hbm>> -> memref<80x125xi32, #tpu.memory_space<hbm>>
      tpu.enqueue_dma source(%dma_start3A_63 : memref<80x125xi32, #tpu.memory_space<hbm>>) target(%arg5 : memref<80x125xi32, #tpu.memory_space<vmem>>) target_semaphore(%run_scoped3A_57 : memref<!tpu.dma_semaphore, #tpu.memory_space<semaphore_mem>>)
      %dma_wait3A = arith.constant 0 : i32
      %dma_wait3A_64 = tpu.memref_slice %arg3[%run_scoped3A, %mul3A_20, %dma_wait3A] : memref<2x2560x125xi32, #tpu.memory_space<hbm>> -> memref<1x80x125xi32, #tpu.memory_space<hbm>>
      %dma_wait3A_65 = tpu.memref_squeeze %dma_wait3A_64 : memref<1x80x125xi32, #tpu.memory_space<hbm>> -> memref<80x125xi32, #tpu.memory_space<hbm>>
      %dma_wait3A_66 = arith.constant 0 : i32
      %dma_wait3A_67 = tpu.memref_slice %arg3[%run_scoped3A, %mul3A_20, %dma_wait3A_66] : memref<2x2560x125xi32, #tpu.memory_space<hbm>> -> memref<1x80x125xi32, #tpu.memory_space<hbm>>
      %dma_wait3A_68 = tpu.memref_squeeze %dma_wait3A_67 : memref<1x80x125xi32, #tpu.memory_space<hbm>> -> memref<80x125xi32, #tpu.memory_space<hbm>>
      tpu.wait_dma2 semaphore(%run_scoped3A_57 : memref<!tpu.dma_semaphore, #tpu.memory_space<semaphore_mem>>) src(%dma_wait3A_68 : memref<80x125xi32, #tpu.memory_space<hbm>>) dst(%arg5 : memref<80x125xi32, #tpu.memory_space<vmem>>)
      tpu.yield
    }) : () -> ()
    %mul3A_21 = arith.constant 80 : i32
    %mul3A_22 = arith.muli %add3A, %mul3A_21 : i32
    %run_scoped3A_23 = arith.constant 1 : i32
    "tpu.region"() ({
      %run_scoped3A_57 = tpu.sem_alloc : memref<!tpu.dma_semaphore, #tpu.memory_space<semaphore_mem>>
      %dma_start3A_58 = arith.constant 0 : i32
      %dma_start3A_59 = tpu.memref_slice %arg3[%run_scoped3A_23, %mul3A_22, %dma_start3A_58] : memref<2x2560x125xi32, #tpu.memory_space<hbm>> -> memref<1x40x125xi32, #tpu.memory_space<hbm>>
      %dma_start3A_60 = tpu.memref_squeeze %dma_start3A_59 : memref<1x40x125xi32, #tpu.memory_space<hbm>> -> memref<40x125xi32, #tpu.memory_space<hbm>>
      %dma_start3A_61 = arith.constant 0 : i32
      %dma_start3A_62 = tpu.memref_slice %arg3[%run_scoped3A_23, %mul3A_22, %dma_start3A_61] : memref<2x2560x125xi32, #tpu.memory_space<hbm>> -> memref<1x40x125xi32, #tpu.memory_space<hbm>>
      %dma_start3A_63 = tpu.memref_squeeze %dma_start3A_62 : memref<1x40x125xi32, #tpu.memory_space<hbm>> -> memref<40x125xi32, #tpu.memory_space<hbm>>
      tpu.enqueue_dma source(%dma_start3A_63 : memref<40x125xi32, #tpu.memory_space<hbm>>) target(%arg6 : memref<40x125xi32, #tpu.memory_space<vmem>>) target_semaphore(%run_scoped3A_57 : memref<!tpu.dma_semaphore, #tpu.memory_space<semaphore_mem>>)
      %dma_wait3A = arith.constant 0 : i32
      %dma_wait3A_64 = tpu.memref_slice %arg3[%run_scoped3A_23, %mul3A_22, %dma_wait3A] : memref<2x2560x125xi32, #tpu.memory_space<hbm>> -> memref<1x40x125xi32, #tpu.memory_space<hbm>>
      %dma_wait3A_65 = tpu.memref_squeeze %dma_wait3A_64 : memref<1x40x125xi32, #tpu.memory_space<hbm>> -> memref<40x125xi32, #tpu.memory_space<hbm>>
      %dma_wait3A_66 = arith.constant 0 : i32
      %dma_wait3A_67 = tpu.memref_slice %arg3[%run_scoped3A_23, %mul3A_22, %dma_wait3A_66] : memref<2x2560x125xi32, #tpu.memory_space<hbm>> -> memref<1x40x125xi32, #tpu.memory_space<hbm>>
      %dma_wait3A_68 = tpu.memref_squeeze %dma_wait3A_67 : memref<1x40x125xi32, #tpu.memory_space<hbm>> -> memref<40x125xi32, #tpu.memory_space<hbm>>
      tpu.wait_dma2 semaphore(%run_scoped3A_57 : memref<!tpu.dma_semaphore, #tpu.memory_space<semaphore_mem>>) src(%dma_wait3A_68 : memref<40x125xi32, #tpu.memory_space<hbm>>) dst(%arg6 : memref<40x125xi32, #tpu.memory_space<vmem>>)
      tpu.yield
    }) : () -> ()
    %dma_start3A = arith.constant 0 : i32
    %dma_start3A_24 = arith.constant 0 : i32
    %dma_start3A_25 = tpu.memref_slice %arg5[%dma_start3A, %dma_start3A_24] : memref<80x125xi32, #tpu.memory_space<vmem>> -> memref<1x125xi32, #tpu.memory_space<vmem>>
    %dma_start3A_26 = tpu.memref_squeeze %dma_start3A_25 : memref<1x125xi32, #tpu.memory_space<vmem>> -> memref<125xi32, #tpu.memory_space<vmem>>
    %dma_start3A_27 = arith.constant 0 : i32
    %dma_start3A_28 = arith.constant 0 : i32
    %dma_start3A_29 = tpu.memref_slice %arg2[%dma_start3A_27, %dma_start3A_28] : memref<10000x128xf32, #tpu.memory_space<hbm>> -> memref<10000x128xf32, #tpu.memory_space<hbm>>
    tpu.enqueue_indirect_dma source(%dma_start3A_29 : memref<10000x128xf32, #tpu.memory_space<hbm>>) target(%arg7 : memref<125x128xf32, #tpu.memory_space<vmem>>) offsets(%dma_start3A_26 : memref<125xi32, #tpu.memory_space<vmem>>) semaphore(%arg10 : memref<!tpu.dma_semaphore, #tpu.memory_space<semaphore_mem>>)
    %scan3A_30 = arith.constant 0 : i32
    %scan3A_31 = arith.constant 0 : i32
    %scan3A_32 = arith.constant 40 : i32
    %scan3A_33 = arith.addi %scan3A_31, %scan3A_32 : i32
    %scan3A_34 = arith.constant 1 : i32
    scf.for %scan3A_57 = %scan3A_31 to %scan3A_33 step %scan3A_34  : i32 {
      %mul3A_58 = arith.constant 2 : i32
      %mul3A_59 = arith.muli %mul3A_58, %scan3A_57 : i32
      %eq3A = arith.constant 20 : i32
      %eq3A_60 = arith.cmpi eq, %scan3A_57, %eq3A : i32
      %convert_element_type3A = arith.extui %eq3A_60 : i1 to i32
      %cond3A = arith.constant 0 : i32
      %cond3A_61 = arith.cmpi ne, %convert_element_type3A, %cond3A : i32
      scf.if %cond3A_61 {
        %mul3A_91 = arith.constant 80 : i32
        %mul3A_92 = arith.muli %add3A, %mul3A_91 : i32
        %add3A_93 = arith.constant 40 : i32
        %add3A_94 = arith.addi %mul3A_92, %add3A_93 : i32
        %run_scoped3A_95 = arith.constant 1 : i32
        "tpu.region"() ({
          %run_scoped3A_96 = tpu.sem_alloc : memref<!tpu.dma_semaphore, #tpu.memory_space<semaphore_mem>>
          %dma_start3A_97 = arith.constant 0 : i32
          %dma_start3A_98 = tpu.memref_slice %arg3[%run_scoped3A_95, %add3A_94, %dma_start3A_97] : memref<2x2560x125xi32, #tpu.memory_space<hbm>> -> memref<1x40x125xi32, #tpu.memory_space<hbm>>
          %dma_start3A_99 = tpu.memref_squeeze %dma_start3A_98 : memref<1x40x125xi32, #tpu.memory_space<hbm>> -> memref<40x125xi32, #tpu.memory_space<hbm>>
          %dma_start3A_100 = arith.constant 0 : i32
          %dma_start3A_101 = tpu.memref_slice %arg3[%run_scoped3A_95, %add3A_94, %dma_start3A_100] : memref<2x2560x125xi32, #tpu.memory_space<hbm>> -> memref<1x40x125xi32, #tpu.memory_space<hbm>>
          %dma_start3A_102 = tpu.memref_squeeze %dma_start3A_101 : memref<1x40x125xi32, #tpu.memory_space<hbm>> -> memref<40x125xi32, #tpu.memory_space<hbm>>
          tpu.enqueue_dma source(%dma_start3A_102 : memref<40x125xi32, #tpu.memory_space<hbm>>) target(%arg6 : memref<40x125xi32, #tpu.memory_space<vmem>>) target_semaphore(%run_scoped3A_96 : memref<!tpu.dma_semaphore, #tpu.memory_space<semaphore_mem>>)
          %dma_wait3A_103 = arith.constant 0 : i32
          %dma_wait3A_104 = tpu.memref_slice %arg3[%run_scoped3A_95, %add3A_94, %dma_wait3A_103] : memref<2x2560x125xi32, #tpu.memory_space<hbm>> -> memref<1x40x125xi32, #tpu.memory_space<hbm>>
          %dma_wait3A_105 = tpu.memref_squeeze %dma_wait3A_104 : memref<1x40x125xi32, #tpu.memory_space<hbm>> -> memref<40x125xi32, #tpu.memory_space<hbm>>
          %dma_wait3A_106 = arith.constant 0 : i32
          %dma_wait3A_107 = tpu.memref_slice %arg3[%run_scoped3A_95, %add3A_94, %dma_wait3A_106] : memref<2x2560x125xi32, #tpu.memory_space<hbm>> -> memref<1x40x125xi32, #tpu.memory_space<hbm>>
          %dma_wait3A_108 = tpu.memref_squeeze %dma_wait3A_107 : memref<1x40x125xi32, #tpu.memory_space<hbm>> -> memref<40x125xi32, #tpu.memory_space<hbm>>
          tpu.wait_dma2 semaphore(%run_scoped3A_96 : memref<!tpu.dma_semaphore, #tpu.memory_space<semaphore_mem>>) src(%dma_wait3A_108 : memref<40x125xi32, #tpu.memory_space<hbm>>) dst(%arg6 : memref<40x125xi32, #tpu.memory_space<vmem>>)
          tpu.yield
        }) : () -> ()
      } else {
      }
      %ge3A = arith.constant 40 : i32
      %ge3A_62 = arith.cmpi sge, %mul3A_59, %ge3A : i32
      %sub3A = arith.constant 40 : i32
      %sub3A_63 = arith.subi %mul3A_59, %sub3A : i32
      %select_n3A = arith.select %ge3A_62, %sub3A_63, %mul3A_59 : i32
      %add3A_64 = arith.constant 1 : i32
      %add3A_65 = arith.addi %mul3A_59, %add3A_64 : i32
      %dma_start3A_66 = arith.constant 0 : i32
      %dma_start3A_67 = tpu.memref_slice %arg5[%add3A_65, %dma_start3A_66] : memref<80x125xi32, #tpu.memory_space<vmem>> -> memref<1x125xi32, #tpu.memory_space<vmem>>
      %dma_start3A_68 = tpu.memref_squeeze %dma_start3A_67 : memref<1x125xi32, #tpu.memory_space<vmem>> -> memref<125xi32, #tpu.memory_space<vmem>>
      %dma_start3A_69 = arith.constant 0 : i32
      %dma_start3A_70 = arith.constant 0 : i32
      %dma_start3A_71 = tpu.memref_slice %arg2[%dma_start3A_69, %dma_start3A_70] : memref<10000x128xf32, #tpu.memory_space<hbm>> -> memref<10000x128xf32, #tpu.memory_space<hbm>>
      tpu.enqueue_indirect_dma source(%dma_start3A_71 : memref<10000x128xf32, #tpu.memory_space<hbm>>) target(%arg8 : memref<125x128xf32, #tpu.memory_space<vmem>>) offsets(%dma_start3A_68 : memref<125xi32, #tpu.memory_space<vmem>>) semaphore(%arg11 : memref<!tpu.dma_semaphore, #tpu.memory_space<semaphore_mem>>)
      %dma_wait3A = arith.constant 0 : i32
      %dma_wait3A_72 = arith.constant 0 : i32
      %dma_wait3A_73 = tpu.memref_slice %arg2[%dma_wait3A, %dma_wait3A_72] : memref<10000x128xf32, #tpu.memory_space<hbm>> -> memref<125x128xf32, #tpu.memory_space<hbm>>
      %dma_wait3A_74 = arith.constant 0 : i32
      %dma_wait3A_75 = arith.constant 0 : i32
      %dma_wait3A_76 = tpu.memref_slice %arg2[%dma_wait3A_74, %dma_wait3A_75] : memref<10000x128xf32, #tpu.memory_space<hbm>> -> memref<125x128xf32, #tpu.memory_space<hbm>>
      tpu.wait_dma2 semaphore(%arg10 : memref<!tpu.dma_semaphore, #tpu.memory_space<semaphore_mem>>) src(%dma_wait3A_76 : memref<125x128xf32, #tpu.memory_space<hbm>>) dst(%arg7 : memref<125x128xf32, #tpu.memory_space<vmem>>)
      "tpu.region"() ({
        %run_scoped3A_91 = tpu.sem_alloc : memref<!tpu.dma_semaphore, #tpu.memory_space<semaphore_mem>>
        %dma_start3A_92 = arith.constant 0 : i32
        %dma_start3A_93 = tpu.memref_slice %arg6[%select_n3A, %dma_start3A_92] : memref<40x125xi32, #tpu.memory_space<vmem>> -> memref<1x125xi32, #tpu.memory_space<vmem>>
        %dma_start3A_94 = tpu.memref_squeeze %dma_start3A_93 : memref<1x125xi32, #tpu.memory_space<vmem>> -> memref<125xi32, #tpu.memory_space<vmem>>
        %dma_start3A_95 = arith.constant 0 : i32
        %dma_start3A_96 = arith.constant 0 : i32
        %dma_start3A_97 = tpu.memref_slice %arg9[%dma_start3A_95, %dma_start3A_96] : memref<10000x128xf32, #tpu.memory_space<vmem_shared>> -> memref<10000x128xf32, #tpu.memory_space<vmem_shared>>
        tpu.enqueue_indirect_dma source(%arg7 : memref<125x128xf32, #tpu.memory_space<vmem>>) target(%dma_start3A_97 : memref<10000x128xf32, #tpu.memory_space<vmem_shared>>) offsets(%dma_start3A_94 : memref<125xi32, #tpu.memory_space<vmem>>) semaphore(%run_scoped3A_91 : memref<!tpu.dma_semaphore, #tpu.memory_space<semaphore_mem>>) {add = true}
        %dma_wait3A_98 = arith.constant 0 : i32
        %dma_wait3A_99 = tpu.memref_slice %arg6[%select_n3A, %dma_wait3A_98] : memref<40x125xi32, #tpu.memory_space<vmem>> -> memref<1x125xi32, #tpu.memory_space<vmem>>
        %dma_wait3A_100 = tpu.memref_squeeze %dma_wait3A_99 : memref<1x125xi32, #tpu.memory_space<vmem>> -> memref<125xi32, #tpu.memory_space<vmem>>
        %dma_wait3A_101 = arith.constant 0 : i32
        %dma_wait3A_102 = arith.constant 0 : i32
        %dma_wait3A_103 = tpu.memref_slice %arg9[%dma_wait3A_101, %dma_wait3A_102] : memref<10000x128xf32, #tpu.memory_space<vmem_shared>> -> memref<10000x128xf32, #tpu.memory_space<vmem_shared>>
        tpu.wait_indirect_dma semaphore(%run_scoped3A_91 : memref<!tpu.dma_semaphore, #tpu.memory_space<semaphore_mem>>) src(%arg7 : memref<125x128xf32, #tpu.memory_space<vmem>>) dst(%dma_wait3A_103 : memref<10000x128xf32, #tpu.memory_space<vmem_shared>>)
        tpu.yield
      }) : () -> ()
      %add3A_77 = arith.constant 2 : i32
      %add3A_78 = arith.addi %mul3A_59, %add3A_77 : i32
      %lt3A = arith.constant 80 : i32
      %lt3A_79 = arith.cmpi slt, %add3A_78, %lt3A : i32
      %convert_element_type3A_80 = arith.extui %lt3A_79 : i1 to i32
      %cond3A_81 = arith.constant 0 : i32
      %cond3A_82 = arith.cmpi ne, %convert_element_type3A_80, %cond3A_81 : i32
      scf.if %cond3A_82 {
        %add3A_91 = arith.constant 2 : i32
        %add3A_92 = arith.addi %mul3A_59, %add3A_91 : i32
        %dma_start3A_93 = arith.constant 0 : i32
        %dma_start3A_94 = tpu.memref_slice %arg5[%add3A_92, %dma_start3A_93] : memref<80x125xi32, #tpu.memory_space<vmem>> -> memref<1x125xi32, #tpu.memory_space<vmem>>
        %dma_start3A_95 = tpu.memref_squeeze %dma_start3A_94 : memref<1x125xi32, #tpu.memory_space<vmem>> -> memref<125xi32, #tpu.memory_space<vmem>>
        %dma_start3A_96 = arith.constant 0 : i32
        %dma_start3A_97 = arith.constant 0 : i32
        %dma_start3A_98 = tpu.memref_slice %arg2[%dma_start3A_96, %dma_start3A_97] : memref<10000x128xf32, #tpu.memory_space<hbm>> -> memref<10000x128xf32, #tpu.memory_space<hbm>>
        tpu.enqueue_indirect_dma source(%dma_start3A_98 : memref<10000x128xf32, #tpu.memory_space<hbm>>) target(%arg7 : memref<125x128xf32, #tpu.memory_space<vmem>>) offsets(%dma_start3A_95 : memref<125xi32, #tpu.memory_space<vmem>>) semaphore(%arg10 : memref<!tpu.dma_semaphore, #tpu.memory_space<semaphore_mem>>)
      } else {
      }
      %dma_wait3A_83 = arith.constant 0 : i32
      %dma_wait3A_84 = arith.constant 0 : i32
      %dma_wait3A_85 = tpu.memref_slice %arg2[%dma_wait3A_83, %dma_wait3A_84] : memref<10000x128xf32, #tpu.memory_space<hbm>> -> memref<125x128xf32, #tpu.memory_space<hbm>>
      %dma_wait3A_86 = arith.constant 0 : i32
      %dma_wait3A_87 = arith.constant 0 : i32
      %dma_wait3A_88 = tpu.memref_slice %arg2[%dma_wait3A_86, %dma_wait3A_87] : memref<10000x128xf32, #tpu.memory_space<hbm>> -> memref<125x128xf32, #tpu.memory_space<hbm>>
      tpu.wait_dma2 semaphore(%arg11 : memref<!tpu.dma_semaphore, #tpu.memory_space<semaphore_mem>>) src(%dma_wait3A_88 : memref<125x128xf32, #tpu.memory_space<hbm>>) dst(%arg8 : memref<125x128xf32, #tpu.memory_space<vmem>>)
      %add3A_89 = arith.constant 1 : i32
      %add3A_90 = arith.addi %select_n3A, %add3A_89 : i32
      "tpu.region"() ({
        %run_scoped3A_91 = tpu.sem_alloc : memref<!tpu.dma_semaphore, #tpu.memory_space<semaphore_mem>>
        %dma_start3A_92 = arith.constant 0 : i32
        %dma_start3A_93 = tpu.memref_slice %arg6[%add3A_90, %dma_start3A_92] : memref<40x125xi32, #tpu.memory_space<vmem>> -> memref<1x125xi32, #tpu.memory_space<vmem>>
        %dma_start3A_94 = tpu.memref_squeeze %dma_start3A_93 : memref<1x125xi32, #tpu.memory_space<vmem>> -> memref<125xi32, #tpu.memory_space<vmem>>
        %dma_start3A_95 = arith.constant 0 : i32
        %dma_start3A_96 = arith.constant 0 : i32
        %dma_start3A_97 = tpu.memref_slice %arg9[%dma_start3A_95, %dma_start3A_96] : memref<10000x128xf32, #tpu.memory_space<vmem_shared>> -> memref<10000x128xf32, #tpu.memory_space<vmem_shared>>
        tpu.enqueue_indirect_dma source(%arg8 : memref<125x128xf32, #tpu.memory_space<vmem>>) target(%dma_start3A_97 : memref<10000x128xf32, #tpu.memory_space<vmem_shared>>) offsets(%dma_start3A_94 : memref<125xi32, #tpu.memory_space<vmem>>) semaphore(%run_scoped3A_91 : memref<!tpu.dma_semaphore, #tpu.memory_space<semaphore_mem>>) {add = true}
        %dma_wait3A_98 = arith.constant 0 : i32
        %dma_wait3A_99 = tpu.memref_slice %arg6[%add3A_90, %dma_wait3A_98] : memref<40x125xi32, #tpu.memory_space<vmem>> -> memref<1x125xi32, #tpu.memory_space<vmem>>
        %dma_wait3A_100 = tpu.memref_squeeze %dma_wait3A_99 : memref<1x125xi32, #tpu.memory_space<vmem>> -> memref<125xi32, #tpu.memory_space<vmem>>
        %dma_wait3A_101 = arith.constant 0 : i32
        %dma_wait3A_102 = arith.constant 0 : i32
        %dma_wait3A_103 = tpu.memref_slice %arg9[%dma_wait3A_101, %dma_wait3A_102] : memref<10000x128xf32, #tpu.memory_space<vmem_shared>> -> memref<10000x128xf32, #tpu.memory_space<vmem_shared>>
        tpu.wait_indirect_dma semaphore(%run_scoped3A_91 : memref<!tpu.dma_semaphore, #tpu.memory_space<semaphore_mem>>) src(%arg8 : memref<125x128xf32, #tpu.memory_space<vmem>>) dst(%dma_wait3A_103 : memref<10000x128xf32, #tpu.memory_space<vmem_shared>>)
        tpu.yield
      }) : () -> ()
    }
    %scan3A_35 = arith.constant 40 : i32
    %barrier3A_36 = arith.constant 0 : index
    tpu.barrier barrier_id(%barrier3A_36)
    %add3A_37 = arith.constant 0 : i32
    %add3A_38 = arith.addi %mul3A_8, %add3A_37 : i32
    %add3A_39 = arith.constant 0 : i32
    %add3A_40 = arith.addi %mul3A_8, %add3A_39 : i32
    "tpu.region"() ({
      %run_scoped3A_57 = tpu.sem_alloc : memref<!tpu.dma_semaphore, #tpu.memory_space<semaphore_mem>>
      %dma_start3A_58 = arith.constant 0 : i32
      %dma_start3A_59 = tpu.memref_slice %arg4[%arg0, %add3A_40, %dma_start3A_58] : memref<2x10000x128xf32, #tpu.memory_space<hbm>> -> memref<1x125x128xf32, #tpu.memory_space<hbm>>
      %dma_start3A_60 = tpu.memref_squeeze %dma_start3A_59 : memref<1x125x128xf32, #tpu.memory_space<hbm>> -> memref<125x128xf32, #tpu.memory_space<hbm>>
      %dma_start3A_61 = arith.constant 0 : i32
      %dma_start3A_62 = tpu.memref_slice %arg9[%add3A_38, %dma_start3A_61] : memref<10000x128xf32, #tpu.memory_space<vmem_shared>> -> memref<125x128xf32, #tpu.memory_space<vmem_shared>>
      tpu.enqueue_dma source(%dma_start3A_62 : memref<125x128xf32, #tpu.memory_space<vmem_shared>>) target(%dma_start3A_60 : memref<125x128xf32, #tpu.memory_space<hbm>>) target_semaphore(%run_scoped3A_57 : memref<!tpu.dma_semaphore, #tpu.memory_space<semaphore_mem>>)
      %dma_wait3A = arith.constant 0 : i32
      %dma_wait3A_63 = tpu.memref_slice %arg4[%arg0, %add3A_40, %dma_wait3A] : memref<2x10000x128xf32, #tpu.memory_space<hbm>> -> memref<1x125x128xf32, #tpu.memory_space<hbm>>
      %dma_wait3A_64 = tpu.memref_squeeze %dma_wait3A_63 : memref<1x125x128xf32, #tpu.memory_space<hbm>> -> memref<125x128xf32, #tpu.memory_space<hbm>>
      %dma_wait3A_65 = arith.constant 0 : i32
      %dma_wait3A_66 = tpu.memref_slice %arg9[%add3A_38, %dma_wait3A_65] : memref<10000x128xf32, #tpu.memory_space<vmem_shared>> -> memref<125x128xf32, #tpu.memory_space<vmem_shared>>
      tpu.wait_dma2 semaphore(%run_scoped3A_57 : memref<!tpu.dma_semaphore, #tpu.memory_space<semaphore_mem>>) src(%dma_wait3A_66 : memref<125x128xf32, #tpu.memory_space<vmem_shared>>) dst(%dma_wait3A_64 : memref<125x128xf32, #tpu.memory_space<hbm>>)
      tpu.yield
    }) : () -> ()
    %add3A_41 = arith.constant 125 : i32
    %add3A_42 = arith.addi %mul3A_8, %add3A_41 : i32
    %add3A_43 = arith.constant 125 : i32
    %add3A_44 = arith.addi %mul3A_8, %add3A_43 : i32
    "tpu.region"() ({
      %run_scoped3A_57 = tpu.sem_alloc : memref<!tpu.dma_semaphore, #tpu.memory_space<semaphore_mem>>
      %dma_start3A_58 = arith.constant 0 : i32
      %dma_start3A_59 = tpu.memref_slice %arg4[%arg0, %add3A_44, %dma_start3A_58] : memref<2x10000x128xf32, #tpu.memory_space<hbm>> -> memref<1x125x128xf32, #tpu.memory_space<hbm>>
      %dma_start3A_60 = tpu.memref_squeeze %dma_start3A_59 : memref<1x125x128xf32, #tpu.memory_space<hbm>> -> memref<125x128xf32, #tpu.memory_space<hbm>>
      %dma_start3A_61 = arith.constant 0 : i32
      %dma_start3A_62 = tpu.memref_slice %arg9[%add3A_42, %dma_start3A_61] : memref<10000x128xf32, #tpu.memory_space<vmem_shared>> -> memref<125x128xf32, #tpu.memory_space<vmem_shared>>
      tpu.enqueue_dma source(%dma_start3A_62 : memref<125x128xf32, #tpu.memory_space<vmem_shared>>) target(%dma_start3A_60 : memref<125x128xf32, #tpu.memory_space<hbm>>) target_semaphore(%run_scoped3A_57 : memref<!tpu.dma_semaphore, #tpu.memory_space<semaphore_mem>>)
      %dma_wait3A = arith.constant 0 : i32
      %dma_wait3A_63 = tpu.memref_slice %arg4[%arg0, %add3A_44, %dma_wait3A] : memref<2x10000x128xf32, #tpu.memory_space<hbm>> -> memref<1x125x128xf32, #tpu.memory_space<hbm>>
      %dma_wait3A_64 = tpu.memref_squeeze %dma_wait3A_63 : memref<1x125x128xf32, #tpu.memory_space<hbm>> -> memref<125x128xf32, #tpu.memory_space<hbm>>
      %dma_wait3A_65 = arith.constant 0 : i32
      %dma_wait3A_66 = tpu.memref_slice %arg9[%add3A_42, %dma_wait3A_65] : memref<10000x128xf32, #tpu.memory_space<vmem_shared>> -> memref<125x128xf32, #tpu.memory_space<vmem_shared>>
      tpu.wait_dma2 semaphore(%run_scoped3A_57 : memref<!tpu.dma_semaphore, #tpu.memory_space<semaphore_mem>>) src(%dma_wait3A_66 : memref<125x128xf32, #tpu.memory_space<vmem_shared>>) dst(%dma_wait3A_64 : memref<125x128xf32, #tpu.memory_space<hbm>>)
      tpu.yield
    }) : () -> ()
    %add3A_45 = arith.constant 250 : i32
    %add3A_46 = arith.addi %mul3A_8, %add3A_45 : i32
    %add3A_47 = arith.constant 250 : i32
    %add3A_48 = arith.addi %mul3A_8, %add3A_47 : i32
    "tpu.region"() ({
      %run_scoped3A_57 = tpu.sem_alloc : memref<!tpu.dma_semaphore, #tpu.memory_space<semaphore_mem>>
      %dma_start3A_58 = arith.constant 0 : i32
      %dma_start3A_59 = tpu.memref_slice %arg4[%arg0, %add3A_48, %dma_start3A_58] : memref<2x10000x128xf32, #tpu.memory_space<hbm>> -> memref<1x125x128xf32, #tpu.memory_space<hbm>>
      %dma_start3A_60 = tpu.memref_squeeze %dma_start3A_59 : memref<1x125x128xf32, #tpu.memory_space<hbm>> -> memref<125x128xf32, #tpu.memory_space<hbm>>
      %dma_start3A_61 = arith.constant 0 : i32
      %dma_start3A_62 = tpu.memref_slice %arg9[%add3A_46, %dma_start3A_61] : memref<10000x128xf32, #tpu.memory_space<vmem_shared>> -> memref<125x128xf32, #tpu.memory_space<vmem_shared>>
      tpu.enqueue_dma source(%dma_start3A_62 : memref<125x128xf32, #tpu.memory_space<vmem_shared>>) target(%dma_start3A_60 : memref<125x128xf32, #tpu.memory_space<hbm>>) target_semaphore(%run_scoped3A_57 : memref<!tpu.dma_semaphore, #tpu.memory_space<semaphore_mem>>)
      %dma_wait3A = arith.constant 0 : i32
      %dma_wait3A_63 = tpu.memref_slice %arg4[%arg0, %add3A_48, %dma_wait3A] : memref<2x10000x128xf32, #tpu.memory_space<hbm>> -> memref<1x125x128xf32, #tpu.memory_space<hbm>>
      %dma_wait3A_64 = tpu.memref_squeeze %dma_wait3A_63 : memref<1x125x128xf32, #tpu.memory_space<hbm>> -> memref<125x128xf32, #tpu.memory_space<hbm>>
      %dma_wait3A_65 = arith.constant 0 : i32
      %dma_wait3A_66 = tpu.memref_slice %arg9[%add3A_46, %dma_wait3A_65] : memref<10000x128xf32, #tpu.memory_space<vmem_shared>> -> memref<125x128xf32, #tpu.memory_space<vmem_shared>>
      tpu.wait_dma2 semaphore(%run_scoped3A_57 : memref<!tpu.dma_semaphore, #tpu.memory_space<semaphore_mem>>) src(%dma_wait3A_66 : memref<125x128xf32, #tpu.memory_space<vmem_shared>>) dst(%dma_wait3A_64 : memref<125x128xf32, #tpu.memory_space<hbm>>)
      tpu.yield
    }) : () -> ()
    %add3A_49 = arith.constant 375 : i32
    %add3A_50 = arith.addi %mul3A_8, %add3A_49 : i32
    %add3A_51 = arith.constant 375 : i32
    %add3A_52 = arith.addi %mul3A_8, %add3A_51 : i32
    "tpu.region"() ({
      %run_scoped3A_57 = tpu.sem_alloc : memref<!tpu.dma_semaphore, #tpu.memory_space<semaphore_mem>>
      %dma_start3A_58 = arith.constant 0 : i32
      %dma_start3A_59 = tpu.memref_slice %arg4[%arg0, %add3A_52, %dma_start3A_58] : memref<2x10000x128xf32, #tpu.memory_space<hbm>> -> memref<1x125x128xf32, #tpu.memory_space<hbm>>
      %dma_start3A_60 = tpu.memref_squeeze %dma_start3A_59 : memref<1x125x128xf32, #tpu.memory_space<hbm>> -> memref<125x128xf32, #tpu.memory_space<hbm>>
      %dma_start3A_61 = arith.constant 0 : i32
      %dma_start3A_62 = tpu.memref_slice %arg9[%add3A_50, %dma_start3A_61] : memref<10000x128xf32, #tpu.memory_space<vmem_shared>> -> memref<125x128xf32, #tpu.memory_space<vmem_shared>>
      tpu.enqueue_dma source(%dma_start3A_62 : memref<125x128xf32, #tpu.memory_space<vmem_shared>>) target(%dma_start3A_60 : memref<125x128xf32, #tpu.memory_space<hbm>>) target_semaphore(%run_scoped3A_57 : memref<!tpu.dma_semaphore, #tpu.memory_space<semaphore_mem>>)
      %dma_wait3A = arith.constant 0 : i32
      %dma_wait3A_63 = tpu.memref_slice %arg4[%arg0, %add3A_52, %dma_wait3A] : memref<2x10000x128xf32, #tpu.memory_space<hbm>> -> memref<1x125x128xf32, #tpu.memory_space<hbm>>
      %dma_wait3A_64 = tpu.memref_squeeze %dma_wait3A_63 : memref<1x125x128xf32, #tpu.memory_space<hbm>> -> memref<125x128xf32, #tpu.memory_space<hbm>>
      %dma_wait3A_65 = arith.constant 0 : i32
      %dma_wait3A_66 = tpu.memref_slice %arg9[%add3A_50, %dma_wait3A_65] : memref<10000x128xf32, #tpu.memory_space<vmem_shared>> -> memref<125x128xf32, #tpu.memory_space<vmem_shared>>
      tpu.wait_dma2 semaphore(%run_scoped3A_57 : memref<!tpu.dma_semaphore, #tpu.memory_space<semaphore_mem>>) src(%dma_wait3A_66 : memref<125x128xf32, #tpu.memory_space<vmem_shared>>) dst(%dma_wait3A_64 : memref<125x128xf32, #tpu.memory_space<hbm>>)
      tpu.yield
    }) : () -> ()
    %add3A_53 = arith.constant 500 : i32
    %add3A_54 = arith.addi %mul3A_8, %add3A_53 : i32
    %add3A_55 = arith.constant 500 : i32
    %add3A_56 = arith.addi %mul3A_8, %add3A_55 : i32
    "tpu.region"() ({
      %run_scoped3A_57 = tpu.sem_alloc : memref<!tpu.dma_semaphore, #tpu.memory_space<semaphore_mem>>
      %dma_start3A_58 = arith.constant 0 : i32
      %dma_start3A_59 = tpu.memref_slice %arg4[%arg0, %add3A_56, %dma_start3A_58] : memref<2x10000x128xf32, #tpu.memory_space<hbm>> -> memref<1x125x128xf32, #tpu.memory_space<hbm>>
      %dma_start3A_60 = tpu.memref_squeeze %dma_start3A_59 : memref<1x125x128xf32, #tpu.memory_space<hbm>> -> memref<125x128xf32, #tpu.memory_space<hbm>>
      %dma_start3A_61 = arith.constant 0 : i32
      %dma_start3A_62 = tpu.memref_slice %arg9[%add3A_54, %dma_start3A_61] : memref<10000x128xf32, #tpu.memory_space<vmem_shared>> -> memref<125x128xf32, #tpu.memory_space<vmem_shared>>
      tpu.enqueue_dma source(%dma_start3A_62 : memref<125x128xf32, #tpu.memory_space<vmem_shared>>) target(%dma_start3A_60 : memref<125x128xf32, #tpu.memory_space<hbm>>) target_semaphore(%run_scoped3A_57 : memref<!tpu.dma_semaphore, #tpu.memory_space<semaphore_mem>>)
      %dma_wait3A = arith.constant 0 : i32
      %dma_wait3A_63 = tpu.memref_slice %arg4[%arg0, %add3A_56, %dma_wait3A] : memref<2x10000x128xf32, #tpu.memory_space<hbm>> -> memref<1x125x128xf32, #tpu.memory_space<hbm>>
      %dma_wait3A_64 = tpu.memref_squeeze %dma_wait3A_63 : memref<1x125x128xf32, #tpu.memory_space<hbm>> -> memref<125x128xf32, #tpu.memory_space<hbm>>
      %dma_wait3A_65 = arith.constant 0 : i32
      %dma_wait3A_66 = tpu.memref_slice %arg9[%add3A_54, %dma_wait3A_65] : memref<10000x128xf32, #tpu.memory_space<vmem_shared>> -> memref<125x128xf32, #tpu.memory_space<vmem_shared>>
      tpu.wait_dma2 semaphore(%run_scoped3A_57 : memref<!tpu.dma_semaphore, #tpu.memory_space<semaphore_mem>>) src(%dma_wait3A_66 : memref<125x128xf32, #tpu.memory_space<vmem_shared>>) dst(%dma_wait3A_64 : memref<125x128xf32, #tpu.memory_space<hbm>>)
      tpu.yield
    }) : () -> ()
    return
  }
}

#map = affine_map<(d0, d1) -> (0, 0)>
#map1 = affine_map<(d0, d1) -> (0, 0, 0)>
module attributes {stable_mosaic.version = 14 : i64} {
  func.func @_sc_aggregate(%arg0: i32, %arg1: i32, %arg2: memref<10000x128xf32, #tpu.memory_space<hbm>>, %arg3: memref<2x2560x125xi32, #tpu.memory_space<hbm>>, %arg4: memref<2x10000x128xf32, #tpu.memory_space<hbm>>, %arg5: memref<80x125xi32, #tpu.memory_space<vmem>>, %arg6: memref<40x125xi32, #tpu.memory_space<vmem>>, %arg7: memref<125x128xf32, #tpu.memory_space<vmem>>, %arg8: memref<125x128xf32, #tpu.memory_space<vmem>>, %arg9: memref<10000x128xf32, #tpu.memory_space<vmem_shared>>, %arg10: memref<!tpu.dma_semaphore, #tpu.memory_space<semaphore_mem>>, %arg11: memref<!tpu.dma_semaphore, #tpu.memory_space<semaphore_mem>>) attributes {dimension_semantics = [#tpu.dimension_semantics<core_parallel>, #tpu.dimension_semantics<subcore_parallel>], iteration_bounds = array<i64: 2, 16>, scalar_prefetch = 0 : i64, scratch_operands = 7 : i64, tpu.core_type = #tpu.core_type<sc_vector_subcore>, window_params = [{transform_indices = #map}, {transform_indices = #map1}, {transform_indices = #map1}]} {
    %mul3A = arith.constant 16 : i32
    %mul3A_0 = arith.muli %arg0, %mul3A : i32
    %add3A = arith.addi %mul3A_0, %arg1 : i32
    %broadcast_in_dim3A = arith.constant 0.000000e+00 : f32
    %broadcast_in_dim3A_1 = vector.broadcast %broadcast_in_dim3A : f32 to vector<16xf32>
    %scan3A = arith.constant 0 : i32
    %scan3A_2 = arith.constant 0 : i32
    %scan3A_3 = arith.constant 1000 : i32
    %scan3A_4 = arith.addi %scan3A_2, %scan3A_3 : i32
    %scan3A_5 = arith.constant 1 : i32
    scf.for %scan3A_57 = %scan3A_2 to %scan3A_4 step %scan3A_5  : i32 {
      %shift_right_arithmetic3A = arith.constant 3 : i32
      %shift_right_arithmetic3A_58 = arith.shrsi %scan3A_57, %shift_right_arithmetic3A : i32
      %and3A = arith.constant 7 : i32
      %and3A_59 = arith.andi %scan3A_57, %and3A : i32
      %mul3A_60 = arith.constant 16 : i32
      %mul3A_61 = arith.muli %and3A_59, %mul3A_60 : i32
      %swap3A = arith.index_cast %shift_right_arithmetic3A_58 : i32 to index
      %swap3A_62 = arith.index_cast %mul3A_61 : i32 to index
      %swap3A_63 = tpu.vector_load %arg7[%swap3A, %swap3A_62] {strides = array<i32>} : memref<125x128xf32, #tpu.memory_space<vmem>>, vector<16xf32>,
      tpu.vector_store %arg7[%swap3A, %swap3A_62], %broadcast_in_dim3A_1 {strides = array<i32>} : memref<125x128xf32, #tpu.memory_space<vmem>>, vector<16xf32>,
    }
    %scan3A_6 = arith.constant 1000 : i32
    %mul3A_7 = arith.constant 625 : i32
    %mul3A_8 = arith.muli %arg1, %mul3A_7 : i32
    %add3A_9 = arith.constant 0 : i32
    %add3A_10 = arith.addi %mul3A_8, %add3A_9 : i32
    "tpu.region"() ({
      %run_scoped3A_57 = tpu.sem_alloc : memref<!tpu.dma_semaphore, #tpu.memory_space<semaphore_mem>>
      %dma_start3A_58 = arith.constant 0 : i32
      %dma_start3A_59 = tpu.memref_slice %arg9[%add3A_10, %dma_start3A_58] : memref<10000x128xf32, #tpu.memory_space<vmem_shared>> -> memref<125x128xf32, #tpu.memory_space<vmem_shared>>
      %dma_start3A_60 = arith.constant 0 : i32
      %dma_start3A_61 = tpu.memref_slice %arg9[%add3A_10, %dma_start3A_60] : memref<10000x128xf32, #tpu.memory_space<vmem_shared>> -> memref<125x128xf32, #tpu.memory_space<vmem_shared>>
      tpu.enqueue_dma source(%arg7 : memref<125x128xf32, #tpu.memory_space<vmem>>) target(%dma_start3A_61 : memref<125x128xf32, #tpu.memory_space<vmem_shared>>) target_semaphore(%run_scoped3A_57 : memref<!tpu.dma_semaphore, #tpu.memory_space<semaphore_mem>>)
      %dma_wait3A = arith.constant 0 : i32
      %dma_wait3A_62 = tpu.memref_slice %arg9[%add3A_10, %dma_wait3A] : memref<10000x128xf32, #tpu.memory_space<vmem_shared>> -> memref<125x128xf32, #tpu.memory_space<vmem_shared>>
      %dma_wait3A_63 = arith.constant 0 : i32
      %dma_wait3A_64 = tpu.memref_slice %arg9[%add3A_10, %dma_wait3A_63] : memref<10000x128xf32, #tpu.memory_space<vmem_shared>> -> memref<125x128xf32, #tpu.memory_space<vmem_shared>>
      tpu.wait_dma2 semaphore(%run_scoped3A_57 : memref<!tpu.dma_semaphore, #tpu.memory_space<semaphore_mem>>) src(%arg7 : memref<125x128xf32, #tpu.memory_space<vmem>>) dst(%dma_wait3A_64 : memref<125x128xf32, #tpu.memory_space<vmem_shared>>)
      tpu.yield
    }) : () -> ()
    %add3A_11 = arith.constant 125 : i32
    %add3A_12 = arith.addi %mul3A_8, %add3A_11 : i32
    "tpu.region"() ({
      %run_scoped3A_57 = tpu.sem_alloc : memref<!tpu.dma_semaphore, #tpu.memory_space<semaphore_mem>>
      %dma_start3A_58 = arith.constant 0 : i32
      %dma_start3A_59 = tpu.memref_slice %arg9[%add3A_12, %dma_start3A_58] : memref<10000x128xf32, #tpu.memory_space<vmem_shared>> -> memref<125x128xf32, #tpu.memory_space<vmem_shared>>
      %dma_start3A_60 = arith.constant 0 : i32
      %dma_start3A_61 = tpu.memref_slice %arg9[%add3A_12, %dma_start3A_60] : memref<10000x128xf32, #tpu.memory_space<vmem_shared>> -> memref<125x128xf32, #tpu.memory_space<vmem_shared>>
      tpu.enqueue_dma source(%arg7 : memref<125x128xf32, #tpu.memory_space<vmem>>) target(%dma_start3A_61 : memref<125x128xf32, #tpu.memory_space<vmem_shared>>) target_semaphore(%run_scoped3A_57 : memref<!tpu.dma_semaphore, #tpu.memory_space<semaphore_mem>>)
      %dma_wait3A = arith.constant 0 : i32
      %dma_wait3A_62 = tpu.memref_slice %arg9[%add3A_12, %dma_wait3A] : memref<10000x128xf32, #tpu.memory_space<vmem_shared>> -> memref<125x128xf32, #tpu.memory_space<vmem_shared>>
      %dma_wait3A_63 = arith.constant 0 : i32
      %dma_wait3A_64 = tpu.memref_slice %arg9[%add3A_12, %dma_wait3A_63] : memref<10000x128xf32, #tpu.memory_space<vmem_shared>> -> memref<125x128xf32, #tpu.memory_space<vmem_shared>>
      tpu.wait_dma2 semaphore(%run_scoped3A_57 : memref<!tpu.dma_semaphore, #tpu.memory_space<semaphore_mem>>) src(%arg7 : memref<125x128xf32, #tpu.memory_space<vmem>>) dst(%dma_wait3A_64 : memref<125x128xf32, #tpu.memory_space<vmem_shared>>)
      tpu.yield
    }) : () -> ()
    %add3A_13 = arith.constant 250 : i32
    %add3A_14 = arith.addi %mul3A_8, %add3A_13 : i32
    "tpu.region"() ({
      %run_scoped3A_57 = tpu.sem_alloc : memref<!tpu.dma_semaphore, #tpu.memory_space<semaphore_mem>>
      %dma_start3A_58 = arith.constant 0 : i32
      %dma_start3A_59 = tpu.memref_slice %arg9[%add3A_14, %dma_start3A_58] : memref<10000x128xf32, #tpu.memory_space<vmem_shared>> -> memref<125x128xf32, #tpu.memory_space<vmem_shared>>
      %dma_start3A_60 = arith.constant 0 : i32
      %dma_start3A_61 = tpu.memref_slice %arg9[%add3A_14, %dma_start3A_60] : memref<10000x128xf32, #tpu.memory_space<vmem_shared>> -> memref<125x128xf32, #tpu.memory_space<vmem_shared>>
      tpu.enqueue_dma source(%arg7 : memref<125x128xf32, #tpu.memory_space<vmem>>) target(%dma_start3A_61 : memref<125x128xf32, #tpu.memory_space<vmem_shared>>) target_semaphore(%run_scoped3A_57 : memref<!tpu.dma_semaphore, #tpu.memory_space<semaphore_mem>>)
      %dma_wait3A = arith.constant 0 : i32
      %dma_wait3A_62 = tpu.memref_slice %arg9[%add3A_14, %dma_wait3A] : memref<10000x128xf32, #tpu.memory_space<vmem_shared>> -> memref<125x128xf32, #tpu.memory_space<vmem_shared>>
      %dma_wait3A_63 = arith.constant 0 : i32
      %dma_wait3A_64 = tpu.memref_slice %arg9[%add3A_14, %dma_wait3A_63] : memref<10000x128xf32, #tpu.memory_space<vmem_shared>> -> memref<125x128xf32, #tpu.memory_space<vmem_shared>>
      tpu.wait_dma2 semaphore(%run_scoped3A_57 : memref<!tpu.dma_semaphore, #tpu.memory_space<semaphore_mem>>) src(%arg7 : memref<125x128xf32, #tpu.memory_space<vmem>>) dst(%dma_wait3A_64 : memref<125x128xf32, #tpu.memory_space<vmem_shared>>)
      tpu.yield
    }) : () -> ()
    %add3A_15 = arith.constant 375 : i32
    %add3A_16 = arith.addi %mul3A_8, %add3A_15 : i32
    "tpu.region"() ({
      %run_scoped3A_57 = tpu.sem_alloc : memref<!tpu.dma_semaphore, #tpu.memory_space<semaphore_mem>>
      %dma_start3A_58 = arith.constant 0 : i32
      %dma_start3A_59 = tpu.memref_slice %arg9[%add3A_16, %dma_start3A_58] : memref<10000x128xf32, #tpu.memory_space<vmem_shared>> -> memref<125x128xf32, #tpu.memory_space<vmem_shared>>
      %dma_start3A_60 = arith.constant 0 : i32
      %dma_start3A_61 = tpu.memref_slice %arg9[%add3A_16, %dma_start3A_60] : memref<10000x128xf32, #tpu.memory_space<vmem_shared>> -> memref<125x128xf32, #tpu.memory_space<vmem_shared>>
      tpu.enqueue_dma source(%arg7 : memref<125x128xf32, #tpu.memory_space<vmem>>) target(%dma_start3A_61 : memref<125x128xf32, #tpu.memory_space<vmem_shared>>) target_semaphore(%run_scoped3A_57 : memref<!tpu.dma_semaphore, #tpu.memory_space<semaphore_mem>>)
      %dma_wait3A = arith.constant 0 : i32
      %dma_wait3A_62 = tpu.memref_slice %arg9[%add3A_16, %dma_wait3A] : memref<10000x128xf32, #tpu.memory_space<vmem_shared>> -> memref<125x128xf32, #tpu.memory_space<vmem_shared>>
      %dma_wait3A_63 = arith.constant 0 : i32
      %dma_wait3A_64 = tpu.memref_slice %arg9[%add3A_16, %dma_wait3A_63] : memref<10000x128xf32, #tpu.memory_space<vmem_shared>> -> memref<125x128xf32, #tpu.memory_space<vmem_shared>>
      tpu.wait_dma2 semaphore(%run_scoped3A_57 : memref<!tpu.dma_semaphore, #tpu.memory_space<semaphore_mem>>) src(%arg7 : memref<125x128xf32, #tpu.memory_space<vmem>>) dst(%dma_wait3A_64 : memref<125x128xf32, #tpu.memory_space<vmem_shared>>)
      tpu.yield
    }) : () -> ()
    %add3A_17 = arith.constant 500 : i32
    %add3A_18 = arith.addi %mul3A_8, %add3A_17 : i32
    "tpu.region"() ({
      %run_scoped3A_57 = tpu.sem_alloc : memref<!tpu.dma_semaphore, #tpu.memory_space<semaphore_mem>>
      %dma_start3A_58 = arith.constant 0 : i32
      %dma_start3A_59 = tpu.memref_slice %arg9[%add3A_18, %dma_start3A_58] : memref<10000x128xf32, #tpu.memory_space<vmem_shared>> -> memref<125x128xf32, #tpu.memory_space<vmem_shared>>
      %dma_start3A_60 = arith.constant 0 : i32
      %dma_start3A_61 = tpu.memref_slice %arg9[%add3A_18, %dma_start3A_60] : memref<10000x128xf32, #tpu.memory_space<vmem_shared>> -> memref<125x128xf32, #tpu.memory_space<vmem_shared>>
      tpu.enqueue_dma source(%arg7 : memref<125x128xf32, #tpu.memory_space<vmem>>) target(%dma_start3A_61 : memref<125x128xf32, #tpu.memory_space<vmem_shared>>) target_semaphore(%run_scoped3A_57 : memref<!tpu.dma_semaphore, #tpu.memory_space<semaphore_mem>>)
      %dma_wait3A = arith.constant 0 : i32
      %dma_wait3A_62 = tpu.memref_slice %arg9[%add3A_18, %dma_wait3A] : memref<10000x128xf32, #tpu.memory_space<vmem_shared>> -> memref<125x128xf32, #tpu.memory_space<vmem_shared>>
      %dma_wait3A_63 = arith.constant 0 : i32
      %dma_wait3A_64 = tpu.memref_slice %arg9[%add3A_18, %dma_wait3A_63] : memref<10000x128xf32, #tpu.memory_space<vmem_shared>> -> memref<125x128xf32, #tpu.memory_space<vmem_shared>>
      tpu.wait_dma2 semaphore(%run_scoped3A_57 : memref<!tpu.dma_semaphore, #tpu.memory_space<semaphore_mem>>) src(%arg7 : memref<125x128xf32, #tpu.memory_space<vmem>>) dst(%dma_wait3A_64 : memref<125x128xf32, #tpu.memory_space<vmem_shared>>)
      tpu.yield
    }) : () -> ()
    %barrier3A = arith.constant 0 : index
    tpu.barrier barrier_id(%barrier3A)
    %mul3A_19 = arith.constant 80 : i32
    %mul3A_20 = arith.muli %add3A, %mul3A_19 : i32
    %run_scoped3A = arith.constant 0 : i32
    "tpu.region"() ({
      %run_scoped3A_57 = tpu.sem_alloc : memref<!tpu.dma_semaphore, #tpu.memory_space<semaphore_mem>>
      %dma_start3A_58 = arith.constant 0 : i32
      %dma_start3A_59 = tpu.memref_slice %arg3[%run_scoped3A, %mul3A_20, %dma_start3A_58] : memref<2x2560x125xi32, #tpu.memory_space<hbm>> -> memref<1x80x125xi32, #tpu.memory_space<hbm>>
      %dma_start3A_60 = tpu.memref_squeeze %dma_start3A_59 : memref<1x80x125xi32, #tpu.memory_space<hbm>> -> memref<80x125xi32, #tpu.memory_space<hbm>>
      %dma_start3A_61 = arith.constant 0 : i32
      %dma_start3A_62 = tpu.memref_slice %arg3[%run_scoped3A, %mul3A_20, %dma_start3A_61] : memref<2x2560x125xi32, #tpu.memory_space<hbm>> -> memref<1x80x125xi32, #tpu.memory_space<hbm>>
      %dma_start3A_63 = tpu.memref_squeeze %dma_start3A_62 : memref<1x80x125xi32, #tpu.memory_space<hbm>> -> memref<80x125xi32, #tpu.memory_space<hbm>>
      tpu.enqueue_dma source(%dma_start3A_63 : memref<80x125xi32, #tpu.memory_space<hbm>>) target(%arg5 : memref<80x125xi32, #tpu.memory_space<vmem>>) target_semaphore(%run_scoped3A_57 : memref<!tpu.dma_semaphore, #tpu.memory_space<semaphore_mem>>)
      %dma_wait3A = arith.constant 0 : i32
      %dma_wait3A_64 = tpu.memref_slice %arg3[%run_scoped3A, %mul3A_20, %dma_wait3A] : memref<2x2560x125xi32, #tpu.memory_space<hbm>> -> memref<1x80x125xi32, #tpu.memory_space<hbm>>
      %dma_wait3A_65 = tpu.memref_squeeze %dma_wait3A_64 : memref<1x80x125xi32, #tpu.memory_space<hbm>> -> memref<80x125xi32, #tpu.memory_space<hbm>>
      %dma_wait3A_66 = arith.constant 0 : i32
      %dma_wait3A_67 = tpu.memref_slice %arg3[%run_scoped3A, %mul3A_20, %dma_wait3A_66] : memref<2x2560x125xi32, #tpu.memory_space<hbm>> -> memref<1x80x125xi32, #tpu.memory_space<hbm>>
      %dma_wait3A_68 = tpu.memref_squeeze %dma_wait3A_67 : memref<1x80x125xi32, #tpu.memory_space<hbm>> -> memref<80x125xi32, #tpu.memory_space<hbm>>
      tpu.wait_dma2 semaphore(%run_scoped3A_57 : memref<!tpu.dma_semaphore, #tpu.memory_space<semaphore_mem>>) src(%dma_wait3A_68 : memref<80x125xi32, #tpu.memory_space<hbm>>) dst(%arg5 : memref<80x125xi32, #tpu.memory_space<vmem>>)
      tpu.yield
    }) : () -> ()
    %mul3A_21 = arith.constant 80 : i32
    %mul3A_22 = arith.muli %add3A, %mul3A_21 : i32
    %run_scoped3A_23 = arith.constant 1 : i32
    "tpu.region"() ({
      %run_scoped3A_57 = tpu.sem_alloc : memref<!tpu.dma_semaphore, #tpu.memory_space<semaphore_mem>>
      %dma_start3A_58 = arith.constant 0 : i32
      %dma_start3A_59 = tpu.memref_slice %arg3[%run_scoped3A_23, %mul3A_22, %dma_start3A_58] : memref<2x2560x125xi32, #tpu.memory_space<hbm>> -> memref<1x40x125xi32, #tpu.memory_space<hbm>>
      %dma_start3A_60 = tpu.memref_squeeze %dma_start3A_59 : memref<1x40x125xi32, #tpu.memory_space<hbm>> -> memref<40x125xi32, #tpu.memory_space<hbm>>
      %dma_start3A_61 = arith.constant 0 : i32
      %dma_start3A_62 = tpu.memref_slice %arg3[%run_scoped3A_23, %mul3A_22, %dma_start3A_61] : memref<2x2560x125xi32, #tpu.memory_space<hbm>> -> memref<1x40x125xi32, #tpu.memory_space<hbm>>
      %dma_start3A_63 = tpu.memref_squeeze %dma_start3A_62 : memref<1x40x125xi32, #tpu.memory_space<hbm>> -> memref<40x125xi32, #tpu.memory_space<hbm>>
      tpu.enqueue_dma source(%dma_start3A_63 : memref<40x125xi32, #tpu.memory_space<hbm>>) target(%arg6 : memref<40x125xi32, #tpu.memory_space<vmem>>) target_semaphore(%run_scoped3A_57 : memref<!tpu.dma_semaphore, #tpu.memory_space<semaphore_mem>>)
      %dma_wait3A = arith.constant 0 : i32
      %dma_wait3A_64 = tpu.memref_slice %arg3[%run_scoped3A_23, %mul3A_22, %dma_wait3A] : memref<2x2560x125xi32, #tpu.memory_space<hbm>> -> memref<1x40x125xi32, #tpu.memory_space<hbm>>
      %dma_wait3A_65 = tpu.memref_squeeze %dma_wait3A_64 : memref<1x40x125xi32, #tpu.memory_space<hbm>> -> memref<40x125xi32, #tpu.memory_space<hbm>>
      %dma_wait3A_66 = arith.constant 0 : i32
      %dma_wait3A_67 = tpu.memref_slice %arg3[%run_scoped3A_23, %mul3A_22, %dma_wait3A_66] : memref<2x2560x125xi32, #tpu.memory_space<hbm>> -> memref<1x40x125xi32, #tpu.memory_space<hbm>>
      %dma_wait3A_68 = tpu.memref_squeeze %dma_wait3A_67 : memref<1x40x125xi32, #tpu.memory_space<hbm>> -> memref<40x125xi32, #tpu.memory_space<hbm>>
      tpu.wait_dma2 semaphore(%run_scoped3A_57 : memref<!tpu.dma_semaphore, #tpu.memory_space<semaphore_mem>>) src(%dma_wait3A_68 : memref<40x125xi32, #tpu.memory_space<hbm>>) dst(%arg6 : memref<40x125xi32, #tpu.memory_space<vmem>>)
      tpu.yield
    }) : () -> ()
    %dma_start3A = arith.constant 0 : i32
    %dma_start3A_24 = arith.constant 0 : i32
    %dma_start3A_25 = tpu.memref_slice %arg5[%dma_start3A, %dma_start3A_24] : memref<80x125xi32, #tpu.memory_space<vmem>> -> memref<1x125xi32, #tpu.memory_space<vmem>>
    %dma_start3A_26 = tpu.memref_squeeze %dma_start3A_25 : memref<1x125xi32, #tpu.memory_space<vmem>> -> memref<125xi32, #tpu.memory_space<vmem>>
    %dma_start3A_27 = arith.constant 0 : i32
    %dma_start3A_28 = arith.constant 0 : i32
    %dma_start3A_29 = tpu.memref_slice %arg2[%dma_start3A_27, %dma_start3A_28] : memref<10000x128xf32, #tpu.memory_space<hbm>> -> memref<10000x128xf32, #tpu.memory_space<hbm>>
    tpu.enqueue_indirect_dma source(%dma_start3A_29 : memref<10000x128xf32, #tpu.memory_space<hbm>>) target(%arg7 : memref<125x128xf32, #tpu.memory_space<vmem>>) offsets(%dma_start3A_26 : memref<125xi32, #tpu.memory_space<vmem>>) semaphore(%arg10 : memref<!tpu.dma_semaphore, #tpu.memory_space<semaphore_mem>>)
    %scan3A_30 = arith.constant 0 : i32
    %scan3A_31 = arith.constant 0 : i32
    %scan3A_32 = arith.constant 40 : i32
    %scan3A_33 = arith.addi %scan3A_31, %scan3A_32 : i32
    %scan3A_34 = arith.constant 1 : i32
    scf.for %scan3A_57 = %scan3A_31 to %scan3A_33 step %scan3A_34  : i32 {
      %mul3A_58 = arith.constant 2 : i32
      %mul3A_59 = arith.muli %mul3A_58, %scan3A_57 : i32
      %eq3A = arith.constant 20 : i32
      %eq3A_60 = arith.cmpi eq, %scan3A_57, %eq3A : i32
      %convert_element_type3A = arith.extui %eq3A_60 : i1 to i32
      %cond3A = arith.constant 0 : i32
      %cond3A_61 = arith.cmpi ne, %convert_element_type3A, %cond3A : i32
      scf.if %cond3A_61 {
        %mul3A_91 = arith.constant 80 : i32
        %mul3A_92 = arith.muli %add3A, %mul3A_91 : i32
        %add3A_93 = arith.constant 40 : i32
        %add3A_94 = arith.addi %mul3A_92, %add3A_93 : i32
        %run_scoped3A_95 = arith.constant 1 : i32
        "tpu.region"() ({
          %run_scoped3A_96 = tpu.sem_alloc : memref<!tpu.dma_semaphore, #tpu.memory_space<semaphore_mem>>
          %dma_start3A_97 = arith.constant 0 : i32
          %dma_start3A_98 = tpu.memref_slice %arg3[%run_scoped3A_95, %add3A_94, %dma_start3A_97] : memref<2x2560x125xi32, #tpu.memory_space<hbm>> -> memref<1x40x125xi32, #tpu.memory_space<hbm>>
          %dma_start3A_99 = tpu.memref_squeeze %dma_start3A_98 : memref<1x40x125xi32, #tpu.memory_space<hbm>> -> memref<40x125xi32, #tpu.memory_space<hbm>>
          %dma_start3A_100 = arith.constant 0 : i32
          %dma_start3A_101 = tpu.memref_slice %arg3[%run_scoped3A_95, %add3A_94, %dma_start3A_100] : memref<2x2560x125xi32, #tpu.memory_space<hbm>> -> memref<1x40x125xi32, #tpu.memory_space<hbm>>
          %dma_start3A_102 = tpu.memref_squeeze %dma_start3A_101 : memref<1x40x125xi32, #tpu.memory_space<hbm>> -> memref<40x125xi32, #tpu.memory_space<hbm>>
          tpu.enqueue_dma source(%dma_start3A_102 : memref<40x125xi32, #tpu.memory_space<hbm>>) target(%arg6 : memref<40x125xi32, #tpu.memory_space<vmem>>) target_semaphore(%run_scoped3A_96 : memref<!tpu.dma_semaphore, #tpu.memory_space<semaphore_mem>>)
          %dma_wait3A_103 = arith.constant 0 : i32
          %dma_wait3A_104 = tpu.memref_slice %arg3[%run_scoped3A_95, %add3A_94, %dma_wait3A_103] : memref<2x2560x125xi32, #tpu.memory_space<hbm>> -> memref<1x40x125xi32, #tpu.memory_space<hbm>>
          %dma_wait3A_105 = tpu.memref_squeeze %dma_wait3A_104 : memref<1x40x125xi32, #tpu.memory_space<hbm>> -> memref<40x125xi32, #tpu.memory_space<hbm>>
          %dma_wait3A_106 = arith.constant 0 : i32
          %dma_wait3A_107 = tpu.memref_slice %arg3[%run_scoped3A_95, %add3A_94, %dma_wait3A_106] : memref<2x2560x125xi32, #tpu.memory_space<hbm>> -> memref<1x40x125xi32, #tpu.memory_space<hbm>>
          %dma_wait3A_108 = tpu.memref_squeeze %dma_wait3A_107 : memref<1x40x125xi32, #tpu.memory_space<hbm>> -> memref<40x125xi32, #tpu.memory_space<hbm>>
          tpu.wait_dma2 semaphore(%run_scoped3A_96 : memref<!tpu.dma_semaphore, #tpu.memory_space<semaphore_mem>>) src(%dma_wait3A_108 : memref<40x125xi32, #tpu.memory_space<hbm>>) dst(%arg6 : memref<40x125xi32, #tpu.memory_space<vmem>>)
          tpu.yield
        }) : () -> ()
      } else {
      }
      %ge3A = arith.constant 40 : i32
      %ge3A_62 = arith.cmpi sge, %mul3A_59, %ge3A : i32
      %sub3A = arith.constant 40 : i32
      %sub3A_63 = arith.subi %mul3A_59, %sub3A : i32
      %select_n3A = arith.select %ge3A_62, %sub3A_63, %mul3A_59 : i32
      %add3A_64 = arith.constant 1 : i32
      %add3A_65 = arith.addi %mul3A_59, %add3A_64 : i32
      %dma_start3A_66 = arith.constant 0 : i32
      %dma_start3A_67 = tpu.memref_slice %arg5[%add3A_65, %dma_start3A_66] : memref<80x125xi32, #tpu.memory_space<vmem>> -> memref<1x125xi32, #tpu.memory_space<vmem>>
      %dma_start3A_68 = tpu.memref_squeeze %dma_start3A_67 : memref<1x125xi32, #tpu.memory_space<vmem>> -> memref<125xi32, #tpu.memory_space<vmem>>
      %dma_start3A_69 = arith.constant 0 : i32
      %dma_start3A_70 = arith.constant 0 : i32
      %dma_start3A_71 = tpu.memref_slice %arg2[%dma_start3A_69, %dma_start3A_70] : memref<10000x128xf32, #tpu.memory_space<hbm>> -> memref<10000x128xf32, #tpu.memory_space<hbm>>
      tpu.enqueue_indirect_dma source(%dma_start3A_71 : memref<10000x128xf32, #tpu.memory_space<hbm>>) target(%arg8 : memref<125x128xf32, #tpu.memory_space<vmem>>) offsets(%dma_start3A_68 : memref<125xi32, #tpu.memory_space<vmem>>) semaphore(%arg11 : memref<!tpu.dma_semaphore, #tpu.memory_space<semaphore_mem>>)
      %dma_wait3A = arith.constant 0 : i32
      %dma_wait3A_72 = arith.constant 0 : i32
      %dma_wait3A_73 = tpu.memref_slice %arg2[%dma_wait3A, %dma_wait3A_72] : memref<10000x128xf32, #tpu.memory_space<hbm>> -> memref<125x128xf32, #tpu.memory_space<hbm>>
      %dma_wait3A_74 = arith.constant 0 : i32
      %dma_wait3A_75 = arith.constant 0 : i32
      %dma_wait3A_76 = tpu.memref_slice %arg2[%dma_wait3A_74, %dma_wait3A_75] : memref<10000x128xf32, #tpu.memory_space<hbm>> -> memref<125x128xf32, #tpu.memory_space<hbm>>
      tpu.wait_dma2 semaphore(%arg10 : memref<!tpu.dma_semaphore, #tpu.memory_space<semaphore_mem>>) src(%dma_wait3A_76 : memref<125x128xf32, #tpu.memory_space<hbm>>) dst(%arg7 : memref<125x128xf32, #tpu.memory_space<vmem>>)
      "tpu.region"() ({
        %run_scoped3A_91 = tpu.sem_alloc : memref<!tpu.dma_semaphore, #tpu.memory_space<semaphore_mem>>
        %dma_start3A_92 = arith.constant 0 : i32
        %dma_start3A_93 = tpu.memref_slice %arg6[%select_n3A, %dma_start3A_92] : memref<40x125xi32, #tpu.memory_space<vmem>> -> memref<1x125xi32, #tpu.memory_space<vmem>>
        %dma_start3A_94 = tpu.memref_squeeze %dma_start3A_93 : memref<1x125xi32, #tpu.memory_space<vmem>> -> memref<125xi32, #tpu.memory_space<vmem>>
        %dma_start3A_95 = arith.constant 0 : i32
        %dma_start3A_96 = arith.constant 0 : i32
        %dma_start3A_97 = tpu.memref_slice %arg9[%dma_start3A_95, %dma_start3A_96] : memref<10000x128xf32, #tpu.memory_space<vmem_shared>> -> memref<10000x128xf32, #tpu.memory_space<vmem_shared>>
        tpu.enqueue_indirect_dma source(%arg7 : memref<125x128xf32, #tpu.memory_space<vmem>>) target(%dma_start3A_97 : memref<10000x128xf32, #tpu.memory_space<vmem_shared>>) offsets(%dma_start3A_94 : memref<125xi32, #tpu.memory_space<vmem>>) semaphore(%run_scoped3A_91 : memref<!tpu.dma_semaphore, #tpu.memory_space<semaphore_mem>>) {add = true}
        %dma_wait3A_98 = arith.constant 0 : i32
        %dma_wait3A_99 = tpu.memref_slice %arg6[%select_n3A, %dma_wait3A_98] : memref<40x125xi32, #tpu.memory_space<vmem>> -> memref<1x125xi32, #tpu.memory_space<vmem>>
        %dma_wait3A_100 = tpu.memref_squeeze %dma_wait3A_99 : memref<1x125xi32, #tpu.memory_space<vmem>> -> memref<125xi32, #tpu.memory_space<vmem>>
        %dma_wait3A_101 = arith.constant 0 : i32
        %dma_wait3A_102 = arith.constant 0 : i32
        %dma_wait3A_103 = tpu.memref_slice %arg9[%dma_wait3A_101, %dma_wait3A_102] : memref<10000x128xf32, #tpu.memory_space<vmem_shared>> -> memref<10000x128xf32, #tpu.memory_space<vmem_shared>>
        tpu.wait_indirect_dma semaphore(%run_scoped3A_91 : memref<!tpu.dma_semaphore, #tpu.memory_space<semaphore_mem>>) src(%arg7 : memref<125x128xf32, #tpu.memory_space<vmem>>) dst(%dma_wait3A_103 : memref<10000x128xf32, #tpu.memory_space<vmem_shared>>)
        tpu.yield
      }) : () -> ()
      %add3A_77 = arith.constant 2 : i32
      %add3A_78 = arith.addi %mul3A_59, %add3A_77 : i32
      %lt3A = arith.constant 80 : i32
      %lt3A_79 = arith.cmpi slt, %add3A_78, %lt3A : i32
      %convert_element_type3A_80 = arith.extui %lt3A_79 : i1 to i32
      %cond3A_81 = arith.constant 0 : i32
      %cond3A_82 = arith.cmpi ne, %convert_element_type3A_80, %cond3A_81 : i32
      scf.if %cond3A_82 {
        %add3A_91 = arith.constant 2 : i32
        %add3A_92 = arith.addi %mul3A_59, %add3A_91 : i32
        %dma_start3A_93 = arith.constant 0 : i32
        %dma_start3A_94 = tpu.memref_slice %arg5[%add3A_92, %dma_start3A_93] : memref<80x125xi32, #tpu.memory_space<vmem>> -> memref<1x125xi32, #tpu.memory_space<vmem>>
        %dma_start3A_95 = tpu.memref_squeeze %dma_start3A_94 : memref<1x125xi32, #tpu.memory_space<vmem>> -> memref<125xi32, #tpu.memory_space<vmem>>
        %dma_start3A_96 = arith.constant 0 : i32
        %dma_start3A_97 = arith.constant 0 : i32
        %dma_start3A_98 = tpu.memref_slice %arg2[%dma_start3A_96, %dma_start3A_97] : memref<10000x128xf32, #tpu.memory_space<hbm>> -> memref<10000x128xf32, #tpu.memory_space<hbm>>
        tpu.enqueue_indirect_dma source(%dma_start3A_98 : memref<10000x128xf32, #tpu.memory_space<hbm>>) target(%arg7 : memref<125x128xf32, #tpu.memory_space<vmem>>) offsets(%dma_start3A_95 : memref<125xi32, #tpu.memory_space<vmem>>) semaphore(%arg10 : memref<!tpu.dma_semaphore, #tpu.memory_space<semaphore_mem>>)
      } else {
      }
      %dma_wait3A_83 = arith.constant 0 : i32
      %dma_wait3A_84 = arith.constant 0 : i32
      %dma_wait3A_85 = tpu.memref_slice %arg2[%dma_wait3A_83, %dma_wait3A_84] : memref<10000x128xf32, #tpu.memory_space<hbm>> -> memref<125x128xf32, #tpu.memory_space<hbm>>
      %dma_wait3A_86 = arith.constant 0 : i32
      %dma_wait3A_87 = arith.constant 0 : i32
      %dma_wait3A_88 = tpu.memref_slice %arg2[%dma_wait3A_86, %dma_wait3A_87] : memref<10000x128xf32, #tpu.memory_space<hbm>> -> memref<125x128xf32, #tpu.memory_space<hbm>>
      tpu.wait_dma2 semaphore(%arg11 : memref<!tpu.dma_semaphore, #tpu.memory_space<semaphore_mem>>) src(%dma_wait3A_88 : memref<125x128xf32, #tpu.memory_space<hbm>>) dst(%arg8 : memref<125x128xf32, #tpu.memory_space<vmem>>)
      %add3A_89 = arith.constant 1 : i32
      %add3A_90 = arith.addi %select_n3A, %add3A_89 : i32
      "tpu.region"() ({
        %run_scoped3A_91 = tpu.sem_alloc : memref<!tpu.dma_semaphore, #tpu.memory_space<semaphore_mem>>
        %dma_start3A_92 = arith.constant 0 : i32
        %dma_start3A_93 = tpu.memref_slice %arg6[%add3A_90, %dma_start3A_92] : memref<40x125xi32, #tpu.memory_space<vmem>> -> memref<1x125xi32, #tpu.memory_space<vmem>>
        %dma_start3A_94 = tpu.memref_squeeze %dma_start3A_93 : memref<1x125xi32, #tpu.memory_space<vmem>> -> memref<125xi32, #tpu.memory_space<vmem>>
        %dma_start3A_95 = arith.constant 0 : i32
        %dma_start3A_96 = arith.constant 0 : i32
        %dma_start3A_97 = tpu.memref_slice %arg9[%dma_start3A_95, %dma_start3A_96] : memref<10000x128xf32, #tpu.memory_space<vmem_shared>> -> memref<10000x128xf32, #tpu.memory_space<vmem_shared>>
        tpu.enqueue_indirect_dma source(%arg8 : memref<125x128xf32, #tpu.memory_space<vmem>>) target(%dma_start3A_97 : memref<10000x128xf32, #tpu.memory_space<vmem_shared>>) offsets(%dma_start3A_94 : memref<125xi32, #tpu.memory_space<vmem>>) semaphore(%run_scoped3A_91 : memref<!tpu.dma_semaphore, #tpu.memory_space<semaphore_mem>>) {add = true}
        %dma_wait3A_98 = arith.constant 0 : i32
        %dma_wait3A_99 = tpu.memref_slice %arg6[%add3A_90, %dma_wait3A_98] : memref<40x125xi32, #tpu.memory_space<vmem>> -> memref<1x125xi32, #tpu.memory_space<vmem>>
        %dma_wait3A_100 = tpu.memref_squeeze %dma_wait3A_99 : memref<1x125xi32, #tpu.memory_space<vmem>> -> memref<125xi32, #tpu.memory_space<vmem>>
        %dma_wait3A_101 = arith.constant 0 : i32
        %dma_wait3A_102 = arith.constant 0 : i32
        %dma_wait3A_103 = tpu.memref_slice %arg9[%dma_wait3A_101, %dma_wait3A_102] : memref<10000x128xf32, #tpu.memory_space<vmem_shared>> -> memref<10000x128xf32, #tpu.memory_space<vmem_shared>>
        tpu.wait_indirect_dma semaphore(%run_scoped3A_91 : memref<!tpu.dma_semaphore, #tpu.memory_space<semaphore_mem>>) src(%arg8 : memref<125x128xf32, #tpu.memory_space<vmem>>) dst(%dma_wait3A_103 : memref<10000x128xf32, #tpu.memory_space<vmem_shared>>)
        tpu.yield
      }) : () -> ()
    }
    %scan3A_35 = arith.constant 40 : i32
    %barrier3A_36 = arith.constant 0 : index
    tpu.barrier barrier_id(%barrier3A_36)
    %add3A_37 = arith.constant 0 : i32
    %add3A_38 = arith.addi %mul3A_8, %add3A_37 : i32
    %add3A_39 = arith.constant 0 : i32
    %add3A_40 = arith.addi %mul3A_8, %add3A_39 : i32
    "tpu.region"() ({
      %run_scoped3A_57 = tpu.sem_alloc : memref<!tpu.dma_semaphore, #tpu.memory_space<semaphore_mem>>
      %dma_start3A_58 = arith.constant 0 : i32
      %dma_start3A_59 = tpu.memref_slice %arg4[%arg0, %add3A_40, %dma_start3A_58] : memref<2x10000x128xf32, #tpu.memory_space<hbm>> -> memref<1x125x128xf32, #tpu.memory_space<hbm>>
      %dma_start3A_60 = tpu.memref_squeeze %dma_start3A_59 : memref<1x125x128xf32, #tpu.memory_space<hbm>> -> memref<125x128xf32, #tpu.memory_space<hbm>>
      %dma_start3A_61 = arith.constant 0 : i32
      %dma_start3A_62 = tpu.memref_slice %arg9[%add3A_38, %dma_start3A_61] : memref<10000x128xf32, #tpu.memory_space<vmem_shared>> -> memref<125x128xf32, #tpu.memory_space<vmem_shared>>
      tpu.enqueue_dma source(%dma_start3A_62 : memref<125x128xf32, #tpu.memory_space<vmem_shared>>) target(%dma_start3A_60 : memref<125x128xf32, #tpu.memory_space<hbm>>) target_semaphore(%run_scoped3A_57 : memref<!tpu.dma_semaphore, #tpu.memory_space<semaphore_mem>>)
      %dma_wait3A = arith.constant 0 : i32
      %dma_wait3A_63 = tpu.memref_slice %arg4[%arg0, %add3A_40, %dma_wait3A] : memref<2x10000x128xf32, #tpu.memory_space<hbm>> -> memref<1x125x128xf32, #tpu.memory_space<hbm>>
      %dma_wait3A_64 = tpu.memref_squeeze %dma_wait3A_63 : memref<1x125x128xf32, #tpu.memory_space<hbm>> -> memref<125x128xf32, #tpu.memory_space<hbm>>
      %dma_wait3A_65 = arith.constant 0 : i32
      %dma_wait3A_66 = tpu.memref_slice %arg9[%add3A_38, %dma_wait3A_65] : memref<10000x128xf32, #tpu.memory_space<vmem_shared>> -> memref<125x128xf32, #tpu.memory_space<vmem_shared>>
      tpu.wait_dma2 semaphore(%run_scoped3A_57 : memref<!tpu.dma_semaphore, #tpu.memory_space<semaphore_mem>>) src(%dma_wait3A_66 : memref<125x128xf32, #tpu.memory_space<vmem_shared>>) dst(%dma_wait3A_64 : memref<125x128xf32, #tpu.memory_space<hbm>>)
      tpu.yield
    }) : () -> ()
    %add3A_41 = arith.constant 125 : i32
    %add3A_42 = arith.addi %mul3A_8, %add3A_41 : i32
    %add3A_43 = arith.constant 125 : i32
    %add3A_44 = arith.addi %mul3A_8, %add3A_43 : i32
    "tpu.region"() ({
      %run_scoped3A_57 = tpu.sem_alloc : memref<!tpu.dma_semaphore, #tpu.memory_space<semaphore_mem>>
      %dma_start3A_58 = arith.constant 0 : i32
      %dma_start3A_59 = tpu.memref_slice %arg4[%arg0, %add3A_44, %dma_start3A_58] : memref<2x10000x128xf32, #tpu.memory_space<hbm>> -> memref<1x125x128xf32, #tpu.memory_space<hbm>>
      %dma_start3A_60 = tpu.memref_squeeze %dma_start3A_59 : memref<1x125x128xf32, #tpu.memory_space<hbm>> -> memref<125x128xf32, #tpu.memory_space<hbm>>
      %dma_start3A_61 = arith.constant 0 : i32
      %dma_start3A_62 = tpu.memref_slice %arg9[%add3A_42, %dma_start3A_61] : memref<10000x128xf32, #tpu.memory_space<vmem_shared>> -> memref<125x128xf32, #tpu.memory_space<vmem_shared>>
      tpu.enqueue_dma source(%dma_start3A_62 : memref<125x128xf32, #tpu.memory_space<vmem_shared>>) target(%dma_start3A_60 : memref<125x128xf32, #tpu.memory_space<hbm>>) target_semaphore(%run_scoped3A_57 : memref<!tpu.dma_semaphore, #tpu.memory_space<semaphore_mem>>)
      %dma_wait3A = arith.constant 0 : i32
      %dma_wait3A_63 = tpu.memref_slice %arg4[%arg0, %add3A_44, %dma_wait3A] : memref<2x10000x128xf32, #tpu.memory_space<hbm>> -> memref<1x125x128xf32, #tpu.memory_space<hbm>>
      %dma_wait3A_64 = tpu.memref_squeeze %dma_wait3A_63 : memref<1x125x128xf32, #tpu.memory_space<hbm>> -> memref<125x128xf32, #tpu.memory_space<hbm>>
      %dma_wait3A_65 = arith.constant 0 : i32
      %dma_wait3A_66 = tpu.memref_slice %arg9[%add3A_42, %dma_wait3A_65] : memref<10000x128xf32, #tpu.memory_space<vmem_shared>> -> memref<125x128xf32, #tpu.memory_space<vmem_shared>>
      tpu.wait_dma2 semaphore(%run_scoped3A_57 : memref<!tpu.dma_semaphore, #tpu.memory_space<semaphore_mem>>) src(%dma_wait3A_66 : memref<125x128xf32, #tpu.memory_space<vmem_shared>>) dst(%dma_wait3A_64 : memref<125x128xf32, #tpu.memory_space<hbm>>)
      tpu.yield
    }) : () -> ()
    %add3A_45 = arith.constant 250 : i32
    %add3A_46 = arith.addi %mul3A_8, %add3A_45 : i32
    %add3A_47 = arith.constant 250 : i32
    %add3A_48 = arith.addi %mul3A_8, %add3A_47 : i32
    "tpu.region"() ({
      %run_scoped3A_57 = tpu.sem_alloc : memref<!tpu.dma_semaphore, #tpu.memory_space<semaphore_mem>>
      %dma_start3A_58 = arith.constant 0 : i32
      %dma_start3A_59 = tpu.memref_slice %arg4[%arg0, %add3A_48, %dma_start3A_58] : memref<2x10000x128xf32, #tpu.memory_space<hbm>> -> memref<1x125x128xf32, #tpu.memory_space<hbm>>
      %dma_start3A_60 = tpu.memref_squeeze %dma_start3A_59 : memref<1x125x128xf32, #tpu.memory_space<hbm>> -> memref<125x128xf32, #tpu.memory_space<hbm>>
      %dma_start3A_61 = arith.constant 0 : i32
      %dma_start3A_62 = tpu.memref_slice %arg9[%add3A_46, %dma_start3A_61] : memref<10000x128xf32, #tpu.memory_space<vmem_shared>> -> memref<125x128xf32, #tpu.memory_space<vmem_shared>>
      tpu.enqueue_dma source(%dma_start3A_62 : memref<125x128xf32, #tpu.memory_space<vmem_shared>>) target(%dma_start3A_60 : memref<125x128xf32, #tpu.memory_space<hbm>>) target_semaphore(%run_scoped3A_57 : memref<!tpu.dma_semaphore, #tpu.memory_space<semaphore_mem>>)
      %dma_wait3A = arith.constant 0 : i32
      %dma_wait3A_63 = tpu.memref_slice %arg4[%arg0, %add3A_48, %dma_wait3A] : memref<2x10000x128xf32, #tpu.memory_space<hbm>> -> memref<1x125x128xf32, #tpu.memory_space<hbm>>
      %dma_wait3A_64 = tpu.memref_squeeze %dma_wait3A_63 : memref<1x125x128xf32, #tpu.memory_space<hbm>> -> memref<125x128xf32, #tpu.memory_space<hbm>>
      %dma_wait3A_65 = arith.constant 0 : i32
      %dma_wait3A_66 = tpu.memref_slice %arg9[%add3A_46, %dma_wait3A_65] : memref<10000x128xf32, #tpu.memory_space<vmem_shared>> -> memref<125x128xf32, #tpu.memory_space<vmem_shared>>
      tpu.wait_dma2 semaphore(%run_scoped3A_57 : memref<!tpu.dma_semaphore, #tpu.memory_space<semaphore_mem>>) src(%dma_wait3A_66 : memref<125x128xf32, #tpu.memory_space<vmem_shared>>) dst(%dma_wait3A_64 : memref<125x128xf32, #tpu.memory_space<hbm>>)
      tpu.yield
    }) : () -> ()
    %add3A_49 = arith.constant 375 : i32
    %add3A_50 = arith.addi %mul3A_8, %add3A_49 : i32
    %add3A_51 = arith.constant 375 : i32
    %add3A_52 = arith.addi %mul3A_8, %add3A_51 : i32
    "tpu.region"() ({
      %run_scoped3A_57 = tpu.sem_alloc : memref<!tpu.dma_semaphore, #tpu.memory_space<semaphore_mem>>
      %dma_start3A_58 = arith.constant 0 : i32
      %dma_start3A_59 = tpu.memref_slice %arg4[%arg0, %add3A_52, %dma_start3A_58] : memref<2x10000x128xf32, #tpu.memory_space<hbm>> -> memref<1x125x128xf32, #tpu.memory_space<hbm>>
      %dma_start3A_60 = tpu.memref_squeeze %dma_start3A_59 : memref<1x125x128xf32, #tpu.memory_space<hbm>> -> memref<125x128xf32, #tpu.memory_space<hbm>>
      %dma_start3A_61 = arith.constant 0 : i32
      %dma_start3A_62 = tpu.memref_slice %arg9[%add3A_50, %dma_start3A_61] : memref<10000x128xf32, #tpu.memory_space<vmem_shared>> -> memref<125x128xf32, #tpu.memory_space<vmem_shared>>
      tpu.enqueue_dma source(%dma_start3A_62 : memref<125x128xf32, #tpu.memory_space<vmem_shared>>) target(%dma_start3A_60 : memref<125x128xf32, #tpu.memory_space<hbm>>) target_semaphore(%run_scoped3A_57 : memref<!tpu.dma_semaphore, #tpu.memory_space<semaphore_mem>>)
      %dma_wait3A = arith.constant 0 : i32
      %dma_wait3A_63 = tpu.memref_slice %arg4[%arg0, %add3A_52, %dma_wait3A] : memref<2x10000x128xf32, #tpu.memory_space<hbm>> -> memref<1x125x128xf32, #tpu.memory_space<hbm>>
      %dma_wait3A_64 = tpu.memref_squeeze %dma_wait3A_63 : memref<1x125x128xf32, #tpu.memory_space<hbm>> -> memref<125x128xf32, #tpu.memory_space<hbm>>
      %dma_wait3A_65 = arith.constant 0 : i32
      %dma_wait3A_66 = tpu.memref_slice %arg9[%add3A_50, %dma_wait3A_65] : memref<10000x128xf32, #tpu.memory_space<vmem_shared>> -> memref<125x128xf32, #tpu.memory_space<vmem_shared>>
      tpu.wait_dma2 semaphore(%run_scoped3A_57 : memref<!tpu.dma_semaphore, #tpu.memory_space<semaphore_mem>>) src(%dma_wait3A_66 : memref<125x128xf32, #tpu.memory_space<vmem_shared>>) dst(%dma_wait3A_64 : memref<125x128xf32, #tpu.memory_space<hbm>>)
      tpu.yield
    }) : () -> ()
    %add3A_53 = arith.constant 500 : i32
    %add3A_54 = arith.addi %mul3A_8, %add3A_53 : i32
    %add3A_55 = arith.constant 500 : i32
    %add3A_56 = arith.addi %mul3A_8, %add3A_55 : i32
    "tpu.region"() ({
      %run_scoped3A_57 = tpu.sem_alloc : memref<!tpu.dma_semaphore, #tpu.memory_space<semaphore_mem>>
      %dma_start3A_58 = arith.constant 0 : i32
      %dma_start3A_59 = tpu.memref_slice %arg4[%arg0, %add3A_56, %dma_start3A_58] : memref<2x10000x128xf32, #tpu.memory_space<hbm>> -> memref<1x125x128xf32, #tpu.memory_space<hbm>>
      %dma_start3A_60 = tpu.memref_squeeze %dma_start3A_59 : memref<1x125x128xf32, #tpu.memory_space<hbm>> -> memref<125x128xf32, #tpu.memory_space<hbm>>
      %dma_start3A_61 = arith.constant 0 : i32
      %dma_start3A_62 = tpu.memref_slice %arg9[%add3A_54, %dma_start3A_61] : memref<10000x128xf32, #tpu.memory_space<vmem_shared>> -> memref<125x128xf32, #tpu.memory_space<vmem_shared>>
      tpu.enqueue_dma source(%dma_start3A_62 : memref<125x128xf32, #tpu.memory_space<vmem_shared>>) target(%dma_start3A_60 : memref<125x128xf32, #tpu.memory_space<hbm>>) target_semaphore(%run_scoped3A_57 : memref<!tpu.dma_semaphore, #tpu.memory_space<semaphore_mem>>)
      %dma_wait3A = arith.constant 0 : i32
      %dma_wait3A_63 = tpu.memref_slice %arg4[%arg0, %add3A_56, %dma_wait3A] : memref<2x10000x128xf32, #tpu.memory_space<hbm>> -> memref<1x125x128xf32, #tpu.memory_space<hbm>>
      %dma_wait3A_64 = tpu.memref_squeeze %dma_wait3A_63 : memref<1x125x128xf32, #tpu.memory_space<hbm>> -> memref<125x128xf32, #tpu.memory_space<hbm>>
      %dma_wait3A_65 = arith.constant 0 : i32
      %dma_wait3A_66 = tpu.memref_slice %arg9[%add3A_54, %dma_wait3A_65] : memref<10000x128xf32, #tpu.memory_space<vmem_shared>> -> memref<125x128xf32, #tpu.memory_space<vmem_shared>>
      tpu.wait_dma2 semaphore(%run_scoped3A_57 : memref<!tpu.dma_semaphore, #tpu.memory_space<semaphore_mem>>) src(%dma_wait3A_66 : memref<125x128xf32, #tpu.memory_space<vmem_shared>>) dst(%dma_wait3A_64 : memref<125x128xf32, #tpu.memory_space<hbm>>)
      tpu.yield
    }) : () -> ()
    return
  }
}

#map = affine_map<(d0, d1) -> (0, 0)>
#map1 = affine_map<(d0, d1) -> (0, 0, 0)>
module attributes {stable_mosaic.version = 14 : i64} {
  func.func @_sc_aggregate(%arg0: i32, %arg1: i32, %arg2: memref<10000x128xf32, #tpu.memory_space<hbm>>, %arg3: memref<2x2560x125xi32, #tpu.memory_space<hbm>>, %arg4: memref<2x10000x128xf32, #tpu.memory_space<hbm>>, %arg5: memref<80x125xi32, #tpu.memory_space<vmem>>, %arg6: memref<40x125xi32, #tpu.memory_space<vmem>>, %arg7: memref<125x128xf32, #tpu.memory_space<vmem>>, %arg8: memref<125x128xf32, #tpu.memory_space<vmem>>, %arg9: memref<10000x128xf32, #tpu.memory_space<vmem_shared>>, %arg10: memref<!tpu.dma_semaphore, #tpu.memory_space<semaphore_mem>>, %arg11: memref<!tpu.dma_semaphore, #tpu.memory_space<semaphore_mem>>) attributes {dimension_semantics = [#tpu.dimension_semantics<core_parallel>, #tpu.dimension_semantics<subcore_parallel>], iteration_bounds = array<i64: 2, 16>, scalar_prefetch = 0 : i64, scratch_operands = 7 : i64, tpu.core_type = #tpu.core_type<sc_vector_subcore>, window_params = [{transform_indices = #map}, {transform_indices = #map1}, {transform_indices = #map1}]} {
    %mul3A = arith.constant 16 : i32
    %mul3A_0 = arith.muli %arg0, %mul3A : i32
    %add3A = arith.addi %mul3A_0, %arg1 : i32
    %broadcast_in_dim3A = arith.constant 0.000000e+00 : f32
    %broadcast_in_dim3A_1 = vector.broadcast %broadcast_in_dim3A : f32 to vector<16xf32>
    %scan3A = arith.constant 0 : i32
    %scan3A_2 = arith.constant 0 : i32
    %scan3A_3 = arith.constant 1000 : i32
    %scan3A_4 = arith.addi %scan3A_2, %scan3A_3 : i32
    %scan3A_5 = arith.constant 1 : i32
    scf.for %scan3A_57 = %scan3A_2 to %scan3A_4 step %scan3A_5  : i32 {
      %shift_right_arithmetic3A = arith.constant 3 : i32
      %shift_right_arithmetic3A_58 = arith.shrsi %scan3A_57, %shift_right_arithmetic3A : i32
      %and3A = arith.constant 7 : i32
      %and3A_59 = arith.andi %scan3A_57, %and3A : i32
      %mul3A_60 = arith.constant 16 : i32
      %mul3A_61 = arith.muli %and3A_59, %mul3A_60 : i32
      %swap3A = arith.index_cast %shift_right_arithmetic3A_58 : i32 to index
      %swap3A_62 = arith.index_cast %mul3A_61 : i32 to index
      %swap3A_63 = tpu.vector_load %arg7[%swap3A, %swap3A_62] {strides = array<i32>} : memref<125x128xf32, #tpu.memory_space<vmem>>, vector<16xf32>,
      tpu.vector_store %arg7[%swap3A, %swap3A_62], %broadcast_in_dim3A_1 {strides = array<i32>} : memref<125x128xf32, #tpu.memory_space<vmem>>, vector<16xf32>,
    }
    %scan3A_6 = arith.constant 1000 : i32
    %mul3A_7 = arith.constant 625 : i32
    %mul3A_8 = arith.muli %arg1, %mul3A_7 : i32
    %add3A_9 = arith.constant 0 : i32
    %add3A_10 = arith.addi %mul3A_8, %add3A_9 : i32
    "tpu.region"() ({
      %run_scoped3A_57 = tpu.sem_alloc : memref<!tpu.dma_semaphore, #tpu.memory_space<semaphore_mem>>
      %dma_start3A_58 = arith.constant 0 : i32
      %dma_start3A_59 = tpu.memref_slice %arg9[%add3A_10, %dma_start3A_58] : memref<10000x128xf32, #tpu.memory_space<vmem_shared>> -> memref<125x128xf32, #tpu.memory_space<vmem_shared>>
      %dma_start3A_60 = arith.constant 0 : i32
      %dma_start3A_61 = tpu.memref_slice %arg9[%add3A_10, %dma_start3A_60] : memref<10000x128xf32, #tpu.memory_space<vmem_shared>> -> memref<125x128xf32, #tpu.memory_space<vmem_shared>>
      tpu.enqueue_dma source(%arg7 : memref<125x128xf32, #tpu.memory_space<vmem>>) target(%dma_start3A_61 : memref<125x128xf32, #tpu.memory_space<vmem_shared>>) target_semaphore(%run_scoped3A_57 : memref<!tpu.dma_semaphore, #tpu.memory_space<semaphore_mem>>)
      %dma_wait3A = arith.constant 0 : i32
      %dma_wait3A_62 = tpu.memref_slice %arg9[%add3A_10, %dma_wait3A] : memref<10000x128xf32, #tpu.memory_space<vmem_shared>> -> memref<125x128xf32, #tpu.memory_space<vmem_shared>>
      %dma_wait3A_63 = arith.constant 0 : i32
      %dma_wait3A_64 = tpu.memref_slice %arg9[%add3A_10, %dma_wait3A_63] : memref<10000x128xf32, #tpu.memory_space<vmem_shared>> -> memref<125x128xf32, #tpu.memory_space<vmem_shared>>
      tpu.wait_dma2 semaphore(%run_scoped3A_57 : memref<!tpu.dma_semaphore, #tpu.memory_space<semaphore_mem>>) src(%arg7 : memref<125x128xf32, #tpu.memory_space<vmem>>) dst(%dma_wait3A_64 : memref<125x128xf32, #tpu.memory_space<vmem_shared>>)
      tpu.yield
    }) : () -> ()
    %add3A_11 = arith.constant 125 : i32
    %add3A_12 = arith.addi %mul3A_8, %add3A_11 : i32
    "tpu.region"() ({
      %run_scoped3A_57 = tpu.sem_alloc : memref<!tpu.dma_semaphore, #tpu.memory_space<semaphore_mem>>
      %dma_start3A_58 = arith.constant 0 : i32
      %dma_start3A_59 = tpu.memref_slice %arg9[%add3A_12, %dma_start3A_58] : memref<10000x128xf32, #tpu.memory_space<vmem_shared>> -> memref<125x128xf32, #tpu.memory_space<vmem_shared>>
      %dma_start3A_60 = arith.constant 0 : i32
      %dma_start3A_61 = tpu.memref_slice %arg9[%add3A_12, %dma_start3A_60] : memref<10000x128xf32, #tpu.memory_space<vmem_shared>> -> memref<125x128xf32, #tpu.memory_space<vmem_shared>>
      tpu.enqueue_dma source(%arg7 : memref<125x128xf32, #tpu.memory_space<vmem>>) target(%dma_start3A_61 : memref<125x128xf32, #tpu.memory_space<vmem_shared>>) target_semaphore(%run_scoped3A_57 : memref<!tpu.dma_semaphore, #tpu.memory_space<semaphore_mem>>)
      %dma_wait3A = arith.constant 0 : i32
      %dma_wait3A_62 = tpu.memref_slice %arg9[%add3A_12, %dma_wait3A] : memref<10000x128xf32, #tpu.memory_space<vmem_shared>> -> memref<125x128xf32, #tpu.memory_space<vmem_shared>>
      %dma_wait3A_63 = arith.constant 0 : i32
      %dma_wait3A_64 = tpu.memref_slice %arg9[%add3A_12, %dma_wait3A_63] : memref<10000x128xf32, #tpu.memory_space<vmem_shared>> -> memref<125x128xf32, #tpu.memory_space<vmem_shared>>
      tpu.wait_dma2 semaphore(%run_scoped3A_57 : memref<!tpu.dma_semaphore, #tpu.memory_space<semaphore_mem>>) src(%arg7 : memref<125x128xf32, #tpu.memory_space<vmem>>) dst(%dma_wait3A_64 : memref<125x128xf32, #tpu.memory_space<vmem_shared>>)
      tpu.yield
    }) : () -> ()
    %add3A_13 = arith.constant 250 : i32
    %add3A_14 = arith.addi %mul3A_8, %add3A_13 : i32
    "tpu.region"() ({
      %run_scoped3A_57 = tpu.sem_alloc : memref<!tpu.dma_semaphore, #tpu.memory_space<semaphore_mem>>
      %dma_start3A_58 = arith.constant 0 : i32
      %dma_start3A_59 = tpu.memref_slice %arg9[%add3A_14, %dma_start3A_58] : memref<10000x128xf32, #tpu.memory_space<vmem_shared>> -> memref<125x128xf32, #tpu.memory_space<vmem_shared>>
      %dma_start3A_60 = arith.constant 0 : i32
      %dma_start3A_61 = tpu.memref_slice %arg9[%add3A_14, %dma_start3A_60] : memref<10000x128xf32, #tpu.memory_space<vmem_shared>> -> memref<125x128xf32, #tpu.memory_space<vmem_shared>>
      tpu.enqueue_dma source(%arg7 : memref<125x128xf32, #tpu.memory_space<vmem>>) target(%dma_start3A_61 : memref<125x128xf32, #tpu.memory_space<vmem_shared>>) target_semaphore(%run_scoped3A_57 : memref<!tpu.dma_semaphore, #tpu.memory_space<semaphore_mem>>)
      %dma_wait3A = arith.constant 0 : i32
      %dma_wait3A_62 = tpu.memref_slice %arg9[%add3A_14, %dma_wait3A] : memref<10000x128xf32, #tpu.memory_space<vmem_shared>> -> memref<125x128xf32, #tpu.memory_space<vmem_shared>>
      %dma_wait3A_63 = arith.constant 0 : i32
      %dma_wait3A_64 = tpu.memref_slice %arg9[%add3A_14, %dma_wait3A_63] : memref<10000x128xf32, #tpu.memory_space<vmem_shared>> -> memref<125x128xf32, #tpu.memory_space<vmem_shared>>
      tpu.wait_dma2 semaphore(%run_scoped3A_57 : memref<!tpu.dma_semaphore, #tpu.memory_space<semaphore_mem>>) src(%arg7 : memref<125x128xf32, #tpu.memory_space<vmem>>) dst(%dma_wait3A_64 : memref<125x128xf32, #tpu.memory_space<vmem_shared>>)
      tpu.yield
    }) : () -> ()
    %add3A_15 = arith.constant 375 : i32
    %add3A_16 = arith.addi %mul3A_8, %add3A_15 : i32
    "tpu.region"() ({
      %run_scoped3A_57 = tpu.sem_alloc : memref<!tpu.dma_semaphore, #tpu.memory_space<semaphore_mem>>
      %dma_start3A_58 = arith.constant 0 : i32
      %dma_start3A_59 = tpu.memref_slice %arg9[%add3A_16, %dma_start3A_58] : memref<10000x128xf32, #tpu.memory_space<vmem_shared>> -> memref<125x128xf32, #tpu.memory_space<vmem_shared>>
      %dma_start3A_60 = arith.constant 0 : i32
      %dma_start3A_61 = tpu.memref_slice %arg9[%add3A_16, %dma_start3A_60] : memref<10000x128xf32, #tpu.memory_space<vmem_shared>> -> memref<125x128xf32, #tpu.memory_space<vmem_shared>>
      tpu.enqueue_dma source(%arg7 : memref<125x128xf32, #tpu.memory_space<vmem>>) target(%dma_start3A_61 : memref<125x128xf32, #tpu.memory_space<vmem_shared>>) target_semaphore(%run_scoped3A_57 : memref<!tpu.dma_semaphore, #tpu.memory_space<semaphore_mem>>)
      %dma_wait3A = arith.constant 0 : i32
      %dma_wait3A_62 = tpu.memref_slice %arg9[%add3A_16, %dma_wait3A] : memref<10000x128xf32, #tpu.memory_space<vmem_shared>> -> memref<125x128xf32, #tpu.memory_space<vmem_shared>>
      %dma_wait3A_63 = arith.constant 0 : i32
      %dma_wait3A_64 = tpu.memref_slice %arg9[%add3A_16, %dma_wait3A_63] : memref<10000x128xf32, #tpu.memory_space<vmem_shared>> -> memref<125x128xf32, #tpu.memory_space<vmem_shared>>
      tpu.wait_dma2 semaphore(%run_scoped3A_57 : memref<!tpu.dma_semaphore, #tpu.memory_space<semaphore_mem>>) src(%arg7 : memref<125x128xf32, #tpu.memory_space<vmem>>) dst(%dma_wait3A_64 : memref<125x128xf32, #tpu.memory_space<vmem_shared>>)
      tpu.yield
    }) : () -> ()
    %add3A_17 = arith.constant 500 : i32
    %add3A_18 = arith.addi %mul3A_8, %add3A_17 : i32
    "tpu.region"() ({
      %run_scoped3A_57 = tpu.sem_alloc : memref<!tpu.dma_semaphore, #tpu.memory_space<semaphore_mem>>
      %dma_start3A_58 = arith.constant 0 : i32
      %dma_start3A_59 = tpu.memref_slice %arg9[%add3A_18, %dma_start3A_58] : memref<10000x128xf32, #tpu.memory_space<vmem_shared>> -> memref<125x128xf32, #tpu.memory_space<vmem_shared>>
      %dma_start3A_60 = arith.constant 0 : i32
      %dma_start3A_61 = tpu.memref_slice %arg9[%add3A_18, %dma_start3A_60] : memref<10000x128xf32, #tpu.memory_space<vmem_shared>> -> memref<125x128xf32, #tpu.memory_space<vmem_shared>>
      tpu.enqueue_dma source(%arg7 : memref<125x128xf32, #tpu.memory_space<vmem>>) target(%dma_start3A_61 : memref<125x128xf32, #tpu.memory_space<vmem_shared>>) target_semaphore(%run_scoped3A_57 : memref<!tpu.dma_semaphore, #tpu.memory_space<semaphore_mem>>)
      %dma_wait3A = arith.constant 0 : i32
      %dma_wait3A_62 = tpu.memref_slice %arg9[%add3A_18, %dma_wait3A] : memref<10000x128xf32, #tpu.memory_space<vmem_shared>> -> memref<125x128xf32, #tpu.memory_space<vmem_shared>>
      %dma_wait3A_63 = arith.constant 0 : i32
      %dma_wait3A_64 = tpu.memref_slice %arg9[%add3A_18, %dma_wait3A_63] : memref<10000x128xf32, #tpu.memory_space<vmem_shared>> -> memref<125x128xf32, #tpu.memory_space<vmem_shared>>
      tpu.wait_dma2 semaphore(%run_scoped3A_57 : memref<!tpu.dma_semaphore, #tpu.memory_space<semaphore_mem>>) src(%arg7 : memref<125x128xf32, #tpu.memory_space<vmem>>) dst(%dma_wait3A_64 : memref<125x128xf32, #tpu.memory_space<vmem_shared>>)
      tpu.yield
    }) : () -> ()
    %barrier3A = arith.constant 0 : index
    tpu.barrier barrier_id(%barrier3A)
    %mul3A_19 = arith.constant 80 : i32
    %mul3A_20 = arith.muli %add3A, %mul3A_19 : i32
    %run_scoped3A = arith.constant 0 : i32
    "tpu.region"() ({
      %run_scoped3A_57 = tpu.sem_alloc : memref<!tpu.dma_semaphore, #tpu.memory_space<semaphore_mem>>
      %dma_start3A_58 = arith.constant 0 : i32
      %dma_start3A_59 = tpu.memref_slice %arg3[%run_scoped3A, %mul3A_20, %dma_start3A_58] : memref<2x2560x125xi32, #tpu.memory_space<hbm>> -> memref<1x80x125xi32, #tpu.memory_space<hbm>>
      %dma_start3A_60 = tpu.memref_squeeze %dma_start3A_59 : memref<1x80x125xi32, #tpu.memory_space<hbm>> -> memref<80x125xi32, #tpu.memory_space<hbm>>
      %dma_start3A_61 = arith.constant 0 : i32
      %dma_start3A_62 = tpu.memref_slice %arg3[%run_scoped3A, %mul3A_20, %dma_start3A_61] : memref<2x2560x125xi32, #tpu.memory_space<hbm>> -> memref<1x80x125xi32, #tpu.memory_space<hbm>>
      %dma_start3A_63 = tpu.memref_squeeze %dma_start3A_62 : memref<1x80x125xi32, #tpu.memory_space<hbm>> -> memref<80x125xi32, #tpu.memory_space<hbm>>
      tpu.enqueue_dma source(%dma_start3A_63 : memref<80x125xi32, #tpu.memory_space<hbm>>) target(%arg5 : memref<80x125xi32, #tpu.memory_space<vmem>>) target_semaphore(%run_scoped3A_57 : memref<!tpu.dma_semaphore, #tpu.memory_space<semaphore_mem>>)
      %dma_wait3A = arith.constant 0 : i32
      %dma_wait3A_64 = tpu.memref_slice %arg3[%run_scoped3A, %mul3A_20, %dma_wait3A] : memref<2x2560x125xi32, #tpu.memory_space<hbm>> -> memref<1x80x125xi32, #tpu.memory_space<hbm>>
      %dma_wait3A_65 = tpu.memref_squeeze %dma_wait3A_64 : memref<1x80x125xi32, #tpu.memory_space<hbm>> -> memref<80x125xi32, #tpu.memory_space<hbm>>
      %dma_wait3A_66 = arith.constant 0 : i32
      %dma_wait3A_67 = tpu.memref_slice %arg3[%run_scoped3A, %mul3A_20, %dma_wait3A_66] : memref<2x2560x125xi32, #tpu.memory_space<hbm>> -> memref<1x80x125xi32, #tpu.memory_space<hbm>>
      %dma_wait3A_68 = tpu.memref_squeeze %dma_wait3A_67 : memref<1x80x125xi32, #tpu.memory_space<hbm>> -> memref<80x125xi32, #tpu.memory_space<hbm>>
      tpu.wait_dma2 semaphore(%run_scoped3A_57 : memref<!tpu.dma_semaphore, #tpu.memory_space<semaphore_mem>>) src(%dma_wait3A_68 : memref<80x125xi32, #tpu.memory_space<hbm>>) dst(%arg5 : memref<80x125xi32, #tpu.memory_space<vmem>>)
      tpu.yield
    }) : () -> ()
    %mul3A_21 = arith.constant 80 : i32
    %mul3A_22 = arith.muli %add3A, %mul3A_21 : i32
    %run_scoped3A_23 = arith.constant 1 : i32
    "tpu.region"() ({
      %run_scoped3A_57 = tpu.sem_alloc : memref<!tpu.dma_semaphore, #tpu.memory_space<semaphore_mem>>
      %dma_start3A_58 = arith.constant 0 : i32
      %dma_start3A_59 = tpu.memref_slice %arg3[%run_scoped3A_23, %mul3A_22, %dma_start3A_58] : memref<2x2560x125xi32, #tpu.memory_space<hbm>> -> memref<1x40x125xi32, #tpu.memory_space<hbm>>
      %dma_start3A_60 = tpu.memref_squeeze %dma_start3A_59 : memref<1x40x125xi32, #tpu.memory_space<hbm>> -> memref<40x125xi32, #tpu.memory_space<hbm>>
      %dma_start3A_61 = arith.constant 0 : i32
      %dma_start3A_62 = tpu.memref_slice %arg3[%run_scoped3A_23, %mul3A_22, %dma_start3A_61] : memref<2x2560x125xi32, #tpu.memory_space<hbm>> -> memref<1x40x125xi32, #tpu.memory_space<hbm>>
      %dma_start3A_63 = tpu.memref_squeeze %dma_start3A_62 : memref<1x40x125xi32, #tpu.memory_space<hbm>> -> memref<40x125xi32, #tpu.memory_space<hbm>>
      tpu.enqueue_dma source(%dma_start3A_63 : memref<40x125xi32, #tpu.memory_space<hbm>>) target(%arg6 : memref<40x125xi32, #tpu.memory_space<vmem>>) target_semaphore(%run_scoped3A_57 : memref<!tpu.dma_semaphore, #tpu.memory_space<semaphore_mem>>)
      %dma_wait3A = arith.constant 0 : i32
      %dma_wait3A_64 = tpu.memref_slice %arg3[%run_scoped3A_23, %mul3A_22, %dma_wait3A] : memref<2x2560x125xi32, #tpu.memory_space<hbm>> -> memref<1x40x125xi32, #tpu.memory_space<hbm>>
      %dma_wait3A_65 = tpu.memref_squeeze %dma_wait3A_64 : memref<1x40x125xi32, #tpu.memory_space<hbm>> -> memref<40x125xi32, #tpu.memory_space<hbm>>
      %dma_wait3A_66 = arith.constant 0 : i32
      %dma_wait3A_67 = tpu.memref_slice %arg3[%run_scoped3A_23, %mul3A_22, %dma_wait3A_66] : memref<2x2560x125xi32, #tpu.memory_space<hbm>> -> memref<1x40x125xi32, #tpu.memory_space<hbm>>
      %dma_wait3A_68 = tpu.memref_squeeze %dma_wait3A_67 : memref<1x40x125xi32, #tpu.memory_space<hbm>> -> memref<40x125xi32, #tpu.memory_space<hbm>>
      tpu.wait_dma2 semaphore(%run_scoped3A_57 : memref<!tpu.dma_semaphore, #tpu.memory_space<semaphore_mem>>) src(%dma_wait3A_68 : memref<40x125xi32, #tpu.memory_space<hbm>>) dst(%arg6 : memref<40x125xi32, #tpu.memory_space<vmem>>)
      tpu.yield
    }) : () -> ()
    %dma_start3A = arith.constant 0 : i32
    %dma_start3A_24 = arith.constant 0 : i32
    %dma_start3A_25 = tpu.memref_slice %arg5[%dma_start3A, %dma_start3A_24] : memref<80x125xi32, #tpu.memory_space<vmem>> -> memref<1x125xi32, #tpu.memory_space<vmem>>
    %dma_start3A_26 = tpu.memref_squeeze %dma_start3A_25 : memref<1x125xi32, #tpu.memory_space<vmem>> -> memref<125xi32, #tpu.memory_space<vmem>>
    %dma_start3A_27 = arith.constant 0 : i32
    %dma_start3A_28 = arith.constant 0 : i32
    %dma_start3A_29 = tpu.memref_slice %arg2[%dma_start3A_27, %dma_start3A_28] : memref<10000x128xf32, #tpu.memory_space<hbm>> -> memref<10000x128xf32, #tpu.memory_space<hbm>>
    tpu.enqueue_indirect_dma source(%dma_start3A_29 : memref<10000x128xf32, #tpu.memory_space<hbm>>) target(%arg7 : memref<125x128xf32, #tpu.memory_space<vmem>>) offsets(%dma_start3A_26 : memref<125xi32, #tpu.memory_space<vmem>>) semaphore(%arg10 : memref<!tpu.dma_semaphore, #tpu.memory_space<semaphore_mem>>)
    %scan3A_30 = arith.constant 0 : i32
    %scan3A_31 = arith.constant 0 : i32
    %scan3A_32 = arith.constant 40 : i32
    %scan3A_33 = arith.addi %scan3A_31, %scan3A_32 : i32
    %scan3A_34 = arith.constant 1 : i32
    scf.for %scan3A_57 = %scan3A_31 to %scan3A_33 step %scan3A_34  : i32 {
      %mul3A_58 = arith.constant 2 : i32
      %mul3A_59 = arith.muli %mul3A_58, %scan3A_57 : i32
      %eq3A = arith.constant 20 : i32
      %eq3A_60 = arith.cmpi eq, %scan3A_57, %eq3A : i32
      %convert_element_type3A = arith.extui %eq3A_60 : i1 to i32
      %cond3A = arith.constant 0 : i32
      %cond3A_61 = arith.cmpi ne, %convert_element_type3A, %cond3A : i32
      scf.if %cond3A_61 {
        %mul3A_91 = arith.constant 80 : i32
        %mul3A_92 = arith.muli %add3A, %mul3A_91 : i32
        %add3A_93 = arith.constant 40 : i32
        %add3A_94 = arith.addi %mul3A_92, %add3A_93 : i32
        %run_scoped3A_95 = arith.constant 1 : i32
        "tpu.region"() ({
          %run_scoped3A_96 = tpu.sem_alloc : memref<!tpu.dma_semaphore, #tpu.memory_space<semaphore_mem>>
          %dma_start3A_97 = arith.constant 0 : i32
          %dma_start3A_98 = tpu.memref_slice %arg3[%run_scoped3A_95, %add3A_94, %dma_start3A_97] : memref<2x2560x125xi32, #tpu.memory_space<hbm>> -> memref<1x40x125xi32, #tpu.memory_space<hbm>>
          %dma_start3A_99 = tpu.memref_squeeze %dma_start3A_98 : memref<1x40x125xi32, #tpu.memory_space<hbm>> -> memref<40x125xi32, #tpu.memory_space<hbm>>
          %dma_start3A_100 = arith.constant 0 : i32
          %dma_start3A_101 = tpu.memref_slice %arg3[%run_scoped3A_95, %add3A_94, %dma_start3A_100] : memref<2x2560x125xi32, #tpu.memory_space<hbm>> -> memref<1x40x125xi32, #tpu.memory_space<hbm>>
          %dma_start3A_102 = tpu.memref_squeeze %dma_start3A_101 : memref<1x40x125xi32, #tpu.memory_space<hbm>> -> memref<40x125xi32, #tpu.memory_space<hbm>>
          tpu.enqueue_dma source(%dma_start3A_102 : memref<40x125xi32, #tpu.memory_space<hbm>>) target(%arg6 : memref<40x125xi32, #tpu.memory_space<vmem>>) target_semaphore(%run_scoped3A_96 : memref<!tpu.dma_semaphore, #tpu.memory_space<semaphore_mem>>)
          %dma_wait3A_103 = arith.constant 0 : i32
          %dma_wait3A_104 = tpu.memref_slice %arg3[%run_scoped3A_95, %add3A_94, %dma_wait3A_103] : memref<2x2560x125xi32, #tpu.memory_space<hbm>> -> memref<1x40x125xi32, #tpu.memory_space<hbm>>
          %dma_wait3A_105 = tpu.memref_squeeze %dma_wait3A_104 : memref<1x40x125xi32, #tpu.memory_space<hbm>> -> memref<40x125xi32, #tpu.memory_space<hbm>>
          %dma_wait3A_106 = arith.constant 0 : i32
          %dma_wait3A_107 = tpu.memref_slice %arg3[%run_scoped3A_95, %add3A_94, %dma_wait3A_106] : memref<2x2560x125xi32, #tpu.memory_space<hbm>> -> memref<1x40x125xi32, #tpu.memory_space<hbm>>
          %dma_wait3A_108 = tpu.memref_squeeze %dma_wait3A_107 : memref<1x40x125xi32, #tpu.memory_space<hbm>> -> memref<40x125xi32, #tpu.memory_space<hbm>>
          tpu.wait_dma2 semaphore(%run_scoped3A_96 : memref<!tpu.dma_semaphore, #tpu.memory_space<semaphore_mem>>) src(%dma_wait3A_108 : memref<40x125xi32, #tpu.memory_space<hbm>>) dst(%arg6 : memref<40x125xi32, #tpu.memory_space<vmem>>)
          tpu.yield
        }) : () -> ()
      } else {
      }
      %ge3A = arith.constant 40 : i32
      %ge3A_62 = arith.cmpi sge, %mul3A_59, %ge3A : i32
      %sub3A = arith.constant 40 : i32
      %sub3A_63 = arith.subi %mul3A_59, %sub3A : i32
      %select_n3A = arith.select %ge3A_62, %sub3A_63, %mul3A_59 : i32
      %add3A_64 = arith.constant 1 : i32
      %add3A_65 = arith.addi %mul3A_59, %add3A_64 : i32
      %dma_start3A_66 = arith.constant 0 : i32
      %dma_start3A_67 = tpu.memref_slice %arg5[%add3A_65, %dma_start3A_66] : memref<80x125xi32, #tpu.memory_space<vmem>> -> memref<1x125xi32, #tpu.memory_space<vmem>>
      %dma_start3A_68 = tpu.memref_squeeze %dma_start3A_67 : memref<1x125xi32, #tpu.memory_space<vmem>> -> memref<125xi32, #tpu.memory_space<vmem>>
      %dma_start3A_69 = arith.constant 0 : i32
      %dma_start3A_70 = arith.constant 0 : i32
      %dma_start3A_71 = tpu.memref_slice %arg2[%dma_start3A_69, %dma_start3A_70] : memref<10000x128xf32, #tpu.memory_space<hbm>> -> memref<10000x128xf32, #tpu.memory_space<hbm>>
      tpu.enqueue_indirect_dma source(%dma_start3A_71 : memref<10000x128xf32, #tpu.memory_space<hbm>>) target(%arg8 : memref<125x128xf32, #tpu.memory_space<vmem>>) offsets(%dma_start3A_68 : memref<125xi32, #tpu.memory_space<vmem>>) semaphore(%arg11 : memref<!tpu.dma_semaphore, #tpu.memory_space<semaphore_mem>>)
      %dma_wait3A = arith.constant 0 : i32
      %dma_wait3A_72 = arith.constant 0 : i32
      %dma_wait3A_73 = tpu.memref_slice %arg2[%dma_wait3A, %dma_wait3A_72] : memref<10000x128xf32, #tpu.memory_space<hbm>> -> memref<125x128xf32, #tpu.memory_space<hbm>>
      %dma_wait3A_74 = arith.constant 0 : i32
      %dma_wait3A_75 = arith.constant 0 : i32
      %dma_wait3A_76 = tpu.memref_slice %arg2[%dma_wait3A_74, %dma_wait3A_75] : memref<10000x128xf32, #tpu.memory_space<hbm>> -> memref<125x128xf32, #tpu.memory_space<hbm>>
      tpu.wait_dma2 semaphore(%arg10 : memref<!tpu.dma_semaphore, #tpu.memory_space<semaphore_mem>>) src(%dma_wait3A_76 : memref<125x128xf32, #tpu.memory_space<hbm>>) dst(%arg7 : memref<125x128xf32, #tpu.memory_space<vmem>>)
      "tpu.region"() ({
        %run_scoped3A_91 = tpu.sem_alloc : memref<!tpu.dma_semaphore, #tpu.memory_space<semaphore_mem>>
        %dma_start3A_92 = arith.constant 0 : i32
        %dma_start3A_93 = tpu.memref_slice %arg6[%select_n3A, %dma_start3A_92] : memref<40x125xi32, #tpu.memory_space<vmem>> -> memref<1x125xi32, #tpu.memory_space<vmem>>
        %dma_start3A_94 = tpu.memref_squeeze %dma_start3A_93 : memref<1x125xi32, #tpu.memory_space<vmem>> -> memref<125xi32, #tpu.memory_space<vmem>>
        %dma_start3A_95 = arith.constant 0 : i32
        %dma_start3A_96 = arith.constant 0 : i32
        %dma_start3A_97 = tpu.memref_slice %arg9[%dma_start3A_95, %dma_start3A_96] : memref<10000x128xf32, #tpu.memory_space<vmem_shared>> -> memref<10000x128xf32, #tpu.memory_space<vmem_shared>>
        tpu.enqueue_indirect_dma source(%arg7 : memref<125x128xf32, #tpu.memory_space<vmem>>) target(%dma_start3A_97 : memref<10000x128xf32, #tpu.memory_space<vmem_shared>>) offsets(%dma_start3A_94 : memref<125xi32, #tpu.memory_space<vmem>>) semaphore(%run_scoped3A_91 : memref<!tpu.dma_semaphore, #tpu.memory_space<semaphore_mem>>) {add = true}
        %dma_wait3A_98 = arith.constant 0 : i32
        %dma_wait3A_99 = tpu.memref_slice %arg6[%select_n3A, %dma_wait3A_98] : memref<40x125xi32, #tpu.memory_space<vmem>> -> memref<1x125xi32, #tpu.memory_space<vmem>>
        %dma_wait3A_100 = tpu.memref_squeeze %dma_wait3A_99 : memref<1x125xi32, #tpu.memory_space<vmem>> -> memref<125xi32, #tpu.memory_space<vmem>>
        %dma_wait3A_101 = arith.constant 0 : i32
        %dma_wait3A_102 = arith.constant 0 : i32
        %dma_wait3A_103 = tpu.memref_slice %arg9[%dma_wait3A_101, %dma_wait3A_102] : memref<10000x128xf32, #tpu.memory_space<vmem_shared>> -> memref<10000x128xf32, #tpu.memory_space<vmem_shared>>
        tpu.wait_indirect_dma semaphore(%run_scoped3A_91 : memref<!tpu.dma_semaphore, #tpu.memory_space<semaphore_mem>>) src(%arg7 : memref<125x128xf32, #tpu.memory_space<vmem>>) dst(%dma_wait3A_103 : memref<10000x128xf32, #tpu.memory_space<vmem_shared>>)
        tpu.yield
      }) : () -> ()
      %add3A_77 = arith.constant 2 : i32
      %add3A_78 = arith.addi %mul3A_59, %add3A_77 : i32
      %lt3A = arith.constant 80 : i32
      %lt3A_79 = arith.cmpi slt, %add3A_78, %lt3A : i32
      %convert_element_type3A_80 = arith.extui %lt3A_79 : i1 to i32
      %cond3A_81 = arith.constant 0 : i32
      %cond3A_82 = arith.cmpi ne, %convert_element_type3A_80, %cond3A_81 : i32
      scf.if %cond3A_82 {
        %add3A_91 = arith.constant 2 : i32
        %add3A_92 = arith.addi %mul3A_59, %add3A_91 : i32
        %dma_start3A_93 = arith.constant 0 : i32
        %dma_start3A_94 = tpu.memref_slice %arg5[%add3A_92, %dma_start3A_93] : memref<80x125xi32, #tpu.memory_space<vmem>> -> memref<1x125xi32, #tpu.memory_space<vmem>>
        %dma_start3A_95 = tpu.memref_squeeze %dma_start3A_94 : memref<1x125xi32, #tpu.memory_space<vmem>> -> memref<125xi32, #tpu.memory_space<vmem>>
        %dma_start3A_96 = arith.constant 0 : i32
        %dma_start3A_97 = arith.constant 0 : i32
        %dma_start3A_98 = tpu.memref_slice %arg2[%dma_start3A_96, %dma_start3A_97] : memref<10000x128xf32, #tpu.memory_space<hbm>> -> memref<10000x128xf32, #tpu.memory_space<hbm>>
        tpu.enqueue_indirect_dma source(%dma_start3A_98 : memref<10000x128xf32, #tpu.memory_space<hbm>>) target(%arg7 : memref<125x128xf32, #tpu.memory_space<vmem>>) offsets(%dma_start3A_95 : memref<125xi32, #tpu.memory_space<vmem>>) semaphore(%arg10 : memref<!tpu.dma_semaphore, #tpu.memory_space<semaphore_mem>>)
      } else {
      }
      %dma_wait3A_83 = arith.constant 0 : i32
      %dma_wait3A_84 = arith.constant 0 : i32
      %dma_wait3A_85 = tpu.memref_slice %arg2[%dma_wait3A_83, %dma_wait3A_84] : memref<10000x128xf32, #tpu.memory_space<hbm>> -> memref<125x128xf32, #tpu.memory_space<hbm>>
      %dma_wait3A_86 = arith.constant 0 : i32
      %dma_wait3A_87 = arith.constant 0 : i32
      %dma_wait3A_88 = tpu.memref_slice %arg2[%dma_wait3A_86, %dma_wait3A_87] : memref<10000x128xf32, #tpu.memory_space<hbm>> -> memref<125x128xf32, #tpu.memory_space<hbm>>
      tpu.wait_dma2 semaphore(%arg11 : memref<!tpu.dma_semaphore, #tpu.memory_space<semaphore_mem>>) src(%dma_wait3A_88 : memref<125x128xf32, #tpu.memory_space<hbm>>) dst(%arg8 : memref<125x128xf32, #tpu.memory_space<vmem>>)
      %add3A_89 = arith.constant 1 : i32
      %add3A_90 = arith.addi %select_n3A, %add3A_89 : i32
      "tpu.region"() ({
        %run_scoped3A_91 = tpu.sem_alloc : memref<!tpu.dma_semaphore, #tpu.memory_space<semaphore_mem>>
        %dma_start3A_92 = arith.constant 0 : i32
        %dma_start3A_93 = tpu.memref_slice %arg6[%add3A_90, %dma_start3A_92] : memref<40x125xi32, #tpu.memory_space<vmem>> -> memref<1x125xi32, #tpu.memory_space<vmem>>
        %dma_start3A_94 = tpu.memref_squeeze %dma_start3A_93 : memref<1x125xi32, #tpu.memory_space<vmem>> -> memref<125xi32, #tpu.memory_space<vmem>>
        %dma_start3A_95 = arith.constant 0 : i32
        %dma_start3A_96 = arith.constant 0 : i32
        %dma_start3A_97 = tpu.memref_slice %arg9[%dma_start3A_95, %dma_start3A_96] : memref<10000x128xf32, #tpu.memory_space<vmem_shared>> -> memref<10000x128xf32, #tpu.memory_space<vmem_shared>>
        tpu.enqueue_indirect_dma source(%arg8 : memref<125x128xf32, #tpu.memory_space<vmem>>) target(%dma_start3A_97 : memref<10000x128xf32, #tpu.memory_space<vmem_shared>>) offsets(%dma_start3A_94 : memref<125xi32, #tpu.memory_space<vmem>>) semaphore(%run_scoped3A_91 : memref<!tpu.dma_semaphore, #tpu.memory_space<semaphore_mem>>) {add = true}
        %dma_wait3A_98 = arith.constant 0 : i32
        %dma_wait3A_99 = tpu.memref_slice %arg6[%add3A_90, %dma_wait3A_98] : memref<40x125xi32, #tpu.memory_space<vmem>> -> memref<1x125xi32, #tpu.memory_space<vmem>>
        %dma_wait3A_100 = tpu.memref_squeeze %dma_wait3A_99 : memref<1x125xi32, #tpu.memory_space<vmem>> -> memref<125xi32, #tpu.memory_space<vmem>>
        %dma_wait3A_101 = arith.constant 0 : i32
        %dma_wait3A_102 = arith.constant 0 : i32
        %dma_wait3A_103 = tpu.memref_slice %arg9[%dma_wait3A_101, %dma_wait3A_102] : memref<10000x128xf32, #tpu.memory_space<vmem_shared>> -> memref<10000x128xf32, #tpu.memory_space<vmem_shared>>
        tpu.wait_indirect_dma semaphore(%run_scoped3A_91 : memref<!tpu.dma_semaphore, #tpu.memory_space<semaphore_mem>>) src(%arg8 : memref<125x128xf32, #tpu.memory_space<vmem>>) dst(%dma_wait3A_103 : memref<10000x128xf32, #tpu.memory_space<vmem_shared>>)
        tpu.yield
      }) : () -> ()
    }
    %scan3A_35 = arith.constant 40 : i32
    %barrier3A_36 = arith.constant 0 : index
    tpu.barrier barrier_id(%barrier3A_36)
    %add3A_37 = arith.constant 0 : i32
    %add3A_38 = arith.addi %mul3A_8, %add3A_37 : i32
    %add3A_39 = arith.constant 0 : i32
    %add3A_40 = arith.addi %mul3A_8, %add3A_39 : i32
    "tpu.region"() ({
      %run_scoped3A_57 = tpu.sem_alloc : memref<!tpu.dma_semaphore, #tpu.memory_space<semaphore_mem>>
      %dma_start3A_58 = arith.constant 0 : i32
      %dma_start3A_59 = tpu.memref_slice %arg4[%arg0, %add3A_40, %dma_start3A_58] : memref<2x10000x128xf32, #tpu.memory_space<hbm>> -> memref<1x125x128xf32, #tpu.memory_space<hbm>>
      %dma_start3A_60 = tpu.memref_squeeze %dma_start3A_59 : memref<1x125x128xf32, #tpu.memory_space<hbm>> -> memref<125x128xf32, #tpu.memory_space<hbm>>
      %dma_start3A_61 = arith.constant 0 : i32
      %dma_start3A_62 = tpu.memref_slice %arg9[%add3A_38, %dma_start3A_61] : memref<10000x128xf32, #tpu.memory_space<vmem_shared>> -> memref<125x128xf32, #tpu.memory_space<vmem_shared>>
      tpu.enqueue_dma source(%dma_start3A_62 : memref<125x128xf32, #tpu.memory_space<vmem_shared>>) target(%dma_start3A_60 : memref<125x128xf32, #tpu.memory_space<hbm>>) target_semaphore(%run_scoped3A_57 : memref<!tpu.dma_semaphore, #tpu.memory_space<semaphore_mem>>)
      %dma_wait3A = arith.constant 0 : i32
      %dma_wait3A_63 = tpu.memref_slice %arg4[%arg0, %add3A_40, %dma_wait3A] : memref<2x10000x128xf32, #tpu.memory_space<hbm>> -> memref<1x125x128xf32, #tpu.memory_space<hbm>>
      %dma_wait3A_64 = tpu.memref_squeeze %dma_wait3A_63 : memref<1x125x128xf32, #tpu.memory_space<hbm>> -> memref<125x128xf32, #tpu.memory_space<hbm>>
      %dma_wait3A_65 = arith.constant 0 : i32
      %dma_wait3A_66 = tpu.memref_slice %arg9[%add3A_38, %dma_wait3A_65] : memref<10000x128xf32, #tpu.memory_space<vmem_shared>> -> memref<125x128xf32, #tpu.memory_space<vmem_shared>>
      tpu.wait_dma2 semaphore(%run_scoped3A_57 : memref<!tpu.dma_semaphore, #tpu.memory_space<semaphore_mem>>) src(%dma_wait3A_66 : memref<125x128xf32, #tpu.memory_space<vmem_shared>>) dst(%dma_wait3A_64 : memref<125x128xf32, #tpu.memory_space<hbm>>)
      tpu.yield
    }) : () -> ()
    %add3A_41 = arith.constant 125 : i32
    %add3A_42 = arith.addi %mul3A_8, %add3A_41 : i32
    %add3A_43 = arith.constant 125 : i32
    %add3A_44 = arith.addi %mul3A_8, %add3A_43 : i32
    "tpu.region"() ({
      %run_scoped3A_57 = tpu.sem_alloc : memref<!tpu.dma_semaphore, #tpu.memory_space<semaphore_mem>>
      %dma_start3A_58 = arith.constant 0 : i32
      %dma_start3A_59 = tpu.memref_slice %arg4[%arg0, %add3A_44, %dma_start3A_58] : memref<2x10000x128xf32, #tpu.memory_space<hbm>> -> memref<1x125x128xf32, #tpu.memory_space<hbm>>
      %dma_start3A_60 = tpu.memref_squeeze %dma_start3A_59 : memref<1x125x128xf32, #tpu.memory_space<hbm>> -> memref<125x128xf32, #tpu.memory_space<hbm>>
      %dma_start3A_61 = arith.constant 0 : i32
      %dma_start3A_62 = tpu.memref_slice %arg9[%add3A_42, %dma_start3A_61] : memref<10000x128xf32, #tpu.memory_space<vmem_shared>> -> memref<125x128xf32, #tpu.memory_space<vmem_shared>>
      tpu.enqueue_dma source(%dma_start3A_62 : memref<125x128xf32, #tpu.memory_space<vmem_shared>>) target(%dma_start3A_60 : memref<125x128xf32, #tpu.memory_space<hbm>>) target_semaphore(%run_scoped3A_57 : memref<!tpu.dma_semaphore, #tpu.memory_space<semaphore_mem>>)
      %dma_wait3A = arith.constant 0 : i32
      %dma_wait3A_63 = tpu.memref_slice %arg4[%arg0, %add3A_44, %dma_wait3A] : memref<2x10000x128xf32, #tpu.memory_space<hbm>> -> memref<1x125x128xf32, #tpu.memory_space<hbm>>
      %dma_wait3A_64 = tpu.memref_squeeze %dma_wait3A_63 : memref<1x125x128xf32, #tpu.memory_space<hbm>> -> memref<125x128xf32, #tpu.memory_space<hbm>>
      %dma_wait3A_65 = arith.constant 0 : i32
      %dma_wait3A_66 = tpu.memref_slice %arg9[%add3A_42, %dma_wait3A_65] : memref<10000x128xf32, #tpu.memory_space<vmem_shared>> -> memref<125x128xf32, #tpu.memory_space<vmem_shared>>
      tpu.wait_dma2 semaphore(%run_scoped3A_57 : memref<!tpu.dma_semaphore, #tpu.memory_space<semaphore_mem>>) src(%dma_wait3A_66 : memref<125x128xf32, #tpu.memory_space<vmem_shared>>) dst(%dma_wait3A_64 : memref<125x128xf32, #tpu.memory_space<hbm>>)
      tpu.yield
    }) : () -> ()
    %add3A_45 = arith.constant 250 : i32
    %add3A_46 = arith.addi %mul3A_8, %add3A_45 : i32
    %add3A_47 = arith.constant 250 : i32
    %add3A_48 = arith.addi %mul3A_8, %add3A_47 : i32
    "tpu.region"() ({
      %run_scoped3A_57 = tpu.sem_alloc : memref<!tpu.dma_semaphore, #tpu.memory_space<semaphore_mem>>
      %dma_start3A_58 = arith.constant 0 : i32
      %dma_start3A_59 = tpu.memref_slice %arg4[%arg0, %add3A_48, %dma_start3A_58] : memref<2x10000x128xf32, #tpu.memory_space<hbm>> -> memref<1x125x128xf32, #tpu.memory_space<hbm>>
      %dma_start3A_60 = tpu.memref_squeeze %dma_start3A_59 : memref<1x125x128xf32, #tpu.memory_space<hbm>> -> memref<125x128xf32, #tpu.memory_space<hbm>>
      %dma_start3A_61 = arith.constant 0 : i32
      %dma_start3A_62 = tpu.memref_slice %arg9[%add3A_46, %dma_start3A_61] : memref<10000x128xf32, #tpu.memory_space<vmem_shared>> -> memref<125x128xf32, #tpu.memory_space<vmem_shared>>
      tpu.enqueue_dma source(%dma_start3A_62 : memref<125x128xf32, #tpu.memory_space<vmem_shared>>) target(%dma_start3A_60 : memref<125x128xf32, #tpu.memory_space<hbm>>) target_semaphore(%run_scoped3A_57 : memref<!tpu.dma_semaphore, #tpu.memory_space<semaphore_mem>>)
      %dma_wait3A = arith.constant 0 : i32
      %dma_wait3A_63 = tpu.memref_slice %arg4[%arg0, %add3A_48, %dma_wait3A] : memref<2x10000x128xf32, #tpu.memory_space<hbm>> -> memref<1x125x128xf32, #tpu.memory_space<hbm>>
      %dma_wait3A_64 = tpu.memref_squeeze %dma_wait3A_63 : memref<1x125x128xf32, #tpu.memory_space<hbm>> -> memref<125x128xf32, #tpu.memory_space<hbm>>
      %dma_wait3A_65 = arith.constant 0 : i32
      %dma_wait3A_66 = tpu.memref_slice %arg9[%add3A_46, %dma_wait3A_65] : memref<10000x128xf32, #tpu.memory_space<vmem_shared>> -> memref<125x128xf32, #tpu.memory_space<vmem_shared>>
      tpu.wait_dma2 semaphore(%run_scoped3A_57 : memref<!tpu.dma_semaphore, #tpu.memory_space<semaphore_mem>>) src(%dma_wait3A_66 : memref<125x128xf32, #tpu.memory_space<vmem_shared>>) dst(%dma_wait3A_64 : memref<125x128xf32, #tpu.memory_space<hbm>>)
      tpu.yield
    }) : () -> ()
    %add3A_49 = arith.constant 375 : i32
    %add3A_50 = arith.addi %mul3A_8, %add3A_49 : i32
    %add3A_51 = arith.constant 375 : i32
    %add3A_52 = arith.addi %mul3A_8, %add3A_51 : i32
    "tpu.region"() ({
      %run_scoped3A_57 = tpu.sem_alloc : memref<!tpu.dma_semaphore, #tpu.memory_space<semaphore_mem>>
      %dma_start3A_58 = arith.constant 0 : i32
      %dma_start3A_59 = tpu.memref_slice %arg4[%arg0, %add3A_52, %dma_start3A_58] : memref<2x10000x128xf32, #tpu.memory_space<hbm>> -> memref<1x125x128xf32, #tpu.memory_space<hbm>>
      %dma_start3A_60 = tpu.memref_squeeze %dma_start3A_59 : memref<1x125x128xf32, #tpu.memory_space<hbm>> -> memref<125x128xf32, #tpu.memory_space<hbm>>
      %dma_start3A_61 = arith.constant 0 : i32
      %dma_start3A_62 = tpu.memref_slice %arg9[%add3A_50, %dma_start3A_61] : memref<10000x128xf32, #tpu.memory_space<vmem_shared>> -> memref<125x128xf32, #tpu.memory_space<vmem_shared>>
      tpu.enqueue_dma source(%dma_start3A_62 : memref<125x128xf32, #tpu.memory_space<vmem_shared>>) target(%dma_start3A_60 : memref<125x128xf32, #tpu.memory_space<hbm>>) target_semaphore(%run_scoped3A_57 : memref<!tpu.dma_semaphore, #tpu.memory_space<semaphore_mem>>)
      %dma_wait3A = arith.constant 0 : i32
      %dma_wait3A_63 = tpu.memref_slice %arg4[%arg0, %add3A_52, %dma_wait3A] : memref<2x10000x128xf32, #tpu.memory_space<hbm>> -> memref<1x125x128xf32, #tpu.memory_space<hbm>>
      %dma_wait3A_64 = tpu.memref_squeeze %dma_wait3A_63 : memref<1x125x128xf32, #tpu.memory_space<hbm>> -> memref<125x128xf32, #tpu.memory_space<hbm>>
      %dma_wait3A_65 = arith.constant 0 : i32
      %dma_wait3A_66 = tpu.memref_slice %arg9[%add3A_50, %dma_wait3A_65] : memref<10000x128xf32, #tpu.memory_space<vmem_shared>> -> memref<125x128xf32, #tpu.memory_space<vmem_shared>>
      tpu.wait_dma2 semaphore(%run_scoped3A_57 : memref<!tpu.dma_semaphore, #tpu.memory_space<semaphore_mem>>) src(%dma_wait3A_66 : memref<125x128xf32, #tpu.memory_space<vmem_shared>>) dst(%dma_wait3A_64 : memref<125x128xf32, #tpu.memory_space<hbm>>)
      tpu.yield
    }) : () -> ()
    %add3A_53 = arith.constant 500 : i32
    %add3A_54 = arith.addi %mul3A_8, %add3A_53 : i32
    %add3A_55 = arith.constant 500 : i32
    %add3A_56 = arith.addi %mul3A_8, %add3A_55 : i32
    "tpu.region"() ({
      %run_scoped3A_57 = tpu.sem_alloc : memref<!tpu.dma_semaphore, #tpu.memory_space<semaphore_mem>>
      %dma_start3A_58 = arith.constant 0 : i32
      %dma_start3A_59 = tpu.memref_slice %arg4[%arg0, %add3A_56, %dma_start3A_58] : memref<2x10000x128xf32, #tpu.memory_space<hbm>> -> memref<1x125x128xf32, #tpu.memory_space<hbm>>
      %dma_start3A_60 = tpu.memref_squeeze %dma_start3A_59 : memref<1x125x128xf32, #tpu.memory_space<hbm>> -> memref<125x128xf32, #tpu.memory_space<hbm>>
      %dma_start3A_61 = arith.constant 0 : i32
      %dma_start3A_62 = tpu.memref_slice %arg9[%add3A_54, %dma_start3A_61] : memref<10000x128xf32, #tpu.memory_space<vmem_shared>> -> memref<125x128xf32, #tpu.memory_space<vmem_shared>>
      tpu.enqueue_dma source(%dma_start3A_62 : memref<125x128xf32, #tpu.memory_space<vmem_shared>>) target(%dma_start3A_60 : memref<125x128xf32, #tpu.memory_space<hbm>>) target_semaphore(%run_scoped3A_57 : memref<!tpu.dma_semaphore, #tpu.memory_space<semaphore_mem>>)
      %dma_wait3A = arith.constant 0 : i32
      %dma_wait3A_63 = tpu.memref_slice %arg4[%arg0, %add3A_56, %dma_wait3A] : memref<2x10000x128xf32, #tpu.memory_space<hbm>> -> memref<1x125x128xf32, #tpu.memory_space<hbm>>
      %dma_wait3A_64 = tpu.memref_squeeze %dma_wait3A_63 : memref<1x125x128xf32, #tpu.memory_space<hbm>> -> memref<125x128xf32, #tpu.memory_space<hbm>>
      %dma_wait3A_65 = arith.constant 0 : i32
      %dma_wait3A_66 = tpu.memref_slice %arg9[%add3A_54, %dma_wait3A_65] : memref<10000x128xf32, #tpu.memory_space<vmem_shared>> -> memref<125x128xf32, #tpu.memory_space<vmem_shared>>
      tpu.wait_dma2 semaphore(%run_scoped3A_57 : memref<!tpu.dma_semaphore, #tpu.memory_space<semaphore_mem>>) src(%dma_wait3A_66 : memref<125x128xf32, #tpu.memory_space<vmem_shared>>) dst(%dma_wait3A_64 : memref<125x128xf32, #tpu.memory_space<hbm>>)
      tpu.yield
    }) : () -> ()
    return
  }
}

#map = affine_map<(d0, d1) -> (0)>
#map1 = affine_map<(d0, d1) -> (0, 0)>
module attributes {stable_mosaic.version = 14 : i64} {
  func.func @_sc_degree(%arg0: i32, %arg1: i32, %arg2: memref<320000xi32, #tpu.memory_space<hbm>>, %arg3: memref<32x10240xf32, #tpu.memory_space<hbm>>, %arg4: memref<10000xi32, #tpu.memory_space<vmem>>, %arg5: memref<10240xf32, #tpu.memory_space<vmem>>) attributes {dimension_semantics = [#tpu.dimension_semantics<core_parallel>, #tpu.dimension_semantics<subcore_parallel>], iteration_bounds = array<i64: 2, 16>, scalar_prefetch = 0 : i64, scratch_operands = 2 : i64, tpu.core_type = #tpu.core_type<sc_vector_subcore>, window_params = [{transform_indices = #map}, {transform_indices = #map1}]} {
    %mul3A = arith.constant 16 : i32
    %mul3A_0 = arith.muli %arg0, %mul3A : i32
    %add3A = arith.addi %mul3A_0, %arg1 : i32
    %broadcast_in_dim3A = arith.constant 0.000000e+00 : f32
    %broadcast_in_dim3A_1 = vector.broadcast %broadcast_in_dim3A : f32 to vector<16xf32>
    %scan3A = arith.constant 0 : i32
    %scan3A_2 = arith.constant 0 : i32
    %scan3A_3 = arith.constant 640 : i32
    %scan3A_4 = arith.addi %scan3A_2, %scan3A_3 : i32
    %scan3A_5 = arith.constant 1 : i32
    scf.for %scan3A_17 = %scan3A_2 to %scan3A_4 step %scan3A_5  : i32 {
      %mul3A_18 = arith.constant 16 : i32
      %mul3A_19 = arith.muli %scan3A_17, %mul3A_18 : i32
      %swap3A = arith.index_cast %mul3A_19 : i32 to index
      %swap3A_20 = tpu.vector_load %arg5[%swap3A] {strides = array<i32>} : memref<10240xf32, #tpu.memory_space<vmem>>, vector<16xf32>,
      tpu.vector_store %arg5[%swap3A], %broadcast_in_dim3A_1 {strides = array<i32>} : memref<10240xf32, #tpu.memory_space<vmem>>, vector<16xf32>,
    }
    %scan3A_6 = arith.constant 640 : i32
    %mul3A_7 = arith.constant 10000 : i32
    %mul3A_8 = arith.muli %add3A, %mul3A_7 : i32
    "tpu.region"() ({
      %run_scoped3A = tpu.sem_alloc : memref<!tpu.dma_semaphore, #tpu.memory_space<semaphore_mem>>
      %dma_start3A = tpu.memref_slice %arg2[%mul3A_8] : memref<320000xi32, #tpu.memory_space<hbm>> -> memref<10000xi32, #tpu.memory_space<hbm>>
      %dma_start3A_17 = tpu.memref_slice %arg2[%mul3A_8] : memref<320000xi32, #tpu.memory_space<hbm>> -> memref<10000xi32, #tpu.memory_space<hbm>>
      tpu.enqueue_dma source(%dma_start3A_17 : memref<10000xi32, #tpu.memory_space<hbm>>) target(%arg4 : memref<10000xi32, #tpu.memory_space<vmem>>) target_semaphore(%run_scoped3A : memref<!tpu.dma_semaphore, #tpu.memory_space<semaphore_mem>>)
      %dma_wait3A = tpu.memref_slice %arg2[%mul3A_8] : memref<320000xi32, #tpu.memory_space<hbm>> -> memref<10000xi32, #tpu.memory_space<hbm>>
      %dma_wait3A_18 = tpu.memref_slice %arg2[%mul3A_8] : memref<320000xi32, #tpu.memory_space<hbm>> -> memref<10000xi32, #tpu.memory_space<hbm>>
      tpu.wait_dma2 semaphore(%run_scoped3A : memref<!tpu.dma_semaphore, #tpu.memory_space<semaphore_mem>>) src(%dma_wait3A_18 : memref<10000xi32, #tpu.memory_space<hbm>>) dst(%arg4 : memref<10000xi32, #tpu.memory_space<vmem>>)
      tpu.yield
    }) : () -> ()
    %broadcast_in_dim3A_9 = arith.constant 1.000000e+00 : f32
    %broadcast_in_dim3A_10 = vector.broadcast %broadcast_in_dim3A_9 : f32 to vector<16xf32>
    %scan3A_11 = arith.constant 0 : i32
    %scan3A_12 = arith.constant 0 : i32
    %scan3A_13 = arith.constant 625 : i32
    %scan3A_14 = arith.addi %scan3A_12, %scan3A_13 : i32
    %scan3A_15 = arith.constant 1 : i32
    scf.for %scan3A_17 = %scan3A_12 to %scan3A_14 step %scan3A_15  : i32 {
      %mul3A_18 = arith.constant 16 : i32
      %mul3A_19 = arith.muli %scan3A_17, %mul3A_18 : i32
      %get3A = arith.index_cast %mul3A_19 : i32 to index
      %get3A_20 = tpu.vector_load %arg4[%get3A] {strides = array<i32>} : memref<10000xi32, #tpu.memory_space<vmem>>, vector<16xi32>,
      tpu.vector_store_idx %arg5[%get3A_20], %broadcast_in_dim3A_10 {add = true} : memref<10240xf32, #tpu.memory_space<vmem>>[vector<16xi32>], vector<16xf32>,
    }
    %scan3A_16 = arith.constant 625 : i32
    "tpu.region"() ({
      %run_scoped3A = tpu.sem_alloc : memref<!tpu.dma_semaphore, #tpu.memory_space<semaphore_mem>>
      %dma_start3A = arith.constant 0 : i32
      %dma_start3A_17 = tpu.memref_slice %arg3[%add3A, %dma_start3A] : memref<32x10240xf32, #tpu.memory_space<hbm>> -> memref<1x10240xf32, #tpu.memory_space<hbm>>
      %dma_start3A_18 = tpu.memref_squeeze %dma_start3A_17 : memref<1x10240xf32, #tpu.memory_space<hbm>> -> memref<10240xf32, #tpu.memory_space<hbm>>
      %dma_start3A_19 = arith.constant 0 : i32
      %dma_start3A_20 = tpu.memref_slice %arg3[%add3A, %dma_start3A_19] : memref<32x10240xf32, #tpu.memory_space<hbm>> -> memref<1x10240xf32, #tpu.memory_space<hbm>>
      %dma_start3A_21 = tpu.memref_squeeze %dma_start3A_20 : memref<1x10240xf32, #tpu.memory_space<hbm>> -> memref<10240xf32, #tpu.memory_space<hbm>>
      tpu.enqueue_dma source(%arg5 : memref<10240xf32, #tpu.memory_space<vmem>>) target(%dma_start3A_21 : memref<10240xf32, #tpu.memory_space<hbm>>) target_semaphore(%run_scoped3A : memref<!tpu.dma_semaphore, #tpu.memory_space<semaphore_mem>>)
      %dma_wait3A = arith.constant 0 : i32
      %dma_wait3A_22 = tpu.memref_slice %arg3[%add3A, %dma_wait3A] : memref<32x10240xf32, #tpu.memory_space<hbm>> -> memref<1x10240xf32, #tpu.memory_space<hbm>>
      %dma_wait3A_23 = tpu.memref_squeeze %dma_wait3A_22 : memref<1x10240xf32, #tpu.memory_space<hbm>> -> memref<10240xf32, #tpu.memory_space<hbm>>
      %dma_wait3A_24 = arith.constant 0 : i32
      %dma_wait3A_25 = tpu.memref_slice %arg3[%add3A, %dma_wait3A_24] : memref<32x10240xf32, #tpu.memory_space<hbm>> -> memref<1x10240xf32, #tpu.memory_space<hbm>>
      %dma_wait3A_26 = tpu.memref_squeeze %dma_wait3A_25 : memref<1x10240xf32, #tpu.memory_space<hbm>> -> memref<10240xf32, #tpu.memory_space<hbm>>
      tpu.wait_dma2 semaphore(%run_scoped3A : memref<!tpu.dma_semaphore, #tpu.memory_space<semaphore_mem>>) src(%arg5 : memref<10240xf32, #tpu.memory_space<vmem>>) dst(%dma_wait3A_26 : memref<10240xf32, #tpu.memory_space<hbm>>)
      tpu.yield
    }) : () -> ()
    return
  }
}

module attributes {stable_mosaic.version = 14 : i64} {
  func.func @_tc_first_body(%arg0: i32, %arg1: memref<400x128xf32, #tpu.memory_space<vmem>>, %arg2: memref<128x128xf32, #tpu.memory_space<vmem>>, %arg3: memref<400x32xf32, #tpu.memory_space<vmem>>, %arg4: memref<400x128xf32, #tpu.memory_space<vmem>>, %arg5: memref<400x1xf32, #tpu.memory_space<vmem>>) attributes {dimension_semantics = [#tpu.dimension_semantics<arbitrary>], iteration_bounds = array<i64: 25>, scalar_prefetch = 0 : i64, scratch_operands = 0 : i64, tpu.core_type = #tpu.core_type<tc>, window_params = [{transform_indices = @transform_0, window_bounds = array<i64: 400, 128>}, {pipeline_mode = #tpu.pipeline_mode<synchronous>, transform_indices = @transform_1, window_bounds = array<i64: 128, 128>}, {transform_indices = @transform_2, window_bounds = array<i64: 400, 32>}, {transform_indices = @transform_3, window_bounds = array<i64: 400, 128>}, {transform_indices = @transform_4, window_bounds = array<i64: 400, 1>}]} {
    %get3A = arith.constant 0 : index
    %get3A_0 = arith.constant 0 : index
    %get3A_1 = vector.load %arg3[%get3A, %get3A_0] : memref<400x32xf32, #tpu.memory_space<vmem>>, vector<400x32xf32>
    %reduce_sum3A = arith.constant dense<0.000000e+00> : vector<400xf32>
    %reduce_sum3A_2 = vector.multi_reduction <add>, %get3A_1, %reduce_sum3A [1] : vector<400x32xf32> to vector<400xf32>
    %broadcast_in_dim3A = vector.shape_cast %reduce_sum3A_2 : vector<400xf32> to vector<400x1xf32>
    %add3A = arith.constant 1.000000e+00 : f32
    %add3A_3 = vector.broadcast %add3A : f32 to vector<400x1xf32>
    %add3A_4 = arith.addf %broadcast_in_dim3A, %add3A_3 : vector<400x1xf32>
    %rsqrt3A = math.rsqrt %add3A_4 : vector<400x1xf32>
    %get3A_5 = arith.constant 0 : index
    %get3A_6 = arith.constant 0 : index
    %get3A_7 = vector.load %arg1[%get3A_5, %get3A_6] : memref<400x128xf32, #tpu.memory_space<vmem>>, vector<400x128xf32>
    %get3A_8 = arith.constant 0 : index
    %get3A_9 = arith.constant 0 : index
    %get3A_10 = vector.load %arg2[%get3A_8, %get3A_9] : memref<128x128xf32, #tpu.memory_space<vmem>>, vector<128x128xf32>
    %dot_general3A = arith.constant dense<0.000000e+00> : vector<400x128xf32>
    %dot_general3A_11 = tpu.matmul %get3A_7, %get3A_10, %dot_general3A {dimension_numbers = #tpu.dot_dimension_numbers<[1], [0], [0], [1], [0, 0, 1, 1], [], []>, precision = #tpu.contract_precision<fp32>, transpose_lhs_hint = false} : vector<400x128xf32>, vector<128x128xf32>, vector<400x128xf32> -> vector<400x128xf32>
    %mul3A = vector.broadcast %rsqrt3A : vector<400x1xf32> to vector<400x128xf32>
    %mul3A_12 = arith.mulf %dot_general3A_11, %mul3A : vector<400x128xf32>
    %swap3A = arith.constant 0 : index
    %swap3A_13 = arith.constant 0 : index
    %swap3A_14 = vector.load %arg4[%swap3A, %swap3A_13] : memref<400x128xf32, #tpu.memory_space<vmem>>, vector<400x128xf32>
    tpu.vector_store %arg4[%swap3A, %swap3A_13], %mul3A_12 {strides = array<i32>} : memref<400x128xf32, #tpu.memory_space<vmem>>, vector<400x128xf32>,
    %swap3A_15 = arith.constant 0 : index
    %swap3A_16 = arith.constant 0 : index
    %swap3A_17 = vector.load %arg5[%swap3A_15, %swap3A_16] : memref<400x1xf32, #tpu.memory_space<vmem>>, vector<400x1xf32>
    tpu.vector_store %arg5[%swap3A_15, %swap3A_16], %rsqrt3A {strides = array<i32>} : memref<400x1xf32, #tpu.memory_space<vmem>>, vector<400x1xf32>,
    return
  }
  func.func @transform_0(%arg0: i32) -> (i32, i32) {
    %c0_i32 = arith.constant 0 : i32
    %c0_i32_0 = arith.constant 0 : i32
    return %arg0, %c0_i32 : i32, i32
  }
  func.func @transform_1(%arg0: i32) -> (i32, i32) {
    %c0_i32 = arith.constant 0 : i32
    %c0_i32_0 = arith.constant 0 : i32
    %c0_i32_1 = arith.constant 0 : i32
    return %c0_i32, %c0_i32_0 : i32, i32
  }
  func.func @transform_2(%arg0: i32) -> (i32, i32) {
    %c0_i32 = arith.constant 0 : i32
    %c0_i32_0 = arith.constant 0 : i32
    return %arg0, %c0_i32 : i32, i32
  }
  func.func @transform_3(%arg0: i32) -> (i32, i32) {
    %c0_i32 = arith.constant 0 : i32
    %c0_i32_0 = arith.constant 0 : i32
    return %arg0, %c0_i32 : i32, i32
  }
  func.func @transform_4(%arg0: i32) -> (i32, i32) {
    %c0_i32 = arith.constant 0 : i32
    %c0_i32_0 = arith.constant 0 : i32
    return %arg0, %c0_i32 : i32, i32
  }
}

module attributes {stable_mosaic.version = 14 : i64} {
  func.func @_tc_postmm_body(%arg0: i32, %arg1: i32, %arg2: memref<2x400x128xf32, #tpu.memory_space<vmem>>, %arg3: memref<400x128xf32, #tpu.memory_space<vmem>>, %arg4: memref<400x1xf32, #tpu.memory_space<vmem>>, %arg5: memref<1x128xf32, #tpu.memory_space<vmem>>, %arg6: memref<1x128xf32, #tpu.memory_space<vmem>>, %arg7: memref<1x128xf32, #tpu.memory_space<vmem>>, %arg8: memref<128x128xf32, #tpu.memory_space<vmem>>, %arg9: memref<400x128xf32, #tpu.memory_space<vmem>>, %arg10: memref<10000x128xf32, #tpu.memory_space<vmem>>, %arg11: memref<2x128xf32, #tpu.memory_space<vmem>>) attributes {dimension_semantics = [#tpu.dimension_semantics<arbitrary>, #tpu.dimension_semantics<arbitrary>], iteration_bounds = array<i64: 2, 25>, scalar_prefetch = 0 : i64, scratch_operands = 2 : i64, tpu.core_type = #tpu.core_type<tc>, window_params = [{transform_indices = @transform_0, window_bounds = array<i64: 2, 400, 128>}, {transform_indices = @transform_1, window_bounds = array<i64: 400, 128>}, {transform_indices = @transform_2, window_bounds = array<i64: 400, 1>}, {pipeline_mode = #tpu.pipeline_mode<synchronous>, transform_indices = @transform_3, window_bounds = array<i64: 1, 128>}, {pipeline_mode = #tpu.pipeline_mode<synchronous>, transform_indices = @transform_4, window_bounds = array<i64: 1, 128>}, {pipeline_mode = #tpu.pipeline_mode<synchronous>, transform_indices = @transform_5, window_bounds = array<i64: 1, 128>}, {pipeline_mode = #tpu.pipeline_mode<synchronous>, transform_indices = @transform_6, window_bounds = array<i64: 128, 128>}, {transform_indices = @transform_7, window_bounds = array<i64: 400, 128>}]} {
    %eq3A = arith.constant 0 : i32
    %eq3A_0 = arith.cmpi eq, %arg0, %eq3A : i32
    %convert_element_type3A = arith.extui %eq3A_0 : i1 to i32
    %cond3A = arith.constant 0 : i32
    %cond3A_1 = arith.cmpi ne, %convert_element_type3A, %cond3A : i32
    scf.if %cond3A_1 {
      %get3A = arith.constant 0 : index
      %get3A_7 = arith.constant 0 : index
      %get3A_8 = arith.constant 0 : index
      %get3A_9 = vector.load %arg2[%get3A, %get3A_7, %get3A_8] : memref<2x400x128xf32, #tpu.memory_space<vmem>>, vector<1x400x128xf32>
      %get3A_10 = vector.shape_cast %get3A_9 : vector<1x400x128xf32> to vector<400x128xf32>
      %get3A_11 = arith.constant 1 : index
      %get3A_12 = arith.constant 0 : index
      %get3A_13 = arith.constant 0 : index
      %get3A_14 = vector.load %arg2[%get3A_11, %get3A_12, %get3A_13] : memref<2x400x128xf32, #tpu.memory_space<vmem>>, vector<1x400x128xf32>
      %get3A_15 = vector.shape_cast %get3A_14 : vector<1x400x128xf32> to vector<400x128xf32>
      %add3A = arith.addf %get3A_10, %get3A_15 : vector<400x128xf32>
      %get3A_16 = arith.constant 0 : index
      %get3A_17 = arith.constant 0 : index
      %get3A_18 = vector.load %arg3[%get3A_16, %get3A_17] : memref<400x128xf32, #tpu.memory_space<vmem>>, vector<400x128xf32>
      %add3A_19 = arith.addf %add3A, %get3A_18 : vector<400x128xf32>
      %get3A_20 = arith.constant 0 : index
      %get3A_21 = arith.constant 0 : index
      %get3A_22 = vector.load %arg4[%get3A_20, %get3A_21] : memref<400x1xf32, #tpu.memory_space<vmem>>, vector<400x1xf32>
      %mul3A = vector.broadcast %get3A_22 : vector<400x1xf32> to vector<400x128xf32>
      %mul3A_23 = arith.mulf %add3A_19, %mul3A : vector<400x128xf32>
      %get3A_24 = arith.constant 0 : index
      %get3A_25 = arith.constant 0 : index
      %get3A_26 = vector.load %arg5[%get3A_24, %get3A_25] : memref<1x128xf32, #tpu.memory_space<vmem>>, vector<1x128xf32>
      %add3A_27 = vector.broadcast %get3A_26 : vector<1x128xf32> to vector<400x128xf32>
      %add3A_28 = arith.addf %mul3A_23, %add3A_27 : vector<400x128xf32>
      %max3A = arith.constant 0.000000e+00 : f32
      %max3A_29 = vector.broadcast %max3A : f32 to vector<400x128xf32>
      %max3A_30 = arith.maximumf %add3A_28, %max3A_29 : vector<400x128xf32>
      %mul3A_31 = arith.constant 400 : i32
      %mul3A_32 = arith.muli %arg1, %mul3A_31 : i32
      %swap3A = arith.index_cast %mul3A_32 : i32 to index
      %swap3A_33 = arith.constant 0 : index
      %swap3A_34 = vector.load %arg10[%swap3A, %swap3A_33] : memref<10000x128xf32, #tpu.memory_space<vmem>>, vector<400x128xf32>
      tpu.vector_store %arg10[%swap3A, %swap3A_33], %max3A_30 {strides = array<i32>} : memref<10000x128xf32, #tpu.memory_space<vmem>>, vector<400x128xf32>,
      %reduce_sum3A = arith.constant dense<0.000000e+00> : vector<128xf32>
      %reduce_sum3A_35 = vector.multi_reduction <add>, %max3A_30, %reduce_sum3A [0] : vector<400x128xf32> to vector<128xf32>
      %broadcast_in_dim3A = vector.shape_cast %reduce_sum3A_35 : vector<128xf32> to vector<1x128xf32>
      %mul3A_36 = arith.mulf %max3A_30, %max3A_30 : vector<400x128xf32>
      %reduce_sum3A_37 = arith.constant dense<0.000000e+00> : vector<128xf32>
      %reduce_sum3A_38 = vector.multi_reduction <add>, %mul3A_36, %reduce_sum3A_37 [0] : vector<400x128xf32> to vector<128xf32>
      %broadcast_in_dim3A_39 = vector.shape_cast %reduce_sum3A_38 : vector<128xf32> to vector<1x128xf32>
      %concatenate3A = tpu.concatenate %broadcast_in_dim3A, %broadcast_in_dim3A_39 in 0 : vector<1x128xf32>, vector<1x128xf32> -> vector<2x128xf32>
      %eq3A_40 = arith.constant 0 : i32
      %eq3A_41 = arith.cmpi eq, %arg1, %eq3A_40 : i32
      %convert_element_type3A_42 = arith.extui %eq3A_41 : i1 to i32
      %cond3A_43 = arith.constant 0 : i32
      %cond3A_44 = arith.cmpi ne, %convert_element_type3A_42, %cond3A_43 : i32
      scf.if %cond3A_44 {
        %swap3A_49 = arith.constant 0 : index
        %swap3A_50 = arith.constant 0 : index
        %swap3A_51 = vector.load %arg11[%swap3A_49, %swap3A_50] : memref<2x128xf32, #tpu.memory_space<vmem>>, vector<2x128xf32>
        tpu.vector_store %arg11[%swap3A_49, %swap3A_50], %concatenate3A {strides = array<i32>} : memref<2x128xf32, #tpu.memory_space<vmem>>, vector<2x128xf32>,
      } else {
      }
      %gt3A = arith.constant 0 : i32
      %gt3A_45 = arith.cmpi sgt, %arg1, %gt3A : i32
      %convert_element_type3A_46 = arith.extui %gt3A_45 : i1 to i32
      %cond3A_47 = arith.constant 0 : i32
      %cond3A_48 = arith.cmpi ne, %convert_element_type3A_46, %cond3A_47 : i32
      scf.if %cond3A_48 {
        %get3A_49 = arith.constant 0 : index
        %get3A_50 = arith.constant 0 : index
        %get3A_51 = vector.load %arg11[%get3A_49, %get3A_50] : memref<2x128xf32, #tpu.memory_space<vmem>>, vector<2x128xf32>
        %add3A_52 = arith.addf %get3A_51, %concatenate3A : vector<2x128xf32>
        %swap3A_53 = arith.constant 0 : index
        %swap3A_54 = arith.constant 0 : index
        %swap3A_55 = vector.load %arg11[%swap3A_53, %swap3A_54] : memref<2x128xf32, #tpu.memory_space<vmem>>, vector<2x128xf32>
        tpu.vector_store %arg11[%swap3A_53, %swap3A_54], %add3A_52 {strides = array<i32>} : memref<2x128xf32, #tpu.memory_space<vmem>>, vector<2x128xf32>,
      } else {
      }
    } else {
    }
    %eq3A_2 = arith.constant 1 : i32
    %eq3A_3 = arith.cmpi eq, %arg0, %eq3A_2 : i32
    %convert_element_type3A_4 = arith.extui %eq3A_3 : i1 to i32
    %cond3A_5 = arith.constant 0 : i32
    %cond3A_6 = arith.cmpi ne, %convert_element_type3A_4, %cond3A_5 : i32
    scf.if %cond3A_6 {
      %get3A = arith.constant 0 : index
      %get3A_7 = arith.constant 0 : index
      %get3A_8 = vector.load %arg11[%get3A, %get3A_7] : memref<2x128xf32, #tpu.memory_space<vmem>>, vector<2x128xf32>
      %get3A_9 = arith.constant 0 : index
      %get3A_10 = arith.constant 0 : index
      %get3A_11 = vector.load %arg6[%get3A_9, %get3A_10] : memref<1x128xf32, #tpu.memory_space<vmem>>, vector<1x128xf32>
      %get3A_12 = arith.constant 0 : index
      %get3A_13 = arith.constant 0 : index
      %get3A_14 = vector.load %arg7[%get3A_12, %get3A_13] : memref<1x128xf32, #tpu.memory_space<vmem>>, vector<1x128xf32>
      %slice3A = vector.extract_strided_slice %get3A_8 {offsets = [0, 0], sizes = [1, 128], strides = [1, 1]} : vector<2x128xf32> to vector<1x128xf32>
      %mul3A = arith.constant 9.99999974E-5 : f32
      %mul3A_15 = vector.broadcast %mul3A : f32 to vector<1x128xf32>
      %mul3A_16 = arith.mulf %slice3A, %mul3A_15 : vector<1x128xf32>
      %slice3A_17 = vector.extract_strided_slice %get3A_8 {offsets = [1, 0], sizes = [1, 128], strides = [1, 1]} : vector<2x128xf32> to vector<1x128xf32>
      %mul3A_18 = arith.constant 9.99999974E-5 : f32
      %mul3A_19 = vector.broadcast %mul3A_18 : f32 to vector<1x128xf32>
      %mul3A_20 = arith.mulf %slice3A_17, %mul3A_19 : vector<1x128xf32>
      %mul3A_21 = arith.mulf %mul3A_16, %mul3A_16 : vector<1x128xf32>
      %sub3A = arith.subf %mul3A_20, %mul3A_21 : vector<1x128xf32>
      %add3A = arith.constant 9.99999974E-6 : f32
      %add3A_22 = vector.broadcast %add3A : f32 to vector<1x128xf32>
      %add3A_23 = arith.addf %sub3A, %add3A_22 : vector<1x128xf32>
      %rsqrt3A = math.rsqrt %add3A_23 : vector<1x128xf32>
      %mul3A_24 = arith.mulf %get3A_11, %rsqrt3A : vector<1x128xf32>
      %mul3A_25 = arith.mulf %mul3A_16, %mul3A_24 : vector<1x128xf32>
      %sub3A_26 = arith.subf %get3A_14, %mul3A_25 : vector<1x128xf32>
      %mul3A_27 = arith.constant 400 : i32
      %mul3A_28 = arith.muli %arg1, %mul3A_27 : i32
      %get3A_29 = arith.index_cast %mul3A_28 : i32 to index
      %get3A_30 = arith.constant 0 : index
      %get3A_31 = vector.load %arg10[%get3A_29, %get3A_30] : memref<10000x128xf32, #tpu.memory_space<vmem>>, vector<400x128xf32>
      %mul3A_32 = vector.broadcast %mul3A_24 : vector<1x128xf32> to vector<400x128xf32>
      %mul3A_33 = arith.mulf %get3A_31, %mul3A_32 : vector<400x128xf32>
      %get3A_34 = arith.constant 0 : index
      %get3A_35 = arith.constant 0 : index
      %get3A_36 = vector.load %arg8[%get3A_34, %get3A_35] : memref<128x128xf32, #tpu.memory_space<vmem>>, vector<128x128xf32>
      %dot_general3A = arith.constant dense<0.000000e+00> : vector<400x128xf32>
      %dot_general3A_37 = tpu.matmul %mul3A_33, %get3A_36, %dot_general3A {dimension_numbers = #tpu.dot_dimension_numbers<[1], [0], [0], [1], [0, 0, 1, 1], [], []>, precision = #tpu.contract_precision<fp32>, transpose_lhs_hint = false} : vector<400x128xf32>, vector<128x128xf32>, vector<400x128xf32> -> vector<400x128xf32>
      %get3A_38 = arith.constant 0 : index
      %get3A_39 = arith.constant 0 : index
      %get3A_40 = vector.load %arg8[%get3A_38, %get3A_39] : memref<128x128xf32, #tpu.memory_space<vmem>>, vector<128x128xf32>
      %dot_general3A_41 = arith.constant dense<0.000000e+00> : vector<1x128xf32>
      %dot_general3A_42 = tpu.matmul %sub3A_26, %get3A_40, %dot_general3A_41 {dimension_numbers = #tpu.dot_dimension_numbers<[1], [0], [0], [1], [0, 0, 1, 1], [], []>, precision = #tpu.contract_precision<fp32>, transpose_lhs_hint = false} : vector<1x128xf32>, vector<128x128xf32>, vector<1x128xf32> -> vector<1x128xf32>
      %add3A_43 = vector.broadcast %dot_general3A_42 : vector<1x128xf32> to vector<400x128xf32>
      %add3A_44 = arith.addf %dot_general3A_37, %add3A_43 : vector<400x128xf32>
      %get3A_45 = arith.constant 0 : index
      %get3A_46 = arith.constant 0 : index
      %get3A_47 = vector.load %arg4[%get3A_45, %get3A_46] : memref<400x1xf32, #tpu.memory_space<vmem>>, vector<400x1xf32>
      %mul3A_48 = vector.broadcast %get3A_47 : vector<400x1xf32> to vector<400x128xf32>
      %mul3A_49 = arith.mulf %add3A_44, %mul3A_48 : vector<400x128xf32>
      %swap3A = arith.constant 0 : index
      %swap3A_50 = arith.constant 0 : index
      %swap3A_51 = vector.load %arg9[%swap3A, %swap3A_50] : memref<400x128xf32, #tpu.memory_space<vmem>>, vector<400x128xf32>
      tpu.vector_store %arg9[%swap3A, %swap3A_50], %mul3A_49 {strides = array<i32>} : memref<400x128xf32, #tpu.memory_space<vmem>>, vector<400x128xf32>,
    } else {
    }
    return
  }
  func.func @transform_0(%arg0: i32, %arg1: i32) -> (i32, i32, i32) {
    %sub3A = arith.constant 1 : i32
    %sub3A_0 = arith.subi %sub3A, %arg0 : i32
    %mul3A = arith.muli %sub3A_0, %arg1 : i32
    %c0_i32 = arith.constant 0 : i32
    %c0_i32_1 = arith.constant 0 : i32
    %c0_i32_2 = arith.constant 0 : i32
    return %c0_i32, %mul3A, %c0_i32_1 : i32, i32, i32
  }
  func.func @transform_1(%arg0: i32, %arg1: i32) -> (i32, i32) {
    %sub3A = arith.constant 1 : i32
    %sub3A_0 = arith.subi %sub3A, %arg0 : i32
    %mul3A = arith.muli %sub3A_0, %arg1 : i32
    %c0_i32 = arith.constant 0 : i32
    %c0_i32_1 = arith.constant 0 : i32
    return %mul3A, %c0_i32 : i32, i32
  }
  func.func @transform_2(%arg0: i32, %arg1: i32) -> (i32, i32) {
    %c0_i32 = arith.constant 0 : i32
    %c0_i32_0 = arith.constant 0 : i32
    return %arg1, %c0_i32 : i32, i32
  }
  func.func @transform_3(%arg0: i32, %arg1: i32) -> (i32, i32) {
    %c0_i32 = arith.constant 0 : i32
    %c0_i32_0 = arith.constant 0 : i32
    %c0_i32_1 = arith.constant 0 : i32
    return %c0_i32, %c0_i32_0 : i32, i32
  }
  func.func @transform_4(%arg0: i32, %arg1: i32) -> (i32, i32) {
    %c0_i32 = arith.constant 0 : i32
    %c0_i32_0 = arith.constant 0 : i32
    %c0_i32_1 = arith.constant 0 : i32
    return %c0_i32, %c0_i32_0 : i32, i32
  }
  func.func @transform_5(%arg0: i32, %arg1: i32) -> (i32, i32) {
    %c0_i32 = arith.constant 0 : i32
    %c0_i32_0 = arith.constant 0 : i32
    %c0_i32_1 = arith.constant 0 : i32
    return %c0_i32, %c0_i32_0 : i32, i32
  }
  func.func @transform_6(%arg0: i32, %arg1: i32) -> (i32, i32) {
    %c0_i32 = arith.constant 0 : i32
    %c0_i32_0 = arith.constant 0 : i32
    %c0_i32_1 = arith.constant 0 : i32
    return %c0_i32, %c0_i32_0 : i32, i32
  }
  func.func @transform_7(%arg0: i32, %arg1: i32) -> (i32, i32) {
    %mul3A = arith.muli %arg0, %arg1 : i32
    %c0_i32 = arith.constant 0 : i32
    %c0_i32_0 = arith.constant 0 : i32
    return %mul3A, %c0_i32 : i32, i32
  }
}

module attributes {stable_mosaic.version = 14 : i64} {
  func.func @_tc_postfinal_body(%arg0: i32, %arg1: i32, %arg2: memref<2x400x128xf32, #tpu.memory_space<vmem>>, %arg3: memref<400x128xf32, #tpu.memory_space<vmem>>, %arg4: memref<400x1xf32, #tpu.memory_space<vmem>>, %arg5: memref<1x128xf32, #tpu.memory_space<vmem>>, %arg6: memref<1x128xf32, #tpu.memory_space<vmem>>, %arg7: memref<1x128xf32, #tpu.memory_space<vmem>>, %arg8: memref<128x128xf32, #tpu.memory_space<vmem>>, %arg9: memref<1x128xf32, #tpu.memory_space<vmem>>, %arg10: memref<400x128xf32, #tpu.memory_space<vmem>>, %arg11: memref<10000x128xf32, #tpu.memory_space<vmem>>, %arg12: memref<2x128xf32, #tpu.memory_space<vmem>>) attributes {dimension_semantics = [#tpu.dimension_semantics<arbitrary>, #tpu.dimension_semantics<arbitrary>], iteration_bounds = array<i64: 2, 25>, scalar_prefetch = 0 : i64, scratch_operands = 2 : i64, tpu.core_type = #tpu.core_type<tc>, window_params = [{transform_indices = @transform_0, window_bounds = array<i64: 2, 400, 128>}, {transform_indices = @transform_1, window_bounds = array<i64: 400, 128>}, {transform_indices = @transform_2, window_bounds = array<i64: 400, 1>}, {pipeline_mode = #tpu.pipeline_mode<synchronous>, transform_indices = @transform_3, window_bounds = array<i64: 1, 128>}, {pipeline_mode = #tpu.pipeline_mode<synchronous>, transform_indices = @transform_4, window_bounds = array<i64: 1, 128>}, {pipeline_mode = #tpu.pipeline_mode<synchronous>, transform_indices = @transform_5, window_bounds = array<i64: 1, 128>}, {pipeline_mode = #tpu.pipeline_mode<synchronous>, transform_indices = @transform_6, window_bounds = array<i64: 128, 128>}, {pipeline_mode = #tpu.pipeline_mode<synchronous>, transform_indices = @transform_7, window_bounds = array<i64: 1, 128>}, {transform_indices = @transform_8, window_bounds = array<i64: 400, 128>}]} {
    %eq3A = arith.constant 0 : i32
    %eq3A_0 = arith.cmpi eq, %arg0, %eq3A : i32
    %convert_element_type3A = arith.extui %eq3A_0 : i1 to i32
    %cond3A = arith.constant 0 : i32
    %cond3A_1 = arith.cmpi ne, %convert_element_type3A, %cond3A : i32
    scf.if %cond3A_1 {
      %get3A = arith.constant 0 : index
      %get3A_7 = arith.constant 0 : index
      %get3A_8 = arith.constant 0 : index
      %get3A_9 = vector.load %arg2[%get3A, %get3A_7, %get3A_8] : memref<2x400x128xf32, #tpu.memory_space<vmem>>, vector<1x400x128xf32>
      %get3A_10 = vector.shape_cast %get3A_9 : vector<1x400x128xf32> to vector<400x128xf32>
      %get3A_11 = arith.constant 1 : index
      %get3A_12 = arith.constant 0 : index
      %get3A_13 = arith.constant 0 : index
      %get3A_14 = vector.load %arg2[%get3A_11, %get3A_12, %get3A_13] : memref<2x400x128xf32, #tpu.memory_space<vmem>>, vector<1x400x128xf32>
      %get3A_15 = vector.shape_cast %get3A_14 : vector<1x400x128xf32> to vector<400x128xf32>
      %add3A = arith.addf %get3A_10, %get3A_15 : vector<400x128xf32>
      %get3A_16 = arith.constant 0 : index
      %get3A_17 = arith.constant 0 : index
      %get3A_18 = vector.load %arg3[%get3A_16, %get3A_17] : memref<400x128xf32, #tpu.memory_space<vmem>>, vector<400x128xf32>
      %add3A_19 = arith.addf %add3A, %get3A_18 : vector<400x128xf32>
      %get3A_20 = arith.constant 0 : index
      %get3A_21 = arith.constant 0 : index
      %get3A_22 = vector.load %arg4[%get3A_20, %get3A_21] : memref<400x1xf32, #tpu.memory_space<vmem>>, vector<400x1xf32>
      %mul3A = vector.broadcast %get3A_22 : vector<400x1xf32> to vector<400x128xf32>
      %mul3A_23 = arith.mulf %add3A_19, %mul3A : vector<400x128xf32>
      %get3A_24 = arith.constant 0 : index
      %get3A_25 = arith.constant 0 : index
      %get3A_26 = vector.load %arg5[%get3A_24, %get3A_25] : memref<1x128xf32, #tpu.memory_space<vmem>>, vector<1x128xf32>
      %add3A_27 = vector.broadcast %get3A_26 : vector<1x128xf32> to vector<400x128xf32>
      %add3A_28 = arith.addf %mul3A_23, %add3A_27 : vector<400x128xf32>
      %max3A = arith.constant 0.000000e+00 : f32
      %max3A_29 = vector.broadcast %max3A : f32 to vector<400x128xf32>
      %max3A_30 = arith.maximumf %add3A_28, %max3A_29 : vector<400x128xf32>
      %mul3A_31 = arith.constant 400 : i32
      %mul3A_32 = arith.muli %arg1, %mul3A_31 : i32
      %swap3A = arith.index_cast %mul3A_32 : i32 to index
      %swap3A_33 = arith.constant 0 : index
      %swap3A_34 = vector.load %arg11[%swap3A, %swap3A_33] : memref<10000x128xf32, #tpu.memory_space<vmem>>, vector<400x128xf32>
      tpu.vector_store %arg11[%swap3A, %swap3A_33], %max3A_30 {strides = array<i32>} : memref<10000x128xf32, #tpu.memory_space<vmem>>, vector<400x128xf32>,
      %reduce_sum3A = arith.constant dense<0.000000e+00> : vector<128xf32>
      %reduce_sum3A_35 = vector.multi_reduction <add>, %max3A_30, %reduce_sum3A [0] : vector<400x128xf32> to vector<128xf32>
      %broadcast_in_dim3A = vector.shape_cast %reduce_sum3A_35 : vector<128xf32> to vector<1x128xf32>
      %mul3A_36 = arith.mulf %max3A_30, %max3A_30 : vector<400x128xf32>
      %reduce_sum3A_37 = arith.constant dense<0.000000e+00> : vector<128xf32>
      %reduce_sum3A_38 = vector.multi_reduction <add>, %mul3A_36, %reduce_sum3A_37 [0] : vector<400x128xf32> to vector<128xf32>
      %broadcast_in_dim3A_39 = vector.shape_cast %reduce_sum3A_38 : vector<128xf32> to vector<1x128xf32>
      %concatenate3A = tpu.concatenate %broadcast_in_dim3A, %broadcast_in_dim3A_39 in 0 : vector<1x128xf32>, vector<1x128xf32> -> vector<2x128xf32>
      %eq3A_40 = arith.constant 0 : i32
      %eq3A_41 = arith.cmpi eq, %arg1, %eq3A_40 : i32
      %convert_element_type3A_42 = arith.extui %eq3A_41 : i1 to i32
      %cond3A_43 = arith.constant 0 : i32
      %cond3A_44 = arith.cmpi ne, %convert_element_type3A_42, %cond3A_43 : i32
      scf.if %cond3A_44 {
        %swap3A_49 = arith.constant 0 : index
        %swap3A_50 = arith.constant 0 : index
        %swap3A_51 = vector.load %arg12[%swap3A_49, %swap3A_50] : memref<2x128xf32, #tpu.memory_space<vmem>>, vector<2x128xf32>
        tpu.vector_store %arg12[%swap3A_49, %swap3A_50], %concatenate3A {strides = array<i32>} : memref<2x128xf32, #tpu.memory_space<vmem>>, vector<2x128xf32>,
      } else {
      }
      %gt3A = arith.constant 0 : i32
      %gt3A_45 = arith.cmpi sgt, %arg1, %gt3A : i32
      %convert_element_type3A_46 = arith.extui %gt3A_45 : i1 to i32
      %cond3A_47 = arith.constant 0 : i32
      %cond3A_48 = arith.cmpi ne, %convert_element_type3A_46, %cond3A_47 : i32
      scf.if %cond3A_48 {
        %get3A_49 = arith.constant 0 : index
        %get3A_50 = arith.constant 0 : index
        %get3A_51 = vector.load %arg12[%get3A_49, %get3A_50] : memref<2x128xf32, #tpu.memory_space<vmem>>, vector<2x128xf32>
        %add3A_52 = arith.addf %get3A_51, %concatenate3A : vector<2x128xf32>
        %swap3A_53 = arith.constant 0 : index
        %swap3A_54 = arith.constant 0 : index
        %swap3A_55 = vector.load %arg12[%swap3A_53, %swap3A_54] : memref<2x128xf32, #tpu.memory_space<vmem>>, vector<2x128xf32>
        tpu.vector_store %arg12[%swap3A_53, %swap3A_54], %add3A_52 {strides = array<i32>} : memref<2x128xf32, #tpu.memory_space<vmem>>, vector<2x128xf32>,
      } else {
      }
    } else {
    }
    %eq3A_2 = arith.constant 1 : i32
    %eq3A_3 = arith.cmpi eq, %arg0, %eq3A_2 : i32
    %convert_element_type3A_4 = arith.extui %eq3A_3 : i1 to i32
    %cond3A_5 = arith.constant 0 : i32
    %cond3A_6 = arith.cmpi ne, %convert_element_type3A_4, %cond3A_5 : i32
    scf.if %cond3A_6 {
      %get3A = arith.constant 0 : index
      %get3A_7 = arith.constant 0 : index
      %get3A_8 = vector.load %arg12[%get3A, %get3A_7] : memref<2x128xf32, #tpu.memory_space<vmem>>, vector<2x128xf32>
      %get3A_9 = arith.constant 0 : index
      %get3A_10 = arith.constant 0 : index
      %get3A_11 = vector.load %arg6[%get3A_9, %get3A_10] : memref<1x128xf32, #tpu.memory_space<vmem>>, vector<1x128xf32>
      %get3A_12 = arith.constant 0 : index
      %get3A_13 = arith.constant 0 : index
      %get3A_14 = vector.load %arg7[%get3A_12, %get3A_13] : memref<1x128xf32, #tpu.memory_space<vmem>>, vector<1x128xf32>
      %slice3A = vector.extract_strided_slice %get3A_8 {offsets = [0, 0], sizes = [1, 128], strides = [1, 1]} : vector<2x128xf32> to vector<1x128xf32>
      %mul3A = arith.constant 9.99999974E-5 : f32
      %mul3A_15 = vector.broadcast %mul3A : f32 to vector<1x128xf32>
      %mul3A_16 = arith.mulf %slice3A, %mul3A_15 : vector<1x128xf32>
      %slice3A_17 = vector.extract_strided_slice %get3A_8 {offsets = [1, 0], sizes = [1, 128], strides = [1, 1]} : vector<2x128xf32> to vector<1x128xf32>
      %mul3A_18 = arith.constant 9.99999974E-5 : f32
      %mul3A_19 = vector.broadcast %mul3A_18 : f32 to vector<1x128xf32>
      %mul3A_20 = arith.mulf %slice3A_17, %mul3A_19 : vector<1x128xf32>
      %mul3A_21 = arith.mulf %mul3A_16, %mul3A_16 : vector<1x128xf32>
      %sub3A = arith.subf %mul3A_20, %mul3A_21 : vector<1x128xf32>
      %add3A = arith.constant 9.99999974E-6 : f32
      %add3A_22 = vector.broadcast %add3A : f32 to vector<1x128xf32>
      %add3A_23 = arith.addf %sub3A, %add3A_22 : vector<1x128xf32>
      %rsqrt3A = math.rsqrt %add3A_23 : vector<1x128xf32>
      %mul3A_24 = arith.mulf %get3A_11, %rsqrt3A : vector<1x128xf32>
      %mul3A_25 = arith.mulf %mul3A_16, %mul3A_24 : vector<1x128xf32>
      %sub3A_26 = arith.subf %get3A_14, %mul3A_25 : vector<1x128xf32>
      %mul3A_27 = arith.constant 400 : i32
      %mul3A_28 = arith.muli %arg1, %mul3A_27 : i32
      %get3A_29 = arith.index_cast %mul3A_28 : i32 to index
      %get3A_30 = arith.constant 0 : index
      %get3A_31 = vector.load %arg11[%get3A_29, %get3A_30] : memref<10000x128xf32, #tpu.memory_space<vmem>>, vector<400x128xf32>
      %mul3A_32 = vector.broadcast %mul3A_24 : vector<1x128xf32> to vector<400x128xf32>
      %mul3A_33 = arith.mulf %get3A_31, %mul3A_32 : vector<400x128xf32>
      %get3A_34 = arith.constant 0 : index
      %get3A_35 = arith.constant 0 : index
      %get3A_36 = vector.load %arg8[%get3A_34, %get3A_35] : memref<128x128xf32, #tpu.memory_space<vmem>>, vector<128x128xf32>
      %dot_general3A = arith.constant dense<0.000000e+00> : vector<400x128xf32>
      %dot_general3A_37 = tpu.matmul %mul3A_33, %get3A_36, %dot_general3A {dimension_numbers = #tpu.dot_dimension_numbers<[1], [0], [0], [1], [0, 0, 1, 1], [], []>, precision = #tpu.contract_precision<fp32>, transpose_lhs_hint = false} : vector<400x128xf32>, vector<128x128xf32>, vector<400x128xf32> -> vector<400x128xf32>
      %get3A_38 = arith.constant 0 : index
      %get3A_39 = arith.constant 0 : index
      %get3A_40 = vector.load %arg8[%get3A_38, %get3A_39] : memref<128x128xf32, #tpu.memory_space<vmem>>, vector<128x128xf32>
      %dot_general3A_41 = arith.constant dense<0.000000e+00> : vector<1x128xf32>
      %dot_general3A_42 = tpu.matmul %sub3A_26, %get3A_40, %dot_general3A_41 {dimension_numbers = #tpu.dot_dimension_numbers<[1], [0], [0], [1], [0, 0, 1, 1], [], []>, precision = #tpu.contract_precision<fp32>, transpose_lhs_hint = false} : vector<1x128xf32>, vector<128x128xf32>, vector<1x128xf32> -> vector<1x128xf32>
      %add3A_43 = vector.broadcast %dot_general3A_42 : vector<1x128xf32> to vector<400x128xf32>
      %add3A_44 = arith.addf %dot_general3A_37, %add3A_43 : vector<400x128xf32>
      %get3A_45 = arith.constant 0 : index
      %get3A_46 = arith.constant 0 : index
      %get3A_47 = vector.load %arg9[%get3A_45, %get3A_46] : memref<1x128xf32, #tpu.memory_space<vmem>>, vector<1x128xf32>
      %add3A_48 = vector.broadcast %get3A_47 : vector<1x128xf32> to vector<400x128xf32>
      %add3A_49 = arith.addf %add3A_44, %add3A_48 : vector<400x128xf32>
      %max3A = arith.constant 0.000000e+00 : f32
      %max3A_50 = vector.broadcast %max3A : f32 to vector<400x128xf32>
      %max3A_51 = arith.maximumf %add3A_49, %max3A_50 : vector<400x128xf32>
      %reduce_max3A = arith.constant dense<0xFF800000> : vector<400xf32>
      %reduce_max3A_52 = vector.multi_reduction <maximumf>, %max3A_51, %reduce_max3A [1] : vector<400x128xf32> to vector<400xf32>
      %broadcast_in_dim3A = vector.shape_cast %reduce_max3A_52 : vector<400xf32> to vector<400x1xf32>
      %sub3A_53 = vector.broadcast %broadcast_in_dim3A : vector<400x1xf32> to vector<400x128xf32>
      %sub3A_54 = arith.subf %max3A_51, %sub3A_53 : vector<400x128xf32>
      %exp3A = math.exp %sub3A_54 : vector<400x128xf32>
      %reduce_sum3A = arith.constant dense<0.000000e+00> : vector<400xf32>
      %reduce_sum3A_55 = vector.multi_reduction <add>, %exp3A, %reduce_sum3A [1] : vector<400x128xf32> to vector<400xf32>
      %broadcast_in_dim3A_56 = vector.shape_cast %reduce_sum3A_55 : vector<400xf32> to vector<400x1xf32>
      %div3A = vector.broadcast %broadcast_in_dim3A_56 : vector<400x1xf32> to vector<400x128xf32>
      %div3A_57 = arith.divf %exp3A, %div3A : vector<400x128xf32>
      %swap3A = arith.constant 0 : index
      %swap3A_58 = arith.constant 0 : index
      %swap3A_59 = vector.load %arg10[%swap3A, %swap3A_58] : memref<400x128xf32, #tpu.memory_space<vmem>>, vector<400x128xf32>
      tpu.vector_store %arg10[%swap3A, %swap3A_58], %div3A_57 {strides = array<i32>} : memref<400x128xf32, #tpu.memory_space<vmem>>, vector<400x128xf32>,
    } else {
    }
    return
  }
  func.func @transform_0(%arg0: i32, %arg1: i32) -> (i32, i32, i32) {
    %sub3A = arith.constant 1 : i32
    %sub3A_0 = arith.subi %sub3A, %arg0 : i32
    %mul3A = arith.muli %sub3A_0, %arg1 : i32
    %c0_i32 = arith.constant 0 : i32
    %c0_i32_1 = arith.constant 0 : i32
    %c0_i32_2 = arith.constant 0 : i32
    return %c0_i32, %mul3A, %c0_i32_1 : i32, i32, i32
  }
  func.func @transform_1(%arg0: i32, %arg1: i32) -> (i32, i32) {
    %sub3A = arith.constant 1 : i32
    %sub3A_0 = arith.subi %sub3A, %arg0 : i32
    %mul3A = arith.muli %sub3A_0, %arg1 : i32
    %c0_i32 = arith.constant 0 : i32
    %c0_i32_1 = arith.constant 0 : i32
    return %mul3A, %c0_i32 : i32, i32
  }
  func.func @transform_2(%arg0: i32, %arg1: i32) -> (i32, i32) {
    %c0_i32 = arith.constant 0 : i32
    %c0_i32_0 = arith.constant 0 : i32
    return %arg1, %c0_i32 : i32, i32
  }
  func.func @transform_3(%arg0: i32, %arg1: i32) -> (i32, i32) {
    %c0_i32 = arith.constant 0 : i32
    %c0_i32_0 = arith.constant 0 : i32
    %c0_i32_1 = arith.constant 0 : i32
    return %c0_i32, %c0_i32_0 : i32, i32
  }
  func.func @transform_4(%arg0: i32, %arg1: i32) -> (i32, i32) {
    %c0_i32 = arith.constant 0 : i32
    %c0_i32_0 = arith.constant 0 : i32
    %c0_i32_1 = arith.constant 0 : i32
    return %c0_i32, %c0_i32_0 : i32, i32
  }
  func.func @transform_5(%arg0: i32, %arg1: i32) -> (i32, i32) {
    %c0_i32 = arith.constant 0 : i32
    %c0_i32_0 = arith.constant 0 : i32
    %c0_i32_1 = arith.constant 0 : i32
    return %c0_i32, %c0_i32_0 : i32, i32
  }
  func.func @transform_6(%arg0: i32, %arg1: i32) -> (i32, i32) {
    %c0_i32 = arith.constant 0 : i32
    %c0_i32_0 = arith.constant 0 : i32
    %c0_i32_1 = arith.constant 0 : i32
    return %c0_i32, %c0_i32_0 : i32, i32
  }
  func.func @transform_7(%arg0: i32, %arg1: i32) -> (i32, i32) {
    %c0_i32 = arith.constant 0 : i32
    %c0_i32_0 = arith.constant 0 : i32
    %c0_i32_1 = arith.constant 0 : i32
    return %c0_i32, %c0_i32_0 : i32, i32
  }
  func.func @transform_8(%arg0: i32, %arg1: i32) -> (i32, i32) {
    %mul3A = arith.muli %arg0, %arg1 : i32
    %c0_i32 = arith.constant 0 : i32
    %c0_i32_0 = arith.constant 0 : i32
    return %mul3A, %c0_i32 : i32, i32
  }
}

</mosaic_0001>

<sc_bundles>
// kernel: kernel.10.cloned.1.call-start
scs
__scs_entry_jumppad:
0x0: {  	(pc) =	sbr.rel $0x88, $3  }
0x1: {  	(tag) =	ssettag $0x0;
	lr =	simm.s32 $0x1  }
0x2: {  	[smem:$0x3F91] =	sst lr;
	_ =	strace $0xD0000000  }
0x3: {  	_ = 	snop  }
0x4: {  	_ = 	snop  }
0x5: {  	_ = 	snop  }
0x6: {  	_ = 	snop  }
0x7: {  	_ = 	snop  }
__scs_overlays_trampoline_lowered:
0x8: {  	[smem:$0x3FA0] =	sst s0  }
0x9: {  	[smem:$0x3FA1] =	sst s1  }
0xa: {  	[smem:$0x3FA2] =	sst s2  }
0xb: {  	[smem:$0x3FA3] =	sst s3  }
0xc: {  	[smem:$0x3FA4] =	sst s4  }
0xd: {  	[smem:$0x3FA5] =	sst s5  }
0xe: {  	[smem:$0x3FA6] =	sst s6  }
0xf: {  	[smem:$0x3FA7] =	sst s7  }
0x10: {  	[smem:$0x3FA8] =	sst s8  }
0x11: {  	[smem:$0x3FA9] =	sst s9;
	s0 =	simm.s32 @!p0 $0x0  }
0x12: {  	s1 =	sld [smem:$0x3F8F];
	s0 =	simm.s32 @p0 $0x1  }
0x13: {  	[smem:$0x3FAA] =	sst s0;
	s0 =	simm.s32 @!p1 $0x0  }
0x14: {  	s2 =	sld [smem:$0x3F8E];
	s0 =	simm.s32 @p1 $0x1  }
0x15: {  	[smem:$0x3FAB] =	sst s0;
	s0 =	simm.s32 @!p2 $0x0  }
0x16: {  	s3 =	sld [smem:$0x3FDB];
	s0 =	simm.s32 @p2 $0x1  }
0x17: {  	s4 =	simm.s32 $0x1BF5;
	[smem:$0x3FAD] =	sst s0  }
0x18: {  	s0 =	sld [smem:$0x3F90];
	_ =	swait.ge [sflag:s4], $0x0  }
0x19: {  	s7 =	sld [smem:$0x3F91]  }
0x1a: {  	s8 =	sadd.s32 $0xFFFFE003, lr  }
0x1b: {  	s9 =	sadd.s32 $0xFFFFFEF7, lr;
	s5 =	simm.s32 $0xFFFFFFFF;
	p2 =	slt.u32 s8, $0xFFFFF086  }
0x1c: {  	p1 =	slt.u32 s9, $0xF7A;
	s5 =	simm.s32 @!p2 $0x0  }
0x1d: {  	s5 =	simm.s32 @p1 $0x1;
	p0 =	seq.s32 s7, s2  }
0x1e: {  	s7 =	smul.u32 @!p0 $0xF7A, s2;
	p2 =	seq.s32 @!p0 s5, $0x0  }
0x1f: {  	s9 =	smul.u32 $0xF7A, s1;
	s8 =	simm.s32 @!p0 $0x1BF5;
	p2 =	por !p2, p0  }
0x20: {  	[sflag:s8] =	ssyncset.s32 @!p0 $0xFFFFF086;
	s6 =	sadd.s32 @!p0 s3, s7;
	s7 =	simm.s32 @!p0 $0x108  }
0x21: {  	s3 =	sadd.s32 s3, s9;
	s6 =	sadd.s32 @!p0 $0x88, s6;
	s7 =	simm.s32 @p2 $0x1082  }
0x22: {  	[simem:s7], [sflag:s8] =	dma.local @!p0 [hbm:s6], $0xF7A  }
0x23: {  	s9 =	sor.u32 $0xD0000000, s2;
	s6 =	simm.s32 $0x108;
	_ =	swait.ge @!p0 [sflag:s8], $0x0  }
0x24: {  	s3 =	sadd.s32 $0x88, s3;
	s6 =	simm.s32 @!p1 $0x1082;
	[sflag:s4] =	ssyncset.s32 $0xFFFFF086  }
0x25: {  	[simem:s6], [sflag:s4] =	dma.local [hbm:s3], $0xF7A  }
0x26: {  	[smem:$0x3F91] =	sst s1;
	(tag) =	ssettag s2;
	_ =	strace s9  }
0x27: {  	s1 =	sld [smem:$0x3FA1]  }
0x28: {  	s2 =	sld [smem:$0x3FA2]  }
0x29: {  	s4 =	sld [smem:$0x3FA4]  }
0x2a: {  	p0 =	seq.s32 s5, $0x0;
	s5 =	sld [smem:$0x3FA5]  }
0x2b: {  	s6 =	sld [smem:$0x3FA6]  }
0x2c: {  	s7 =	sld [smem:$0x3FA7]  }
0x2d: {  	s3 =	simm.s32 $0x108;
	s8 =	sld [smem:$0x3FA8]  }
0x2e: {  	s3 =	simm.s32 @!p0 $0x1082;
	s9 =	sld [smem:$0x3FA9]  }
0x2f: {  	lr =	sadd.s32 s0, s3;
	s0 =	sld [smem:$0x3FA0]  }
0x30: {  	s3 =	sld [smem:$0x3FA3]  }
0x31: {  	[smem:$0x3FAC] =	sst s10  }
0x32: {  	s10 =	sld [smem:$0x3FAA];
	_ =	sdelay $0x3  }
0x33: {  	p0 =	seq.s32 s10, $0x1;
	s10 =	sld [smem:$0x3FAC];
	_ =	sdelay $0x3  }
0x34: {  	[smem:$0x3FAC] =	sst s10  }
0x35: {  	s10 =	sld [smem:$0x3FAB];
	_ =	sdelay $0x3  }
0x36: {  	p1 =	seq.s32 s10, $0x1;
	s10 =	sld [smem:$0x3FAC];
	_ =	sdelay $0x3  }
0x37: {  	[smem:$0x3FAC] =	sst s10  }
0x38: {  	s10 =	sld [smem:$0x3FAD]  }
0x39: {  	_ = 	snop;
	(pc) =	sbr.ind lr, $3  }
0x3a: {  	_ = 	snop  }
0x3b: {  	_ = 	snop  }
0x3c: {  	p2 =	seq.s32 s10, $0x1;
	s10 =	sld [smem:$0x3FAC]  }
0x3d: {  	_ =	shalt  }
0x3e: {  	_ =	shalt  }
0x3f: {  	_ =	shalt  }
0x40: {  	_ =	shalt  }
0x41: {  	_ =	shalt  }
0x42: {  	_ =	shalt  }
0x43: {  	_ =	shalt  }
0x44: {  	_ =	shalt  }
0x45: {  	_ =	shalt  }
0x46: {  	_ =	shalt  }
0x47: {  	_ =	shalt  }
0x48: {  	_ =	shalt  }
0x49: {  	_ =	shalt  }
0x4a: {  	_ =	shalt  }
0x4b: {  	_ =	shalt  }
0x4c: {  	_ =	shalt  }
0x4d: {  	_ =	shalt  }
0x4e: {  	_ =	shalt  }
0x4f: {  	_ =	shalt  }
0x50: {  	_ =	shalt  }
0x51: {  	_ =	shalt  }
0x52: {  	_ =	shalt  }
0x53: {  	_ =	shalt  }
0x54: {  	_ =	shalt  }
0x55: {  	_ =	shalt  }
0x56: {  	_ =	shalt  }
0x57: {  	_ =	shalt  }
0x58: {  	_ =	shalt  }
0x59: {  	_ =	shalt  }
0x5a: {  	_ =	shalt  }
0x5b: {  	_ =	shalt  }
0x5c: {  	_ =	shalt  }
0x5d: {  	_ =	shalt  }
0x5e: {  	_ =	shalt  }
0x5f: {  	_ =	shalt  }
0x60: {  	_ =	shalt  }
0x61: {  	_ =	shalt  }
0x62: {  	_ =	shalt  }
0x63: {  	_ =	shalt  }
0x64: {  	_ =	shalt  }
0x65: {  	_ =	shalt  }
0x66: {  	_ =	shalt  }
0x67: {  	_ =	shalt  }
0x68: {  	_ =	shalt  }
0x69: {  	_ =	shalt  }
0x6a: {  	_ =	shalt  }
0x6b: {  	_ =	shalt  }
0x6c: {  	_ =	shalt  }
0x6d: {  	_ =	shalt  }
0x6e: {  	_ =	shalt  }
0x6f: {  	_ =	shalt  }
0x70: {  	_ =	shalt  }
0x71: {  	_ =	shalt  }
0x72: {  	_ =	shalt  }
0x73: {  	_ =	shalt  }
0x74: {  	_ =	shalt  }
0x75: {  	_ =	shalt  }
0x76: {  	_ =	shalt  }
0x77: {  	_ =	shalt  }
0x78: {  	_ =	shalt  }
0x79: {  	_ =	shalt  }
0x7a: {  	_ =	shalt  }
0x7b: {  	_ =	shalt  }
0x7c: {  	_ =	shalt  }
0x7d: {  	_ =	shalt  }
0x7e: {  	_ =	shalt  }
0x7f: {  	_ =	shalt  }
0x80: {  	_ =	shalt  }
0x81: {  	_ =	shalt  }
0x82: {  	_ =	shalt  }
0x83: {  	_ =	shalt  }
0x84: {  	_ =	shalt  }
0x85: {  	_ =	shalt  }
0x86: {  	_ =	shalt  }
0x87: {  	_ =	shalt  }
.Lfunc_end0:
.L_simem_size_0:
called_computation_lowered:
.L_overlay_start_0:
0x88: {  	s2 =	sld [smem:$0x3FD9]  }
0x89: {  	s3 =	sld [smem:$0x3FFE];
	_ =	sdelay $0x1  }
0x8a: {  	s1 =	srdreg.scid  }
0x8b: {  	s0 =	sand.u32 $0x1, s1  }
0x8c: {  	s17 =	sshll.u32 s0, $0xA;
	s2 =	sadd.s32 s3, s2  }
0x8d: {  	s2 =	sadd.s32 s2, s17  }
0x8e: {  	[smem:$0x3FB8] =	sst s2  }
0x8f: {  	_ = 	snop  }
0x90: {  	s2 =	sld [smem:$0x3FD0];
	(tm) =	ssettm $0x1  }
0x91: {  	s18 =	sld [smem:$0x3FFB];
	_ =	sdelay $0x3  }
0x92: {  	_ =	strace s18  }
0x93: {  	s3 =	sld [smem:$0x3FFC];
	_ =	sdelay $0x3  }
0x94: {  	_ =	strace s3  }
0x95: {  	s3 =	sld [smem:$0x3FFD];
	_ =	sdelay $0x3  }
0x96: {  	_ =	strace s3  }
0x97: {  	_ =	strace $0x8FFFFFFF  }
0x98: {  	s19 =	sld [smem:$0x3FDB];
	_ =	sdelay $0x1  }
0x99: {  	s4 =	simm.s32 $_scs_section_size  }
0x9a: {  	s5 =	simm.s32 $_size__tile_overlayer_lowered;
	s6 =	simm.s32 $_tile_overlayer_lowered  }
0x9b: {  	s22 =	simm.s32 $0x1BFF;
	s21 =	sshll.u32 s6, $0x1;
	s3 =	sadd.s32 s4, s19  }
0x9c: {  	s7 =	simm.s32 $0x0;
	s20 =	sshll.u32 s5, $0x1;
	s5 =	sadd.s32 s21, s3  }
0x9d: {  	[timem:s7], [sflag:s22] =	dma.local [hbm:s5], s20  }
0x9e: {  	_ =	swait.ge [sflag:s22], s20  }
0x9f: {  	s4 =	ssub.s32 $0x0, s20;
	[sflag:s22] =	ssyncset.done $0x0  }
0xa0: {  	[sflag:s22] =	ssyncadd.s32 s4;
	_ =	sdelay $0x1  }
0xa1: {  	s23 =	simm.s32 $0x1B8B  }
0xa2: {  	_ =	swait.ge [sflag:s23], $0x1  }
0xa3: {  	[sflag:s23] =	ssyncset.done $0x0  }
0xa4: {  	s25 =	simm.s32 $0x1B8E;
	s24 =	sld [smem:$0x3FFE];
	[sflag:s23] =	ssyncadd.s32 $0xFFFFFFFF  }
0xa5: {  	s26 =	simm.s32 $execute0_lowered;
	[smem:$0x3FD2] =	sst s25  }
0xa6: {  	s5 =	sshll.u32 s26, $0x1;
	_ =	strace $0x80000046;
	[dreg:$0x1] =	wrdreg $0xFFFFFFFF  }
0xa7: {  	s28 =	simm.s32 $_size_execute0_lowered;
	s3 =	sadd.s32 s3, s5;
	[dreg:$0x0] =	wrdreg $0x0  }
0xa8: {  	s5 =	sshll.u32 s28, $0x1;
	[dreg:$0x2] =	wrdreg s3  }
0xa9: {  	[dreg:$0x3] =	wrdreg s5  }
0xaa: {  	[dreg:$0x4] =	wrdreg $0xC0  }
0xab: {  	_ =	task [dreg:s7], $0x5FFFF  }
0xac: {  	[dreg:$0x1] =	wrdreg $0xFFFFFFFF  }
0xad: {  	[dreg:$0x0] =	wrdreg $0x60  }
0xae: {  	[dreg:$0x2] =	wrdreg s24  }
0xaf: {  	[dreg:$0x3] =	wrdreg s2  }
0xb0: {  	[dreg:$0x4] =	wrdreg $0x9  }
0xb1: {  	_ =	task.clear_ibuf [dreg:s7], $0x5FFFF;
	_ =	strace $0x90000046  }
0xb2: {  	s29 =	simm.s32 $0x9;
	_ =	strace $0x80000048  }
0xb3: {  	_ =	swait.ge [sflag:s29], $0x1  }
0xb4: {  	[sflag:s29] =	ssyncadd.s32 $0xFFFFFFFF  }
0xb5: {  	_ =	strace $0x90000048  }
0xb6: {  	_ =	sfence  }
0xb7: {  	s30 =	sld [smem:$0x0];
	_ =	sdelay $0x2  }
0xb8: {  	s31 =	sshll.u32 s1, $0xD;
	s1 =	sshrl.u32 s1, $0x2  }
0xb9: {  	s3 =	sand.u32 $0x4000, s31;
	s1 =	sadd.s32 s1, s30  }
0xba: {  	s0 =	sor.u32 s3, s0;
	s1 =	sshll.u32 s1, $0x11  }
0xbb: {  	s0 =	sor.u32 s1, s0  }
0xbc: {  	s0 =	sadd.s32 $0x8F2B, s0  }
0xbd: {  	[sflag:s0] =	ssyncadd.remote.s32 $0x1  }
0xbe: {  	_ =	sfence.sel $0xFFFF  }
0xbf: {  	[dreg:$0x0] =	wrdreg $0xFFFFFFFF;
	(pc) =	sbr.abs _section_cstart, $3  }
0xc0: {  	[dreg:$0x1] =	wrdreg $0xFFFFFFFF  }
0xc1: {  	_ =	task.clear_ibuf [dreg:s7], $0x2FFFF;
	_ =	strace $0x9FFFFFFF  }
0xc2: {  	(tm) =	ssettm $0x7FFFFFFF  }
0xc3: {  	_ =	shalt  }
tec
execute0_lowered:
.L_overlay_start_1:
0x0: {  	(tag) =	ssettag $0x1  }
0x1: {  	s0 =	srdreg.scid;
	s3 =	rddreg [dreg:$0x0]  }
0x2: {  	s5 =	rddreg [dreg:$0x1];
	s1 =	stileid.u32;
	s4 =	sand.u32 $0x1, s0  }
0x3: {  	s9 =	simm.s32 $0x400;
	s0 =	rddreg [dreg:$0x2];
	s2 =	sshll.u32 s4, $0x4  }
0x4: {  	s8 =	sshll.u32 s1, $0x7;
	s4 =	ssub.s32 $0x2, s4;
	s6 =	sor.u32 s1, s2  }
0x5: {  	s2 =	simm.s32 $0x0;
	s7 =	smul.u32 $0x4E2, s6;
	s6 =	sshrl.u32 s6, $0x3  }
0x6: {  	s8 =	sand.u32 $0x380, s8;
	[smem:$0x7FF] =	sst s2;
	s6 =	smul.u32 $0x14000, s6  }
0x7: {  	s30 =	sshrl.u32 s4, $0x1;
	_ =	strace $0x80000047;
	s3 =	sadd.s32 s7, s3  }
0x8: {  	s7 =	ssub.s32 s4, s30;
	s6 =	sor.u32 s8, s6;
	s3 =	sadd.s32 $0x4200, s3  }
0x9: {  	s8 =	simm.s32 $0x80;
	s31 =	sshrl.u32 s6, $0x3;
	s6 =	simm.s32 $0x1  }
0xa: {  	v0 =	vimm.f32 $0.0e+00;
	v1 =	vimm.f32 $1.000000000e+00;
	s4 =	sadd.s32 s5, s31;
	s5 =	smax.u32 s7, $0x1;
	s7 =	simm.s32 $0x2780  }
.LBB2_1:
0xb: {  	s10 =	simm.s32 $0x40;
	s11 =	simm.s32 $0x0  }
.LBB2_2:
0xc: {  	p0 =	sne.s32 s10, $0x9FC0;
	[tilespmem:s11+$0x2780] =	vst v0;
	s11 =	smov.u32 s10;
	s10 =	sadd.s32 $0x40, s10  }
.Ltmp0:
0xd: {  	(pc) =	sbr.rel @p0 .LBB2_2-.Ltmp0, $2  }
0xe: {  	_ =	sdelay $0x2  }
0xf: {  	s11 =	sshra.s32 s11, $0x2  }
0x10: {  	[tilespmem:s11+$0x2780] =	vst v0;
	s10 =	simm.s32 $0x0  }
0x11: {  	[tilespmem:s10], [sflag:$0x1] =	stream.linear.gather [hbm4b:s3+s10], $0x2710, $0x38;
	[tilespmem:$0x4F80] =	vst v63  }
0x12: {  	_ =	swait.ge [sflag:s6], $0x2710  }
0x13: {  	[sflag:s6] =	ssyncset.done $0x0  }
0x14: {  	s11 =	simm.s32 $0x0;
	s10 =	simm.s32 $0x40;
	[sflag:s6] =	ssyncadd.s32 $0xFFFFD8F0  }
.LBB2_4:
0x15: {  	p0 =	sne.s32 s10, $0x9C00;
	v2 =	vld [tilespmem:s11+$0x0];
	_ =	sdelay $0x3  }
.Ltmp1:
0x16: {  	(pc) =	sbr.rel @p0 .LBB2_4-.Ltmp1, $2  }
0x17: {  	_ =	sdelay $0x2  }
0x18: {  	s11 =	sshra.s32 s10, $0x2;
	s10 =	sadd.s32 $0x40, s10;
	[tilespmem:v2+s7+$0x0] =	vst.idx.add.f32.msk $0xffff, v1  }
0x19: {  	v2 =	vld [tilespmem:s11+$0x0];
	_ =	sdelay $0x5  }
0x1a: {  	s2 =	sadd.s32 $0x1, s2  }
0x1b: {  	p0 =	sne.s32 s2, s5  }
.Ltmp2:
0x1c: {  	[tilespmem:v2+s7+$0x0] =	vst.idx.add.f32.msk $0xffff, v1;
	(pc) =	sbr.rel @p0 .LBB2_1-.Ltmp2, $4  }
0x1d: {  	[hbm4b:s4+s8] =	stream.strided.scatter [tilespmem:s7], [sflag:$0x1], $0x2800, s9, s8, $0x38;
	[tilespmem:$0x4F80] =	vst v63  }
0x1e: {  	_ =	swait.ge [sflag:s6], $0x2800  }
0x1f: {  	[sflag:s6] =	ssyncset.done $0x0  }
0x20: {  	[sflag:s6] =	ssyncadd.s32 $0xFFFFD800  }
0x21: {  	_ =	sfence.sel $0x180000  }
0x22: {  	[bflag:$0x0] =	sbarrier.arrive $0xFFFF  }
0x23: {  	p0 =	sne.s32 s1, $0x0;
	_ =	strace $0x90000047  }
0x24: {  	s0 =	sadd.s32 @!p0 $0x100000, s0;
	[bflag:$0x2] =	sbarrier.arrive $0xFFFF  }
0x25: {  	[sflag:s0] =	ssyncadd.tile.s32 @!p0 $0x1;
	_ =	shalt  }
.Lfunc_end2:
_tile_overlayer_lowered:
.L_overlay_start_2:
0x26: {  	(tag) =	ssettag $0x2  }
0x27: {  	s0 =	rddreg [dreg:$0x0];
	s2 =	stileid.u32  }
0x28: {  	s1 =	rddreg [dreg:$0x1];
	p0 =	sne.s32 s2, $0x0  }
0x29: {  	s3 =	rddreg [dreg:$0x2];
	[bflag:$0x3] =	sbarrier.arrive $0xFFFF;
	s2 =	simm.s32 @!p0 $0x1C01  }
0x2a: {  	[timem:s3], [sflag:s2] =	dma.local @!p0 [hbm:s0], s1  }
0x2b: {  	s0 =	simm.s32 @!p0 $0x1  }
0x2c: {  	_ =	swait.ge @!p0 [sflag:s0], s1  }
0x2d: {  	s1 =	ssub.s32 @!p0 $0x0, s1;
	[sflag:s0] =	ssyncset.done @!p0 $0x0  }
0x2e: {  	[sflag:s0] =	ssyncadd.s32 @!p0 s1  }
0x2f: {  	[bflag:$0x3] =	sbarrier.arrive $0xFFFF  }
0x30: {  	_ =	shalt  }

// kernel: kernel.13.cloned.1.call-start
scs
__scs_entry_jumppad:
0x0: {  	(pc) =	sbr.rel $0x88, $3  }
0x1: {  	(tag) =	ssettag $0x0;
	lr =	simm.s32 $0x1  }
0x2: {  	[smem:$0x3F91] =	sst lr;
	_ =	strace $0xD0000000  }
0x3: {  	_ = 	snop  }
0x4: {  	_ = 	snop  }
0x5: {  	_ = 	snop  }
0x6: {  	_ = 	snop  }
0x7: {  	_ = 	snop  }
__scs_overlays_trampoline_lowered:
0x8: {  	[smem:$0x3FA0] =	sst s0  }
0x9: {  	[smem:$0x3FA1] =	sst s1  }
0xa: {  	[smem:$0x3FA2] =	sst s2  }
0xb: {  	[smem:$0x3FA3] =	sst s3  }
0xc: {  	[smem:$0x3FA4] =	sst s4  }
0xd: {  	[smem:$0x3FA5] =	sst s5  }
0xe: {  	[smem:$0x3FA6] =	sst s6  }
0xf: {  	[smem:$0x3FA7] =	sst s7  }
0x10: {  	[smem:$0x3FA8] =	sst s8  }
0x11: {  	[smem:$0x3FA9] =	sst s9;
	s0 =	simm.s32 @!p0 $0x0  }
0x12: {  	s1 =	sld [smem:$0x3F8F];
	s0 =	simm.s32 @p0 $0x1  }
0x13: {  	[smem:$0x3FAA] =	sst s0;
	s0 =	simm.s32 @!p1 $0x0  }
0x14: {  	s2 =	sld [smem:$0x3F8E];
	s0 =	simm.s32 @p1 $0x1  }
0x15: {  	[smem:$0x3FAB] =	sst s0;
	s0 =	simm.s32 @!p2 $0x0  }
0x16: {  	s3 =	sld [smem:$0x3FDB];
	s0 =	simm.s32 @p2 $0x1  }
0x17: {  	s4 =	simm.s32 $0x1BF5;
	[smem:$0x3FAD] =	sst s0  }
0x18: {  	s0 =	sld [smem:$0x3F90];
	_ =	swait.ge [sflag:s4], $0x0  }
0x19: {  	s7 =	sld [smem:$0x3F91]  }
0x1a: {  	s8 =	sadd.s32 $0xFFFFE003, lr  }
0x1b: {  	s9 =	sadd.s32 $0xFFFFFEF7, lr;
	s5 =	simm.s32 $0xFFFFFFFF;
	p2 =	slt.u32 s8, $0xFFFFF086  }
0x1c: {  	p1 =	slt.u32 s9, $0xF7A;
	s5 =	simm.s32 @!p2 $0x0  }
0x1d: {  	s5 =	simm.s32 @p1 $0x1;
	p0 =	seq.s32 s7, s2  }
0x1e: {  	s7 =	smul.u32 @!p0 $0xF7A, s2;
	p2 =	seq.s32 @!p0 s5, $0x0  }
0x1f: {  	s9 =	smul.u32 $0xF7A, s1;
	s8 =	simm.s32 @!p0 $0x1BF5;
	p2 =	por !p2, p0  }
0x20: {  	[sflag:s8] =	ssyncset.s32 @!p0 $0xFFFFF086;
	s6 =	sadd.s32 @!p0 s3, s7;
	s7 =	simm.s32 @!p0 $0x108  }
0x21: {  	s3 =	sadd.s32 s3, s9;
	s6 =	sadd.s32 @!p0 $0x88, s6;
	s7 =	simm.s32 @p2 $0x1082  }
0x22: {  	[simem:s7], [sflag:s8] =	dma.local @!p0 [hbm:s6], $0xF7A  }
0x23: {  	s9 =	sor.u32 $0xD0000000, s2;
	s6 =	simm.s32 $0x108;
	_ =	swait.ge @!p0 [sflag:s8], $0x0  }
0x24: {  	s3 =	sadd.s32 $0x88, s3;
	s6 =	simm.s32 @!p1 $0x1082;
	[sflag:s4] =	ssyncset.s32 $0xFFFFF086  }
0x25: {  	[simem:s6], [sflag:s4] =	dma.local [hbm:s3], $0xF7A  }
0x26: {  	[smem:$0x3F91] =	sst s1;
	(tag) =	ssettag s2;
	_ =	strace s9  }
0x27: {  	s1 =	sld [smem:$0x3FA1]  }
0x28: {  	s2 =	sld [smem:$0x3FA2]  }
0x29: {  	s4 =	sld [smem:$0x3FA4]  }
0x2a: {  	p0 =	seq.s32 s5, $0x0;
	s5 =	sld [smem:$0x3FA5]  }
0x2b: {  	s6 =	sld [smem:$0x3FA6]  }
0x2c: {  	s7 =	sld [smem:$0x3FA7]  }
0x2d: {  	s3 =	simm.s32 $0x108;
	s8 =	sld [smem:$0x3FA8]  }
0x2e: {  	s3 =	simm.s32 @!p0 $0x1082;
	s9 =	sld [smem:$0x3FA9]  }
0x2f: {  	lr =	sadd.s32 s0, s3;
	s0 =	sld [smem:$0x3FA0]  }
0x30: {  	s3 =	sld [smem:$0x3FA3]  }
0x31: {  	[smem:$0x3FAC] =	sst s10  }
0x32: {  	s10 =	sld [smem:$0x3FAA];
	_ =	sdelay $0x3  }
0x33: {  	p0 =	seq.s32 s10, $0x1;
	s10 =	sld [smem:$0x3FAC];
	_ =	sdelay $0x3  }
0x34: {  	[smem:$0x3FAC] =	sst s10  }
0x35: {  	s10 =	sld [smem:$0x3FAB];
	_ =	sdelay $0x3  }
0x36: {  	p1 =	seq.s32 s10, $0x1;
	s10 =	sld [smem:$0x3FAC];
	_ =	sdelay $0x3  }
0x37: {  	[smem:$0x3FAC] =	sst s10  }
0x38: {  	s10 =	sld [smem:$0x3FAD]  }
0x39: {  	_ = 	snop;
	(pc) =	sbr.ind lr, $3  }
0x3a: {  	_ = 	snop  }
0x3b: {  	_ = 	snop  }
0x3c: {  	p2 =	seq.s32 s10, $0x1;
	s10 =	sld [smem:$0x3FAC]  }
0x3d: {  	_ =	shalt  }
0x3e: {  	_ =	shalt  }
0x3f: {  	_ =	shalt  }
0x40: {  	_ =	shalt  }
0x41: {  	_ =	shalt  }
0x42: {  	_ =	shalt  }
0x43: {  	_ =	shalt  }
0x44: {  	_ =	shalt  }
0x45: {  	_ =	shalt  }
0x46: {  	_ =	shalt  }
0x47: {  	_ =	shalt  }
0x48: {  	_ =	shalt  }
0x49: {  	_ =	shalt  }
0x4a: {  	_ =	shalt  }
0x4b: {  	_ =	shalt  }
0x4c: {  	_ =	shalt  }
0x4d: {  	_ =	shalt  }
0x4e: {  	_ =	shalt  }
0x4f: {  	_ =	shalt  }
0x50: {  	_ =	shalt  }
0x51: {  	_ =	shalt  }
0x52: {  	_ =	shalt  }
0x53: {  	_ =	shalt  }
0x54: {  	_ =	shalt  }
0x55: {  	_ =	shalt  }
0x56: {  	_ =	shalt  }
0x57: {  	_ =	shalt  }
0x58: {  	_ =	shalt  }
0x59: {  	_ =	shalt  }
0x5a: {  	_ =	shalt  }
0x5b: {  	_ =	shalt  }
0x5c: {  	_ =	shalt  }
0x5d: {  	_ =	shalt  }
0x5e: {  	_ =	shalt  }
0x5f: {  	_ =	shalt  }
0x60: {  	_ =	shalt  }
0x61: {  	_ =	shalt  }
0x62: {  	_ =	shalt  }
0x63: {  	_ =	shalt  }
0x64: {  	_ =	shalt  }
0x65: {  	_ =	shalt  }
0x66: {  	_ =	shalt  }
0x67: {  	_ =	shalt  }
0x68: {  	_ =	shalt  }
0x69: {  	_ =	shalt  }
0x6a: {  	_ =	shalt  }
0x6b: {  	_ =	shalt  }
0x6c: {  	_ =	shalt  }
0x6d: {  	_ =	shalt  }
0x6e: {  	_ =	shalt  }
0x6f: {  	_ =	shalt  }
0x70: {  	_ =	shalt  }
0x71: {  	_ =	shalt  }
0x72: {  	_ =	shalt  }
0x73: {  	_ =	shalt  }
0x74: {  	_ =	shalt  }
0x75: {  	_ =	shalt  }
0x76: {  	_ =	shalt  }
0x77: {  	_ =	shalt  }
0x78: {  	_ =	shalt  }
0x79: {  	_ =	shalt  }
0x7a: {  	_ =	shalt  }
0x7b: {  	_ =	shalt  }
0x7c: {  	_ =	shalt  }
0x7d: {  	_ =	shalt  }
0x7e: {  	_ =	shalt  }
0x7f: {  	_ =	shalt  }
0x80: {  	_ =	shalt  }
0x81: {  	_ =	shalt  }
0x82: {  	_ =	shalt  }
0x83: {  	_ =	shalt  }
0x84: {  	_ =	shalt  }
0x85: {  	_ =	shalt  }
0x86: {  	_ =	shalt  }
0x87: {  	_ =	shalt  }
.Lfunc_end0:
.L_simem_size_0:
called_computation.1_lowered:
.L_overlay_start_0:
0x88: {  	s2 =	sld [smem:$0x3FD9]  }
0x89: {  	s3 =	sld [smem:$0x3FFE];
	_ =	sdelay $0x1  }
0x8a: {  	s1 =	srdreg.scid  }
0x8b: {  	s0 =	sand.u32 $0x1, s1  }
0x8c: {  	s17 =	sshll.u32 s0, $0xA;
	s2 =	sadd.s32 s3, s2  }
0x8d: {  	s2 =	sadd.s32 s2, s17  }
0x8e: {  	[smem:$0x3FB8] =	sst s2  }
0x8f: {  	_ = 	snop  }
0x90: {  	s2 =	sld [smem:$0x3FD0];
	(tm) =	ssettm $0x1  }
0x91: {  	s18 =	sld [smem:$0x3FFB];
	_ =	sdelay $0x3  }
0x92: {  	_ =	strace s18  }
0x93: {  	s3 =	sld [smem:$0x3FFC];
	_ =	sdelay $0x3  }
0x94: {  	_ =	strace s3  }
0x95: {  	s3 =	sld [smem:$0x3FFD];
	_ =	sdelay $0x3  }
0x96: {  	_ =	strace s3  }
0x97: {  	_ =	strace $0x8FFFFFFF  }
0x98: {  	s19 =	sld [smem:$0x3FDB];
	_ =	sdelay $0x1  }
0x99: {  	s4 =	simm.s32 $_scs_section_size  }
0x9a: {  	s5 =	simm.s32 $_size__tile_overlayer_lowered;
	s6 =	simm.s32 $_tile_overlayer_lowered  }
0x9b: {  	s22 =	simm.s32 $0x1BFF;
	s21 =	sshll.u32 s6, $0x1;
	s3 =	sadd.s32 s4, s19  }
0x9c: {  	s7 =	simm.s32 $0x0;
	s20 =	sshll.u32 s5, $0x1;
	s5 =	sadd.s32 s21, s3  }
0x9d: {  	[timem:s7], [sflag:s22] =	dma.local [hbm:s5], s20  }
0x9e: {  	_ =	swait.ge [sflag:s22], s20  }
0x9f: {  	s4 =	ssub.s32 $0x0, s20;
	[sflag:s22] =	ssyncset.done $0x0  }
0xa0: {  	[sflag:s22] =	ssyncadd.s32 s4;
	_ =	sdelay $0x1  }
0xa1: {  	s23 =	simm.s32 $0x1B8B  }
0xa2: {  	_ =	swait.ge [sflag:s23], $0x1  }
0xa3: {  	[sflag:s23] =	ssyncset.done $0x0  }
0xa4: {  	s25 =	simm.s32 $0x1B8E;
	s24 =	sld [smem:$0x3FFE];
	[sflag:s23] =	ssyncadd.s32 $0xFFFFFFFF  }
0xa5: {  	s26 =	simm.s32 $execute0_lowered;
	[smem:$0x3FD2] =	sst s25  }
0xa6: {  	s5 =	sshll.u32 s26, $0x1;
	_ =	strace $0x80000049;
	[dreg:$0x1] =	wrdreg $0xFFFFFFFF  }
0xa7: {  	s28 =	simm.s32 $_size_execute0_lowered;
	s3 =	sadd.s32 s3, s5;
	[dreg:$0x0] =	wrdreg $0x0  }
0xa8: {  	s5 =	sshll.u32 s28, $0x1;
	[dreg:$0x2] =	wrdreg s3  }
0xa9: {  	[dreg:$0x3] =	wrdreg s5  }
0xaa: {  	[dreg:$0x4] =	wrdreg $0xC0  }
0xab: {  	_ =	task [dreg:s7], $0x5FFFF  }
0xac: {  	[dreg:$0x1] =	wrdreg $0xFFFFFFFF  }
0xad: {  	[dreg:$0x0] =	wrdreg $0x60  }
0xae: {  	[dreg:$0x2] =	wrdreg s2  }
0xaf: {  	[dreg:$0x3] =	wrdreg s24  }
0xb0: {  	[dreg:$0x4] =	wrdreg $0xB9000  }
0xb1: {  	[dreg:$0x5] =	wrdreg $0x9  }
0xb2: {  	_ =	task.clear_ibuf [dreg:s7], $0x6FFFF;
	_ =	strace $0x90000049  }
0xb3: {  	s29 =	simm.s32 $0x9;
	_ =	strace $0x8000004B  }
0xb4: {  	_ =	swait.ge [sflag:s29], $0x1  }
0xb5: {  	[sflag:s29] =	ssyncadd.s32 $0xFFFFFFFF  }
0xb6: {  	_ =	strace $0x9000004B  }
0xb7: {  	_ =	sfence  }
0xb8: {  	s30 =	sld [smem:$0x0];
	_ =	sdelay $0x2  }
0xb9: {  	s31 =	sshll.u32 s1, $0xD;
	s1 =	sshrl.u32 s1, $0x2  }
0xba: {  	s3 =	sand.u32 $0x4000, s31;
	s1 =	sadd.s32 s1, s30  }
0xbb: {  	s0 =	sor.u32 s3, s0;
	s1 =	sshll.u32 s1, $0x11  }
0xbc: {  	s0 =	sor.u32 s1, s0  }
0xbd: {  	s0 =	sadd.s32 $0x8F2B, s0  }
0xbe: {  	[sflag:s0] =	ssyncadd.remote.s32 $0x1  }
0xbf: {  	_ =	sfence.sel $0xFFFF  }
0xc0: {  	[dreg:$0x0] =	wrdreg $0xFFFFFFFF;
	(pc) =	sbr.abs _section_cstart, $3  }
0xc1: {  	[dreg:$0x1] =	wrdreg $0xFFFFFFFF  }
0xc2: {  	_ =	task.clear_ibuf [dreg:s7], $0x2FFFF;
	_ =	strace $0x9FFFFFFF  }
0xc3: {  	(tm) =	ssettm $0x7FFFFFFF  }
tec
execute0_lowered:
.L_overlay_start_1:
0x0: {  	(tag) =	ssettag $0x1  }
0x1: {  	s1 =	rddreg [dreg:$0x0]  }
0x2: {  	s0 =	srdreg.scid;
	s4 =	rddreg [dreg:$0x1]  }
0x3: {  	s26 =	stileid.u32;
	s3 =	rddreg [dreg:$0x2]  }
0x4: {  	s6 =	simm.s32 $0x0;
	s20 =	simm.s32 $0x3;
	s22 =	simm.s32 $0x7D  }
0x5: {  	s23 =	simm.s32 $0x7A80;
	s24 =	simm.s32 $0x1;
	s25 =	simm.s32 $0x2  }
0x6: {  	s29 =	simm.s32 $0x3B80;
	s30 =	simm.s32 $0x0;
	s2 =	sand.u32 $0x1, s0  }
0x7: {  	[smem:$0x7FF] =	sst s6;
	s11 =	smul.u32 $0x13880, s26;
	s5 =	sshll.u32 s2, $0x4  }
0x8: {  	s28 =	ssub.s32 $0x2, s2;
	_ =	strace $0x8000004A;
	s2 =	smul.u32 $0x138800, s2  }
0x9: {  	s5 =	sor.u32 s26, s5;
	s31 =	sshrl.u32 s28, $0x1;
	s13 =	sadd.s32 $0x3E80, s11  }
0xa: {  	s15 =	sadd.s32 $0x7D00, s11;
	s16 =	sadd.s32 $0xBB80, s11;
	s17 =	sadd.s32 $0xFA00, s11  }
0xb: {  	s5 =	smul.u32 $0x2800, s5;
	s18 =	ssub.s32 s28, s31;
	s6 =	sadd.s32 s13, s3  }
0xc: {  	s7 =	sadd.s32 s15, s3;
	s8 =	sadd.s32 s16, s3;
	s9 =	sadd.s32 s17, s3  }
0xd: {  	s14 =	sadd.s32 s11, s2;
	s13 =	sadd.s32 s2, s13;
	s15 =	sadd.s32 s2, s15  }
0xe: {  	s16 =	sadd.s32 s2, s16;
	s2 =	sadd.s32 s2, s17;
	s14 =	sshrl.u32 s14, $0x3  }
0xf: {  	s19 =	sshrl.u32 s13, $0x3;
	s15 =	sshrl.u32 s15, $0x3;
	s16 =	sshrl.u32 s16, $0x3  }
0x10: {  	s2 =	sshrl.u32 s2, $0x3;
	s18 =	smax.u32 s18, $0x1;
	s5 =	sshrl.u32 s5, $0x3  }
0x11: {  	s12 =	sadd.s32 s5, s4;
	s4 =	sadd.s32 $0x22000, s4;
	s5 =	sadd.s32 s11, s3  }
0x12: {  	s10 =	sadd.s32 $0xE000, s12;
	s11 =	sadd.s32 $0x18000, s12;
	s12 =	sadd.s32 $0x18280, s12  }
0x13: {  	s13 =	sadd.s32 s4, s14;
	s14 =	sadd.s32 s4, s19;
	s15 =	sadd.s32 s4, s15  }
0x14: {  	v0 =	vimm.f32 $0.0e+00;
	s16 =	sadd.s32 s4, s16;
	s17 =	sadd.s32 s4, s2;
	s19 =	simm.s32 $0x3C00  }
.LBB2_1:
0x15: {  	s0 =	simm.s32 $0x0  }
0x16: {  	s2 =	simm.s32 $0x10;
	s4 =	sand.u32 $0x3FF0, s0  }
.LBB2_2:
0x17: {  	p0 =	sne.s32 s2, $0x3E70;
	[tilespmem:s4+$0x3C00] =	vst v0;
	s4 =	smov.u32 s2;
	s2 =	sadd.s32 $0x10, s2  }
.Ltmp0:
0x18: {  	(pc) =	sbr.rel @p0 .LBB2_2-.Ltmp0, $2  }
0x19: {  	_ =	sdelay $0x2  }
0x1a: {  	s4 =	sand.u32 $0x3FF0, s4  }
0x1b: {  	[tilespmem:s4+$0x3C00] =	vst v0  }
0x1c: {  	[spmem:s5] =	stream.linear.scatter [tilespmem:s19], [sflag:$0x3], $0x3E80, $0x38;
	[tilespmem:$0x1F180] =	vst v63  }
0x1d: {  	_ =	swait.ge [sflag:s20], $0x3E80  }
0x1e: {  	[sflag:s20] =	ssyncset.done $0x0  }
0x1f: {  	[sflag:s20] =	ssyncadd.s32 $0xFFFFC180  }
0x20: {  	[spmem:s6] =	stream.linear.scatter [tilespmem:s19], [sflag:$0x3], $0x3E80, $0x38;
	[tilespmem:$0x1F180] =	vst v63  }
0x21: {  	_ =	swait.ge [sflag:s20], $0x3E80  }
0x22: {  	[sflag:s20] =	ssyncset.done $0x0  }
0x23: {  	[sflag:s20] =	ssyncadd.s32 $0xFFFFC180  }
0x24: {  	[spmem:s7] =	stream.linear.scatter [tilespmem:s19], [sflag:$0x3], $0x3E80, $0x38;
	[tilespmem:$0x1F180] =	vst v63  }
0x25: {  	_ =	swait.ge [sflag:s20], $0x3E80  }
0x26: {  	[sflag:s20] =	ssyncset.done $0x0  }
0x27: {  	[sflag:s20] =	ssyncadd.s32 $0xFFFFC180  }
0x28: {  	[spmem:s8] =	stream.linear.scatter [tilespmem:s19], [sflag:$0x3], $0x3E80, $0x38;
	[tilespmem:$0x1F180] =	vst v63  }
0x29: {  	_ =	swait.ge [sflag:s20], $0x3E80  }
0x2a: {  	[sflag:s20] =	ssyncset.done $0x0  }
0x2b: {  	[sflag:s20] =	ssyncadd.s32 $0xFFFFC180  }
0x2c: {  	[spmem:s9] =	stream.linear.scatter [tilespmem:s19], [sflag:$0x3], $0x3E80, $0x38;
	[tilespmem:$0x1F180] =	vst v63  }
0x2d: {  	_ =	swait.ge [sflag:s20], $0x3E80  }
0x2e: {  	[sflag:s20] =	ssyncset.done $0x0  }
0x2f: {  	[sflag:s20] =	ssyncadd.s32 $0xFFFFC180  }
0x30: {  	s2 =	simm.s32 $0x0;
	[bflag:$0x0] =	sbarrier.arrive $0xFFFF  }
0x31: {  	[tilespmem:s2], [sflag:$0x3] =	stream.linear.gather [hbm4b:s10+s2], $0x2800, $0x38;
	[tilespmem:$0x1F180] =	vst v63  }
0x32: {  	_ =	swait.ge [sflag:s20], $0x2800  }
0x33: {  	[sflag:s20] =	ssyncset.done $0x0  }
0x34: {  	s0 =	simm.s32 $0x2800;
	[sflag:s20] =	ssyncadd.s32 $0xFFFFD800  }
0x35: {  	[tilespmem:s0], [sflag:$0x3] =	stream.linear.gather [hbm4b:s11+s2], $0x1400, $0x38;
	[tilespmem:$0x1F180] =	vst v63  }
0x36: {  	_ =	swait.ge [sflag:s20], $0x1400  }
0x37: {  	[sflag:s20] =	ssyncset.done $0x0  }
0x38: {  	p0 =	por $0x1, $0x1;
	[sflag:s20] =	ssyncadd.s32 $0xFFFFEC00  }
0x39: {  	[tilespmem:s19], [sflag:$0x1] =	stream.indirect.gather [hbm4b:s1+s22], $0x80, s2, s22, $0xb8;
	[tilespmem:$0x1F180] =	vst v63  }
0x3a: {  	s4 =	simm.s32 @!p0 $0x0;
	s31 =	simm.s32 @!p0 $0x2800;
	s0 =	simm.s32 @!p0 $0x3  }
0x3b: {  	[tilespmem:s31], [sflag:$0x3] =	stream.linear.gather @!p0 [hbm4b:s12+s4], $0x1400, $0x38;
	[tilespmem:$0x1F180] =	vst v63  }
0x3c: {  	_ =	swait.ge @!p0 [sflag:s0], $0x1400  }
0x3d: {  	s21 =	simm.s32 $0x80;
	[sflag:s0] =	ssyncset.done @!p0 $0x0  }
0x3e: {  	s4 =	simm.s32 $0xFFFFB000;
	[sflag:s0] =	ssyncadd.s32 @!p0 $0xFFFFEC00;
	p0 =	por $0x0, $0x0  }
0x3f: {  	[tilespmem:s23], [sflag:$0x2] =	stream.indirect.gather [hbm4b:s1+s22], $0x80, s21, s22, $0xb8;
	[tilespmem:$0x1F180] =	vst v63  }
0x40: {  	s2 =	smov.u32 @p0 s4;
	_ =	swait.ge [sflag:s24], $0x3E80  }
0x41: {  	s26 =	sshra.s32 s2, $0x2;
	[sflag:s24] =	ssyncset.done $0x0  }
0x42: {  	s2 =	sadd.s32 $0x2800, s26;
	[sflag:s24] =	ssyncadd.s32 $0xFFFFC180  }
0x43: {  	[spmem:s3] =	stream.indirect.scatter.add.f32 [tilespmem:s19], [sflag:$0x3], $0x80, s2, s22, $0xb8;
	[tilespmem:$0x1F180] =	vst v63  }
0x44: {  	_ =	swait.ge [sflag:s20], $0x3E80  }
0x45: {  	[sflag:s20] =	ssyncset.done $0x0  }
0x46: {  	s28 =	simm.s32 $0x100;
	[sflag:s20] =	ssyncadd.s32 $0xFFFFC180  }
0x47: {  	[tilespmem:s19], [sflag:$0x1] =	stream.indirect.gather [hbm4b:s1+s22], $0x80, s28, s22, $0xb8;
	[tilespmem:$0x1F180] =	vst v63  }
0x48: {  	_ =	swait.ge [sflag:s25], $0x3E80  }
0x49: {  	p1 =	por $0x1, $0x1;
	[sflag:s25] =	ssyncset.done $0x0  }
0x4a: {  	s31 =	simm.s32 $0x400;
	s0 =	sadd.s32 $0x2880, s26;
	[sflag:s25] =	ssyncadd.s32 $0xFFFFC180  }
0x4b: {  	[spmem:s3] =	stream.indirect.scatter.add.f32 [tilespmem:s23], [sflag:$0x3], $0x80, s0, s22, $0xb8;
	[tilespmem:$0x1F180] =	vst v63  }
0x4c: {  	s4 =	simm.s32 $0x800;
	s2 =	simm.s32 $0x1;
	_ =	swait.ge [sflag:s20], $0x3E80  }
.LBB2_4:
0x4d: {  	s0 =	simm.s32 @!p1 $0x0  }
0x4e: {  	s21 =	simm.s32 @!p1 $0x2800;
	[sflag:s20] =	ssyncset.done $0x0;
	s26 =	smov.u32 s4  }
0x4f: {  	s4 =	sadd.s32 $0x400, s4;
	s28 =	simm.s32 @!p1 $0x3;
	[sflag:s20] =	ssyncadd.s32 $0xFFFFC180  }
0x50: {  	[tilespmem:s21], [sflag:$0x3] =	stream.linear.gather @!p1 [hbm4b:s12+s0], $0x1400, $0x38;
	[tilespmem:$0x1F180] =	vst v63  }
0x51: {  	p0 =	sne.s32 s4, $0x9C00;
	_ =	swait.ge @!p1 [sflag:s28], $0x1400  }
0x52: {  	s0 =	sshra.s32 s31, $0x2;
	s21 =	sadd.s32 $0xFFFFB000, s31;
	[sflag:s28] =	ssyncset.done @!p1 $0x0  }
0x53: {  	[sflag:s28] =	ssyncadd.s32 @!p1 $0xFFFFEC00;
	p1 =	sgt.u32 s2, $0x13;
	s28 =	sadd.s32 $0x80, s0  }
0x54: {  	[tilespmem:s23], [sflag:$0x2] =	stream.indirect.gather [hbm4b:s1+s22], $0x80, s28, s22, $0xb8;
	[tilespmem:$0x1F180] =	vst v63  }
0x55: {  	s28 =	smov.u32 s31  }
0x56: {  	s31 =	smov.u32 s26;
	_ =	swait.ge [sflag:s24], $0x3E80;
	s28 =	smov.u32 @p1 s21  }
0x57: {  	[sflag:s24] =	ssyncset.done $0x0;
	s21 =	sshra.s32 s28, $0x2  }
0x58: {  	[sflag:s24] =	ssyncadd.s32 $0xFFFFC180;
	s26 =	sadd.s32 $0x2800, s21  }
0x59: {  	[spmem:s3] =	stream.indirect.scatter.add.f32 [tilespmem:s19], [sflag:$0x3], $0x80, s26, s22, $0xb8;
	[tilespmem:$0x1F180] =	vst v63  }
0x5a: {  	_ =	swait.ge [sflag:s20], $0x3E80  }
0x5b: {  	[sflag:s20] =	ssyncset.done $0x0  }
0x5c: {  	s0 =	sadd.s32 $0x100, s0;
	[sflag:s20] =	ssyncadd.s32 $0xFFFFC180  }
0x5d: {  	[tilespmem:s19], [sflag:$0x1] =	stream.indirect.gather [hbm4b:s1+s22], $0x80, s0, s22, $0xb8;
	[tilespmem:$0x1F180] =	vst v63  }
.Ltmp1:
0x5e: {  	_ =	swait.ge [sflag:s25], $0x3E80;
	(pc) =	sbr.rel @p0 .LBB2_4-.Ltmp1, $4  }
0x5f: {  	[sflag:s25] =	ssyncset.done $0x0  }
0x60: {  	s0 =	sadd.s32 $0x2880, s21;
	[sflag:s25] =	ssyncadd.s32 $0xFFFFC180  }
0x61: {  	[spmem:s3] =	stream.indirect.scatter.add.f32 [tilespmem:s23], [sflag:$0x3], $0x80, s0, s22, $0xb8;
	[tilespmem:$0x1F180] =	vst v63  }
0x62: {  	s2 =	sadd.s32 $0x1, s2;
	p1 =	sne.s32 s31, $0x5000;
	_ =	swait.ge [sflag:s20], $0x3E80  }
0x63: {  	[sflag:s20] =	ssyncset.done $0x0  }
0x64: {  	s0 =	simm.s32 @!p1 $0x0;
	s4 =	simm.s32 @!p1 $0x2800;
	[sflag:s20] =	ssyncadd.s32 $0xFFFFC180  }
0x65: {  	[tilespmem:s4], [sflag:$0x3] =	stream.linear.gather @!p1 [hbm4b:s12+s0], $0x1400, $0x38;
	[tilespmem:$0x1F180] =	vst v63  }
0x66: {  	s0 =	simm.s32 @!p1 $0x3  }
0x67: {  	_ =	swait.ge @!p1 [sflag:s0], $0x1400  }
0x68: {  	s26 =	sshra.s32 s31, $0x2;
	p0 =	sgt.u32 s2, $0x13;
	[sflag:s0] =	ssyncset.done @!p1 $0x0  }
0x69: {  	s28 =	sadd.s32 $0x80, s26;
	[sflag:s0] =	ssyncadd.s32 @!p1 $0xFFFFEC00;
	s0 =	sadd.s32 $0xFFFFB000, s31  }
0x6a: {  	[tilespmem:s23], [sflag:$0x2] =	stream.indirect.gather [hbm4b:s1+s22], $0x80, s28, s22, $0xb8;
	[tilespmem:$0x1F180] =	vst v63  }
0x6b: {  	s31 =	smov.u32 @p0 s0;
	_ =	swait.ge [sflag:s24], $0x3E80  }
0x6c: {  	s0 =	sshra.s32 s31, $0x2;
	[sflag:s24] =	ssyncset.done $0x0  }
0x6d: {  	s21 =	sadd.s32 $0x2800, s0;
	[sflag:s24] =	ssyncadd.s32 $0xFFFFC180  }
0x6e: {  	[spmem:s3] =	stream.indirect.scatter.add.f32 [tilespmem:s19], [sflag:$0x3], $0x80, s21, s22, $0xb8;
	[tilespmem:$0x1F180] =	vst v63  }
0x6f: {  	_ =	swait.ge [sflag:s20], $0x3E80  }
0x70: {  	[sflag:s20] =	ssyncset.done $0x0  }
0x71: {  	s26 =	sadd.s32 $0x100, s26;
	[sflag:s20] =	ssyncadd.s32 $0xFFFFC180  }
0x72: {  	[tilespmem:s19], [sflag:$0x1] =	stream.indirect.gather [hbm4b:s1+s22], $0x80, s26, s22, $0xb8;
	[tilespmem:$0x1F180] =	vst v63  }
0x73: {  	_ =	swait.ge [sflag:s25], $0x3E80  }
0x74: {  	[sflag:s25] =	ssyncset.done $0x0  }
0x75: {  	s0 =	sadd.s32 $0x2880, s0;
	[sflag:s25] =	ssyncadd.s32 $0xFFFFC180  }
0x76: {  	[spmem:s3] =	stream.indirect.scatter.add.f32 [tilespmem:s23], [sflag:$0x3], $0x80, s0, s22, $0xb8;
	[tilespmem:$0x1F180] =	vst v63  }
0x77: {  	_ =	swait.ge [sflag:s20], $0x3E80  }
0x78: {  	[sflag:s20] =	ssyncset.done $0x0  }
0x79: {  	s28 =	simm.s32 $0x2780;
	[sflag:s20] =	ssyncadd.s32 $0xFFFFC180  }
0x7a: {  	[tilespmem:s23], [sflag:$0x2] =	stream.indirect.gather [hbm4b:s1+s22], $0x80, s28, s22, $0xb8;
	[tilespmem:$0x1F180] =	vst v63  }
0x7b: {  	_ =	swait.ge [sflag:s24], $0x3E80  }
0x7c: {  	[sflag:s24] =	ssyncset.done $0x0  }
0x7d: {  	s31 =	simm.s32 $0x3B00;
	[sflag:s24] =	ssyncadd.s32 $0xFFFFC180  }
0x7e: {  	[spmem:s3] =	stream.indirect.scatter.add.f32 [tilespmem:s19], [sflag:$0x3], $0x80, s31, s22, $0xb8;
	[tilespmem:$0x1F180] =	vst v63  }
0x7f: {  	_ =	swait.ge [sflag:s20], $0x3E80  }
0x80: {  	[sflag:s20] =	ssyncset.done $0x0  }
0x81: {  	[sflag:s20] =	ssyncadd.s32 $0xFFFFC180  }
0x82: {  	_ =	swait.ge [sflag:s25], $0x3E80  }
0x83: {  	[sflag:s25] =	ssyncset.done $0x0  }
0x84: {  	[sflag:s25] =	ssyncadd.s32 $0xFFFFC180  }
0x85: {  	[spmem:s3] =	stream.indirect.scatter.add.f32 [tilespmem:s23], [sflag:$0x3], $0x80, s29, s22, $0xb8;
	[tilespmem:$0x1F180] =	vst v63  }
0x86: {  	_ =	swait.ge [sflag:s20], $0x3E80  }
0x87: {  	s2 =	stileid.u32;
	[sflag:s20] =	ssyncset.done $0x0  }
0x88: {  	s0 =	sshll.u32 s2, $0x6;
	[sflag:s20] =	ssyncadd.s32 $0xFFFFC180  }
0x89: {  	s4 =	sshrl.u32 s5, $0x3;
	s0 =	sor.u32 $0x1C03, s0;
	[bflag:$0x0] =	sbarrier.arrive $0xFFFF  }
0x8a: {  	[hbm:s13], [sflag:s0] =	dma.local [spmem:s4], $0x7D0  }
0x8b: {  	_ =	swait.ge [sflag:s20], $0x7D0  }
0x8c: {  	[sflag:s20] =	ssyncset.done $0x0  }
0x8d: {  	s21 =	sshrl.u32 s6, $0x3;
	[sflag:s20] =	ssyncadd.s32 $0xFFFFF830  }
0x8e: {  	[hbm:s14], [sflag:s0] =	dma.local [spmem:s21], $0x7D0  }
0x8f: {  	_ =	swait.ge [sflag:s20], $0x7D0  }
0x90: {  	[sflag:s20] =	ssyncset.done $0x0  }
0x91: {  	s26 =	sshrl.u32 s7, $0x3;
	[sflag:s20] =	ssyncadd.s32 $0xFFFFF830  }
0x92: {  	[hbm:s15], [sflag:s0] =	dma.local [spmem:s26], $0x7D0  }
0x93: {  	_ =	swait.ge [sflag:s20], $0x7D0  }
0x94: {  	[sflag:s20] =	ssyncset.done $0x0  }
0x95: {  	s28 =	sshrl.u32 s8, $0x3;
	[sflag:s20] =	ssyncadd.s32 $0xFFFFF830  }
0x96: {  	[hbm:s16], [sflag:s0] =	dma.local [spmem:s28], $0x7D0  }
0x97: {  	s30 =	sadd.s32 $0x1, s30;
	_ =	swait.ge [sflag:s20], $0x7D0  }
0x98: {  	p0 =	sne.s32 s30, s18;
	[sflag:s20] =	ssyncset.done $0x0  }
.Ltmp2:
0x99: {  	s31 =	sshrl.u32 s9, $0x3;
	[sflag:s20] =	ssyncadd.s32 $0xFFFFF830;
	(pc) =	sbr.rel @p0 .LBB2_1-.Ltmp2, $4  }
0x9a: {  	[hbm:s17], [sflag:s0] =	dma.local [spmem:s31], $0x7D0  }
0x9b: {  	_ =	swait.ge [sflag:s20], $0x7D0  }
0x9c: {  	[sflag:s20] =	ssyncset.done $0x0  }
0x9d: {  	[sflag:s20] =	ssyncadd.s32 $0xFFFFF830  }
0x9e: {  	_ =	sfence.sel $0x180000  }
0x9f: {  	[bflag:$0x0] =	sbarrier.arrive $0xFFFF  }
0xa0: {  	_ =	strace $0x9000004A  }
0xa1: {  	s0 =	stileid.u32;
	[bflag:$0x2] =	sbarrier.arrive $0xFFFF  }
0xa2: {  	p0 =	sne.s32 s0, $0x0;
	s0 =	rddreg [dreg:$0x3]  }
0xa3: {  	s0 =	sadd.s32 @!p0 $0x100000, s0  }
0xa4: {  	[sflag:s0] =	ssyncadd.tile.s32 @!p0 $0x1;
	_ =	shalt  }
.Lfunc_end2:
_tile_overlayer_lowered:
.L_overlay_start_2:
0xa5: {  	(tag) =	ssettag $0x2  }
0xa6: {  	s0 =	rddreg [dreg:$0x0];
	s2 =	stileid.u32  }
0xa7: {  	s1 =	rddreg [dreg:$0x1];
	p0 =	sne.s32 s2, $0x0  }
0xa8: {  	s3 =	rddreg [dreg:$0x2];
	[bflag:$0x3] =	sbarrier.arrive $0xFFFF;
	s2 =	simm.s32 @!p0 $0x1C03  }
0xa9: {  	[timem:s3], [sflag:s2] =	dma.local @!p0 [hbm:s0], s1  }
0xaa: {  	s0 =	simm.s32 @!p0 $0x3  }
0xab: {  	_ =	swait.ge @!p0 [sflag:s0], s1  }
0xac: {  	s1 =	ssub.s32 @!p0 $0x0, s1;
	[sflag:s0] =	ssyncset.done @!p0 $0x0  }
0xad: {  	[sflag:s0] =	ssyncadd.s32 @!p0 s1  }
0xae: {  	[bflag:$0x3] =	sbarrier.arrive $0xFFFF  }
0xaf: {  	_ =	shalt  }

// kernel: kernel.16.cloned.1.call-start
scs
__scs_entry_jumppad:
0x0: {  	(pc) =	sbr.rel $0x88, $3  }
0x1: {  	(tag) =	ssettag $0x0;
	lr =	simm.s32 $0x1  }
0x2: {  	[smem:$0x3F91] =	sst lr;
	_ =	strace $0xD0000000  }
0x3: {  	_ = 	snop  }
0x4: {  	_ = 	snop  }
0x5: {  	_ = 	snop  }
0x6: {  	_ = 	snop  }
0x7: {  	_ = 	snop  }
__scs_overlays_trampoline_lowered:
0x8: {  	[smem:$0x3FA0] =	sst s0  }
0x9: {  	[smem:$0x3FA1] =	sst s1  }
0xa: {  	[smem:$0x3FA2] =	sst s2  }
0xb: {  	[smem:$0x3FA3] =	sst s3  }
0xc: {  	[smem:$0x3FA4] =	sst s4  }
0xd: {  	[smem:$0x3FA5] =	sst s5  }
0xe: {  	[smem:$0x3FA6] =	sst s6  }
0xf: {  	[smem:$0x3FA7] =	sst s7  }
0x10: {  	[smem:$0x3FA8] =	sst s8  }
0x11: {  	[smem:$0x3FA9] =	sst s9;
	s0 =	simm.s32 @!p0 $0x0  }
0x12: {  	s1 =	sld [smem:$0x3F8F];
	s0 =	simm.s32 @p0 $0x1  }
0x13: {  	[smem:$0x3FAA] =	sst s0;
	s0 =	simm.s32 @!p1 $0x0  }
0x14: {  	s2 =	sld [smem:$0x3F8E];
	s0 =	simm.s32 @p1 $0x1  }
0x15: {  	[smem:$0x3FAB] =	sst s0;
	s0 =	simm.s32 @!p2 $0x0  }
0x16: {  	s3 =	sld [smem:$0x3FDB];
	s0 =	simm.s32 @p2 $0x1  }
0x17: {  	s4 =	simm.s32 $0x1BF5;
	[smem:$0x3FAD] =	sst s0  }
0x18: {  	s0 =	sld [smem:$0x3F90];
	_ =	swait.ge [sflag:s4], $0x0  }
0x19: {  	s7 =	sld [smem:$0x3F91]  }
0x1a: {  	s8 =	sadd.s32 $0xFFFFE003, lr  }
0x1b: {  	s9 =	sadd.s32 $0xFFFFFEF7, lr;
	s5 =	simm.s32 $0xFFFFFFFF;
	p2 =	slt.u32 s8, $0xFFFFF086  }
0x1c: {  	p1 =	slt.u32 s9, $0xF7A;
	s5 =	simm.s32 @!p2 $0x0  }
0x1d: {  	s5 =	simm.s32 @p1 $0x1;
	p0 =	seq.s32 s7, s2  }
0x1e: {  	s7 =	smul.u32 @!p0 $0xF7A, s2;
	p2 =	seq.s32 @!p0 s5, $0x0  }
0x1f: {  	s9 =	smul.u32 $0xF7A, s1;
	s8 =	simm.s32 @!p0 $0x1BF5;
	p2 =	por !p2, p0  }
0x20: {  	[sflag:s8] =	ssyncset.s32 @!p0 $0xFFFFF086;
	s6 =	sadd.s32 @!p0 s3, s7;
	s7 =	simm.s32 @!p0 $0x108  }
0x21: {  	s3 =	sadd.s32 s3, s9;
	s6 =	sadd.s32 @!p0 $0x88, s6;
	s7 =	simm.s32 @p2 $0x1082  }
0x22: {  	[simem:s7], [sflag:s8] =	dma.local @!p0 [hbm:s6], $0xF7A  }
0x23: {  	s9 =	sor.u32 $0xD0000000, s2;
	s6 =	simm.s32 $0x108;
	_ =	swait.ge @!p0 [sflag:s8], $0x0  }
0x24: {  	s3 =	sadd.s32 $0x88, s3;
	s6 =	simm.s32 @!p1 $0x1082;
	[sflag:s4] =	ssyncset.s32 $0xFFFFF086  }
0x25: {  	[simem:s6], [sflag:s4] =	dma.local [hbm:s3], $0xF7A  }
0x26: {  	[smem:$0x3F91] =	sst s1;
	(tag) =	ssettag s2;
	_ =	strace s9  }
0x27: {  	s1 =	sld [smem:$0x3FA1]  }
0x28: {  	s2 =	sld [smem:$0x3FA2]  }
0x29: {  	s4 =	sld [smem:$0x3FA4]  }
0x2a: {  	p0 =	seq.s32 s5, $0x0;
	s5 =	sld [smem:$0x3FA5]  }
0x2b: {  	s6 =	sld [smem:$0x3FA6]  }
0x2c: {  	s7 =	sld [smem:$0x3FA7]  }
0x2d: {  	s3 =	simm.s32 $0x108;
	s8 =	sld [smem:$0x3FA8]  }
0x2e: {  	s3 =	simm.s32 @!p0 $0x1082;
	s9 =	sld [smem:$0x3FA9]  }
0x2f: {  	lr =	sadd.s32 s0, s3;
	s0 =	sld [smem:$0x3FA0]  }
0x30: {  	s3 =	sld [smem:$0x3FA3]  }
0x31: {  	[smem:$0x3FAC] =	sst s10  }
0x32: {  	s10 =	sld [smem:$0x3FAA];
	_ =	sdelay $0x3  }
0x33: {  	p0 =	seq.s32 s10, $0x1;
	s10 =	sld [smem:$0x3FAC];
	_ =	sdelay $0x3  }
0x34: {  	[smem:$0x3FAC] =	sst s10  }
0x35: {  	s10 =	sld [smem:$0x3FAB];
	_ =	sdelay $0x3  }
0x36: {  	p1 =	seq.s32 s10, $0x1;
	s10 =	sld [smem:$0x3FAC];
	_ =	sdelay $0x3  }
0x37: {  	[smem:$0x3FAC] =	sst s10  }
0x38: {  	s10 =	sld [smem:$0x3FAD]  }
0x39: {  	_ = 	snop;
	(pc) =	sbr.ind lr, $3  }
0x3a: {  	_ = 	snop  }
0x3b: {  	_ = 	snop  }
0x3c: {  	p2 =	seq.s32 s10, $0x1;
	s10 =	sld [smem:$0x3FAC]  }
0x3d: {  	_ =	shalt  }
0x3e: {  	_ =	shalt  }
0x3f: {  	_ =	shalt  }
0x40: {  	_ =	shalt  }
0x41: {  	_ =	shalt  }
0x42: {  	_ =	shalt  }
0x43: {  	_ =	shalt  }
0x44: {  	_ =	shalt  }
0x45: {  	_ =	shalt  }
0x46: {  	_ =	shalt  }
0x47: {  	_ =	shalt  }
0x48: {  	_ =	shalt  }
0x49: {  	_ =	shalt  }
0x4a: {  	_ =	shalt  }
0x4b: {  	_ =	shalt  }
0x4c: {  	_ =	shalt  }
0x4d: {  	_ =	shalt  }
0x4e: {  	_ =	shalt  }
0x4f: {  	_ =	shalt  }
0x50: {  	_ =	shalt  }
0x51: {  	_ =	shalt  }
0x52: {  	_ =	shalt  }
0x53: {  	_ =	shalt  }
0x54: {  	_ =	shalt  }
0x55: {  	_ =	shalt  }
0x56: {  	_ =	shalt  }
0x57: {  	_ =	shalt  }
0x58: {  	_ =	shalt  }
0x59: {  	_ =	shalt  }
0x5a: {  	_ =	shalt  }
0x5b: {  	_ =	shalt  }
0x5c: {  	_ =	shalt  }
0x5d: {  	_ =	shalt  }
0x5e: {  	_ =	shalt  }
0x5f: {  	_ =	shalt  }
0x60: {  	_ =	shalt  }
0x61: {  	_ =	shalt  }
0x62: {  	_ =	shalt  }
0x63: {  	_ =	shalt  }
0x64: {  	_ =	shalt  }
0x65: {  	_ =	shalt  }
0x66: {  	_ =	shalt  }
0x67: {  	_ =	shalt  }
0x68: {  	_ =	shalt  }
0x69: {  	_ =	shalt  }
0x6a: {  	_ =	shalt  }
0x6b: {  	_ =	shalt  }
0x6c: {  	_ =	shalt  }
0x6d: {  	_ =	shalt  }
0x6e: {  	_ =	shalt  }
0x6f: {  	_ =	shalt  }
0x70: {  	_ =	shalt  }
0x71: {  	_ =	shalt  }
0x72: {  	_ =	shalt  }
0x73: {  	_ =	shalt  }
0x74: {  	_ =	shalt  }
0x75: {  	_ =	shalt  }
0x76: {  	_ =	shalt  }
0x77: {  	_ =	shalt  }
0x78: {  	_ =	shalt  }
0x79: {  	_ =	shalt  }
0x7a: {  	_ =	shalt  }
0x7b: {  	_ =	shalt  }
0x7c: {  	_ =	shalt  }
0x7d: {  	_ =	shalt  }
0x7e: {  	_ =	shalt  }
0x7f: {  	_ =	shalt  }
0x80: {  	_ =	shalt  }
0x81: {  	_ =	shalt  }
0x82: {  	_ =	shalt  }
0x83: {  	_ =	shalt  }
0x84: {  	_ =	shalt  }
0x85: {  	_ =	shalt  }
0x86: {  	_ =	shalt  }
0x87: {  	_ =	shalt  }
.Lfunc_end0:
.L_simem_size_0:
called_computation.2_lowered:
.L_overlay_start_0:
0x88: {  	s2 =	sld [smem:$0x3FD9]  }
0x89: {  	s3 =	sld [smem:$0x3FFE];
	_ =	sdelay $0x1  }
0x8a: {  	s1 =	srdreg.scid  }
0x8b: {  	s0 =	sand.u32 $0x1, s1  }
0x8c: {  	s17 =	sshll.u32 s0, $0xA;
	s2 =	sadd.s32 s3, s2  }
0x8d: {  	s2 =	sadd.s32 s2, s17  }
0x8e: {  	[smem:$0x3FB8] =	sst s2  }
0x8f: {  	_ = 	snop  }
0x90: {  	s2 =	sld [smem:$0x3FD0];
	(tm) =	ssettm $0x1  }
0x91: {  	s18 =	sld [smem:$0x3FFB];
	_ =	sdelay $0x3  }
0x92: {  	_ =	strace s18  }
0x93: {  	s3 =	sld [smem:$0x3FFC];
	_ =	sdelay $0x3  }
0x94: {  	_ =	strace s3  }
0x95: {  	s3 =	sld [smem:$0x3FFD];
	_ =	sdelay $0x3  }
0x96: {  	_ =	strace s3  }
0x97: {  	_ =	strace $0x8FFFFFFF  }
0x98: {  	s19 =	sld [smem:$0x3FDB];
	_ =	sdelay $0x1  }
0x99: {  	s4 =	simm.s32 $_scs_section_size  }
0x9a: {  	s5 =	simm.s32 $_size__tile_overlayer_lowered;
	s6 =	simm.s32 $_tile_overlayer_lowered  }
0x9b: {  	s22 =	simm.s32 $0x1BFF;
	s21 =	sshll.u32 s6, $0x1;
	s3 =	sadd.s32 s4, s19  }
0x9c: {  	s7 =	simm.s32 $0x0;
	s20 =	sshll.u32 s5, $0x1;
	s5 =	sadd.s32 s21, s3  }
0x9d: {  	[timem:s7], [sflag:s22] =	dma.local [hbm:s5], s20  }
0x9e: {  	_ =	swait.ge [sflag:s22], s20  }
0x9f: {  	s4 =	ssub.s32 $0x0, s20;
	[sflag:s22] =	ssyncset.done $0x0  }
0xa0: {  	[sflag:s22] =	ssyncadd.s32 s4;
	_ =	sdelay $0x1  }
0xa1: {  	s23 =	simm.s32 $0x1B8B  }
0xa2: {  	_ =	swait.ge [sflag:s23], $0x1  }
0xa3: {  	[sflag:s23] =	ssyncset.done $0x0  }
0xa4: {  	s25 =	simm.s32 $0x1B8E;
	s24 =	sld [smem:$0x3FFE];
	[sflag:s23] =	ssyncadd.s32 $0xFFFFFFFF  }
0xa5: {  	s26 =	simm.s32 $execute0_lowered;
	[smem:$0x3FD2] =	sst s25  }
0xa6: {  	s5 =	sshll.u32 s26, $0x1;
	_ =	strace $0x8000004C;
	[dreg:$0x1] =	wrdreg $0xFFFFFFFF  }
0xa7: {  	s28 =	simm.s32 $_size_execute0_lowered;
	s3 =	sadd.s32 s3, s5;
	[dreg:$0x0] =	wrdreg $0x0  }
0xa8: {  	s5 =	sshll.u32 s28, $0x1;
	[dreg:$0x2] =	wrdreg s3  }
0xa9: {  	[dreg:$0x3] =	wrdreg s5  }
0xaa: {  	[dreg:$0x4] =	wrdreg $0xC0  }
0xab: {  	_ =	task [dreg:s7], $0x5FFFF  }
0xac: {  	[dreg:$0x1] =	wrdreg $0xFFFFFFFF  }
0xad: {  	[dreg:$0x0] =	wrdreg $0x60  }
0xae: {  	[dreg:$0x2] =	wrdreg s2  }
0xaf: {  	[dreg:$0x3] =	wrdreg s24  }
0xb0: {  	[dreg:$0x4] =	wrdreg $0xB9000  }
0xb1: {  	[dreg:$0x5] =	wrdreg $0x9  }
0xb2: {  	_ =	task.clear_ibuf [dreg:s7], $0x6FFFF;
	_ =	strace $0x9000004C  }
0xb3: {  	s29 =	simm.s32 $0x9;
	_ =	strace $0x8000004E  }
0xb4: {  	_ =	swait.ge [sflag:s29], $0x1  }
0xb5: {  	[sflag:s29] =	ssyncadd.s32 $0xFFFFFFFF  }
0xb6: {  	_ =	strace $0x9000004E  }
0xb7: {  	_ =	sfence  }
0xb8: {  	s30 =	sld [smem:$0x0];
	_ =	sdelay $0x2  }
0xb9: {  	s31 =	sshll.u32 s1, $0xD;
	s1 =	sshrl.u32 s1, $0x2  }
0xba: {  	s3 =	sand.u32 $0x4000, s31;
	s1 =	sadd.s32 s1, s30  }
0xbb: {  	s0 =	sor.u32 s3, s0;
	s1 =	sshll.u32 s1, $0x11  }
0xbc: {  	s0 =	sor.u32 s1, s0  }
0xbd: {  	s0 =	sadd.s32 $0x8F2B, s0  }
0xbe: {  	[sflag:s0] =	ssyncadd.remote.s32 $0x1  }
0xbf: {  	_ =	sfence.sel $0xFFFF  }
0xc0: {  	[dreg:$0x0] =	wrdreg $0xFFFFFFFF;
	(pc) =	sbr.abs _section_cstart, $3  }
0xc1: {  	[dreg:$0x1] =	wrdreg $0xFFFFFFFF  }
0xc2: {  	_ =	task.clear_ibuf [dreg:s7], $0x2FFFF;
	_ =	strace $0x9FFFFFFF  }
0xc3: {  	(tm) =	ssettm $0x7FFFFFFF  }
tec
execute0_lowered:
.L_overlay_start_1:
0x0: {  	(tag) =	ssettag $0x1  }
0x1: {  	s1 =	rddreg [dreg:$0x0]  }
0x2: {  	s0 =	srdreg.scid;
	s4 =	rddreg [dreg:$0x1]  }
0x3: {  	s26 =	stileid.u32;
	s3 =	rddreg [dreg:$0x2]  }
0x4: {  	s6 =	simm.s32 $0x0;
	s20 =	simm.s32 $0x3;
	s22 =	simm.s32 $0x7D  }
0x5: {  	s23 =	simm.s32 $0x7A80;
	s24 =	simm.s32 $0x1;
	s25 =	simm.s32 $0x2  }
0x6: {  	s29 =	simm.s32 $0x3B80;
	s30 =	simm.s32 $0x0;
	s2 =	sand.u32 $0x1, s0  }
0x7: {  	[smem:$0x7FF] =	sst s6;
	s11 =	smul.u32 $0x13880, s26;
	s5 =	sshll.u32 s2, $0x4  }
0x8: {  	s28 =	ssub.s32 $0x2, s2;
	_ =	strace $0x8000004D;
	s2 =	smul.u32 $0x138800, s2  }
0x9: {  	s5 =	sor.u32 s26, s5;
	s31 =	sshrl.u32 s28, $0x1;
	s13 =	sadd.s32 $0x3E80, s11  }
0xa: {  	s15 =	sadd.s32 $0x7D00, s11;
	s16 =	sadd.s32 $0xBB80, s11;
	s17 =	sadd.s32 $0xFA00, s11  }
0xb: {  	s5 =	smul.u32 $0x2800, s5;
	s18 =	ssub.s32 s28, s31;
	s6 =	sadd.s32 s13, s3  }
0xc: {  	s7 =	sadd.s32 s15, s3;
	s8 =	sadd.s32 s16, s3;
	s9 =	sadd.s32 s17, s3  }
0xd: {  	s14 =	sadd.s32 s11, s2;
	s13 =	sadd.s32 s2, s13;
	s15 =	sadd.s32 s2, s15  }
0xe: {  	s16 =	sadd.s32 s2, s16;
	s2 =	sadd.s32 s2, s17;
	s14 =	sshrl.u32 s14, $0x3  }
0xf: {  	s19 =	sshrl.u32 s13, $0x3;
	s15 =	sshrl.u32 s15, $0x3;
	s16 =	sshrl.u32 s16, $0x3  }
0x10: {  	s2 =	sshrl.u32 s2, $0x3;
	s18 =	smax.u32 s18, $0x1;
	s5 =	sshrl.u32 s5, $0x3  }
0x11: {  	s12 =	sadd.s32 s5, s4;
	s4 =	sadd.s32 $0x22000, s4;
	s5 =	sadd.s32 s11, s3  }
0x12: {  	s10 =	sadd.s32 $0xE000, s12;
	s11 =	sadd.s32 $0x18000, s12;
	s12 =	sadd.s32 $0x18280, s12  }
0x13: {  	s13 =	sadd.s32 s4, s14;
	s14 =	sadd.s32 s4, s19;
	s15 =	sadd.s32 s4, s15  }
0x14: {  	v0 =	vimm.f32 $0.0e+00;
	s16 =	sadd.s32 s4, s16;
	s17 =	sadd.s32 s4, s2;
	s19 =	simm.s32 $0x3C00  }
.LBB2_1:
0x15: {  	s0 =	simm.s32 $0x0  }
0x16: {  	s2 =	simm.s32 $0x10;
	s4 =	sand.u32 $0x3FF0, s0  }
.LBB2_2:
0x17: {  	p0 =	sne.s32 s2, $0x3E70;
	[tilespmem:s4+$0x3C00] =	vst v0;
	s4 =	smov.u32 s2;
	s2 =	sadd.s32 $0x10, s2  }
.Ltmp0:
0x18: {  	(pc) =	sbr.rel @p0 .LBB2_2-.Ltmp0, $2  }
0x19: {  	_ =	sdelay $0x2  }
0x1a: {  	s4 =	sand.u32 $0x3FF0, s4  }
0x1b: {  	[tilespmem:s4+$0x3C00] =	vst v0  }
0x1c: {  	[spmem:s5] =	stream.linear.scatter [tilespmem:s19], [sflag:$0x3], $0x3E80, $0x38;
	[tilespmem:$0x1F180] =	vst v63  }
0x1d: {  	_ =	swait.ge [sflag:s20], $0x3E80  }
0x1e: {  	[sflag:s20] =	ssyncset.done $0x0  }
0x1f: {  	[sflag:s20] =	ssyncadd.s32 $0xFFFFC180  }
0x20: {  	[spmem:s6] =	stream.linear.scatter [tilespmem:s19], [sflag:$0x3], $0x3E80, $0x38;
	[tilespmem:$0x1F180] =	vst v63  }
0x21: {  	_ =	swait.ge [sflag:s20], $0x3E80  }
0x22: {  	[sflag:s20] =	ssyncset.done $0x0  }
0x23: {  	[sflag:s20] =	ssyncadd.s32 $0xFFFFC180  }
0x24: {  	[spmem:s7] =	stream.linear.scatter [tilespmem:s19], [sflag:$0x3], $0x3E80, $0x38;
	[tilespmem:$0x1F180] =	vst v63  }
0x25: {  	_ =	swait.ge [sflag:s20], $0x3E80  }
0x26: {  	[sflag:s20] =	ssyncset.done $0x0  }
0x27: {  	[sflag:s20] =	ssyncadd.s32 $0xFFFFC180  }
0x28: {  	[spmem:s8] =	stream.linear.scatter [tilespmem:s19], [sflag:$0x3], $0x3E80, $0x38;
	[tilespmem:$0x1F180] =	vst v63  }
0x29: {  	_ =	swait.ge [sflag:s20], $0x3E80  }
0x2a: {  	[sflag:s20] =	ssyncset.done $0x0  }
0x2b: {  	[sflag:s20] =	ssyncadd.s32 $0xFFFFC180  }
0x2c: {  	[spmem:s9] =	stream.linear.scatter [tilespmem:s19], [sflag:$0x3], $0x3E80, $0x38;
	[tilespmem:$0x1F180] =	vst v63  }
0x2d: {  	_ =	swait.ge [sflag:s20], $0x3E80  }
0x2e: {  	[sflag:s20] =	ssyncset.done $0x0  }
0x2f: {  	[sflag:s20] =	ssyncadd.s32 $0xFFFFC180  }
0x30: {  	s2 =	simm.s32 $0x0;
	[bflag:$0x0] =	sbarrier.arrive $0xFFFF  }
0x31: {  	[tilespmem:s2], [sflag:$0x3] =	stream.linear.gather [hbm4b:s10+s2], $0x2800, $0x38;
	[tilespmem:$0x1F180] =	vst v63  }
0x32: {  	_ =	swait.ge [sflag:s20], $0x2800  }
0x33: {  	[sflag:s20] =	ssyncset.done $0x0  }
0x34: {  	s0 =	simm.s32 $0x2800;
	[sflag:s20] =	ssyncadd.s32 $0xFFFFD800  }
0x35: {  	[tilespmem:s0], [sflag:$0x3] =	stream.linear.gather [hbm4b:s11+s2], $0x1400, $0x38;
	[tilespmem:$0x1F180] =	vst v63  }
0x36: {  	_ =	swait.ge [sflag:s20], $0x1400  }
0x37: {  	[sflag:s20] =	ssyncset.done $0x0  }
0x38: {  	p0 =	por $0x1, $0x1;
	[sflag:s20] =	ssyncadd.s32 $0xFFFFEC00  }
0x39: {  	[tilespmem:s19], [sflag:$0x1] =	stream.indirect.gather [hbm4b:s1+s22], $0x80, s2, s22, $0xb8;
	[tilespmem:$0x1F180] =	vst v63  }
0x3a: {  	s4 =	simm.s32 @!p0 $0x0;
	s31 =	simm.s32 @!p0 $0x2800;
	s0 =	simm.s32 @!p0 $0x3  }
0x3b: {  	[tilespmem:s31], [sflag:$0x3] =	stream.linear.gather @!p0 [hbm4b:s12+s4], $0x1400, $0x38;
	[tilespmem:$0x1F180] =	vst v63  }
0x3c: {  	_ =	swait.ge @!p0 [sflag:s0], $0x1400  }
0x3d: {  	s21 =	simm.s32 $0x80;
	[sflag:s0] =	ssyncset.done @!p0 $0x0  }
0x3e: {  	s4 =	simm.s32 $0xFFFFB000;
	[sflag:s0] =	ssyncadd.s32 @!p0 $0xFFFFEC00;
	p0 =	por $0x0, $0x0  }
0x3f: {  	[tilespmem:s23], [sflag:$0x2] =	stream.indirect.gather [hbm4b:s1+s22], $0x80, s21, s22, $0xb8;
	[tilespmem:$0x1F180] =	vst v63  }
0x40: {  	s2 =	smov.u32 @p0 s4;
	_ =	swait.ge [sflag:s24], $0x3E80  }
0x41: {  	s26 =	sshra.s32 s2, $0x2;
	[sflag:s24] =	ssyncset.done $0x0  }
0x42: {  	s2 =	sadd.s32 $0x2800, s26;
	[sflag:s24] =	ssyncadd.s32 $0xFFFFC180  }
0x43: {  	[spmem:s3] =	stream.indirect.scatter.add.f32 [tilespmem:s19], [sflag:$0x3], $0x80, s2, s22, $0xb8;
	[tilespmem:$0x1F180] =	vst v63  }
0x44: {  	_ =	swait.ge [sflag:s20], $0x3E80  }
0x45: {  	[sflag:s20] =	ssyncset.done $0x0  }
0x46: {  	s28 =	simm.s32 $0x100;
	[sflag:s20] =	ssyncadd.s32 $0xFFFFC180  }
0x47: {  	[tilespmem:s19], [sflag:$0x1] =	stream.indirect.gather [hbm4b:s1+s22], $0x80, s28, s22, $0xb8;
	[tilespmem:$0x1F180] =	vst v63  }
0x48: {  	_ =	swait.ge [sflag:s25], $0x3E80  }
0x49: {  	p1 =	por $0x1, $0x1;
	[sflag:s25] =	ssyncset.done $0x0  }
0x4a: {  	s31 =	simm.s32 $0x400;
	s0 =	sadd.s32 $0x2880, s26;
	[sflag:s25] =	ssyncadd.s32 $0xFFFFC180  }
0x4b: {  	[spmem:s3] =	stream.indirect.scatter.add.f32 [tilespmem:s23], [sflag:$0x3], $0x80, s0, s22, $0xb8;
	[tilespmem:$0x1F180] =	vst v63  }
0x4c: {  	s4 =	simm.s32 $0x800;
	s2 =	simm.s32 $0x1;
	_ =	swait.ge [sflag:s20], $0x3E80  }
.LBB2_4:
0x4d: {  	s0 =	simm.s32 @!p1 $0x0  }
0x4e: {  	s21 =	simm.s32 @!p1 $0x2800;
	[sflag:s20] =	ssyncset.done $0x0;
	s26 =	smov.u32 s4  }
0x4f: {  	s4 =	sadd.s32 $0x400, s4;
	s28 =	simm.s32 @!p1 $0x3;
	[sflag:s20] =	ssyncadd.s32 $0xFFFFC180  }
0x50: {  	[tilespmem:s21], [sflag:$0x3] =	stream.linear.gather @!p1 [hbm4b:s12+s0], $0x1400, $0x38;
	[tilespmem:$0x1F180] =	vst v63  }
0x51: {  	p0 =	sne.s32 s4, $0x9C00;
	_ =	swait.ge @!p1 [sflag:s28], $0x1400  }
0x52: {  	s0 =	sshra.s32 s31, $0x2;
	s21 =	sadd.s32 $0xFFFFB000, s31;
	[sflag:s28] =	ssyncset.done @!p1 $0x0  }
0x53: {  	[sflag:s28] =	ssyncadd.s32 @!p1 $0xFFFFEC00;
	p1 =	sgt.u32 s2, $0x13;
	s28 =	sadd.s32 $0x80, s0  }
0x54: {  	[tilespmem:s23], [sflag:$0x2] =	stream.indirect.gather [hbm4b:s1+s22], $0x80, s28, s22, $0xb8;
	[tilespmem:$0x1F180] =	vst v63  }
0x55: {  	s28 =	smov.u32 s31  }
0x56: {  	s31 =	smov.u32 s26;
	_ =	swait.ge [sflag:s24], $0x3E80;
	s28 =	smov.u32 @p1 s21  }
0x57: {  	[sflag:s24] =	ssyncset.done $0x0;
	s21 =	sshra.s32 s28, $0x2  }
0x58: {  	[sflag:s24] =	ssyncadd.s32 $0xFFFFC180;
	s26 =	sadd.s32 $0x2800, s21  }
0x59: {  	[spmem:s3] =	stream.indirect.scatter.add.f32 [tilespmem:s19], [sflag:$0x3], $0x80, s26, s22, $0xb8;
	[tilespmem:$0x1F180] =	vst v63  }
0x5a: {  	_ =	swait.ge [sflag:s20], $0x3E80  }
0x5b: {  	[sflag:s20] =	ssyncset.done $0x0  }
0x5c: {  	s0 =	sadd.s32 $0x100, s0;
	[sflag:s20] =	ssyncadd.s32 $0xFFFFC180  }
0x5d: {  	[tilespmem:s19], [sflag:$0x1] =	stream.indirect.gather [hbm4b:s1+s22], $0x80, s0, s22, $0xb8;
	[tilespmem:$0x1F180] =	vst v63  }
.Ltmp1:
0x5e: {  	_ =	swait.ge [sflag:s25], $0x3E80;
	(pc) =	sbr.rel @p0 .LBB2_4-.Ltmp1, $4  }
0x5f: {  	[sflag:s25] =	ssyncset.done $0x0  }
0x60: {  	s0 =	sadd.s32 $0x2880, s21;
	[sflag:s25] =	ssyncadd.s32 $0xFFFFC180  }
0x61: {  	[spmem:s3] =	stream.indirect.scatter.add.f32 [tilespmem:s23], [sflag:$0x3], $0x80, s0, s22, $0xb8;
	[tilespmem:$0x1F180] =	vst v63  }
0x62: {  	s2 =	sadd.s32 $0x1, s2;
	p1 =	sne.s32 s31, $0x5000;
	_ =	swait.ge [sflag:s20], $0x3E80  }
0x63: {  	[sflag:s20] =	ssyncset.done $0x0  }
0x64: {  	s0 =	simm.s32 @!p1 $0x0;
	s4 =	simm.s32 @!p1 $0x2800;
	[sflag:s20] =	ssyncadd.s32 $0xFFFFC180  }
0x65: {  	[tilespmem:s4], [sflag:$0x3] =	stream.linear.gather @!p1 [hbm4b:s12+s0], $0x1400, $0x38;
	[tilespmem:$0x1F180] =	vst v63  }
0x66: {  	s0 =	simm.s32 @!p1 $0x3  }
0x67: {  	_ =	swait.ge @!p1 [sflag:s0], $0x1400  }
0x68: {  	s26 =	sshra.s32 s31, $0x2;
	p0 =	sgt.u32 s2, $0x13;
	[sflag:s0] =	ssyncset.done @!p1 $0x0  }
0x69: {  	s28 =	sadd.s32 $0x80, s26;
	[sflag:s0] =	ssyncadd.s32 @!p1 $0xFFFFEC00;
	s0 =	sadd.s32 $0xFFFFB000, s31  }
0x6a: {  	[tilespmem:s23], [sflag:$0x2] =	stream.indirect.gather [hbm4b:s1+s22], $0x80, s28, s22, $0xb8;
	[tilespmem:$0x1F180] =	vst v63  }
0x6b: {  	s31 =	smov.u32 @p0 s0;
	_ =	swait.ge [sflag:s24], $0x3E80  }
0x6c: {  	s0 =	sshra.s32 s31, $0x2;
	[sflag:s24] =	ssyncset.done $0x0  }
0x6d: {  	s21 =	sadd.s32 $0x2800, s0;
	[sflag:s24] =	ssyncadd.s32 $0xFFFFC180  }
0x6e: {  	[spmem:s3] =	stream.indirect.scatter.add.f32 [tilespmem:s19], [sflag:$0x3], $0x80, s21, s22, $0xb8;
	[tilespmem:$0x1F180] =	vst v63  }
0x6f: {  	_ =	swait.ge [sflag:s20], $0x3E80  }
0x70: {  	[sflag:s20] =	ssyncset.done $0x0  }
0x71: {  	s26 =	sadd.s32 $0x100, s26;
	[sflag:s20] =	ssyncadd.s32 $0xFFFFC180  }
0x72: {  	[tilespmem:s19], [sflag:$0x1] =	stream.indirect.gather [hbm4b:s1+s22], $0x80, s26, s22, $0xb8;
	[tilespmem:$0x1F180] =	vst v63  }
0x73: {  	_ =	swait.ge [sflag:s25], $0x3E80  }
0x74: {  	[sflag:s25] =	ssyncset.done $0x0  }
0x75: {  	s0 =	sadd.s32 $0x2880, s0;
	[sflag:s25] =	ssyncadd.s32 $0xFFFFC180  }
0x76: {  	[spmem:s3] =	stream.indirect.scatter.add.f32 [tilespmem:s23], [sflag:$0x3], $0x80, s0, s22, $0xb8;
	[tilespmem:$0x1F180] =	vst v63  }
0x77: {  	_ =	swait.ge [sflag:s20], $0x3E80  }
0x78: {  	[sflag:s20] =	ssyncset.done $0x0  }
0x79: {  	s28 =	simm.s32 $0x2780;
	[sflag:s20] =	ssyncadd.s32 $0xFFFFC180  }
0x7a: {  	[tilespmem:s23], [sflag:$0x2] =	stream.indirect.gather [hbm4b:s1+s22], $0x80, s28, s22, $0xb8;
	[tilespmem:$0x1F180] =	vst v63  }
0x7b: {  	_ =	swait.ge [sflag:s24], $0x3E80  }
0x7c: {  	[sflag:s24] =	ssyncset.done $0x0  }
0x7d: {  	s31 =	simm.s32 $0x3B00;
	[sflag:s24] =	ssyncadd.s32 $0xFFFFC180  }
0x7e: {  	[spmem:s3] =	stream.indirect.scatter.add.f32 [tilespmem:s19], [sflag:$0x3], $0x80, s31, s22, $0xb8;
	[tilespmem:$0x1F180] =	vst v63  }
0x7f: {  	_ =	swait.ge [sflag:s20], $0x3E80  }
0x80: {  	[sflag:s20] =	ssyncset.done $0x0  }
0x81: {  	[sflag:s20] =	ssyncadd.s32 $0xFFFFC180  }
0x82: {  	_ =	swait.ge [sflag:s25], $0x3E80  }
0x83: {  	[sflag:s25] =	ssyncset.done $0x0  }
0x84: {  	[sflag:s25] =	ssyncadd.s32 $0xFFFFC180  }
0x85: {  	[spmem:s3] =	stream.indirect.scatter.add.f32 [tilespmem:s23], [sflag:$0x3], $0x80, s29, s22, $0xb8;
	[tilespmem:$0x1F180] =	vst v63  }
0x86: {  	_ =	swait.ge [sflag:s20], $0x3E80  }
0x87: {  	s2 =	stileid.u32;
	[sflag:s20] =	ssyncset.done $0x0  }
0x88: {  	s0 =	sshll.u32 s2, $0x6;
	[sflag:s20] =	ssyncadd.s32 $0xFFFFC180  }
0x89: {  	s4 =	sshrl.u32 s5, $0x3;
	s0 =	sor.u32 $0x1C03, s0;
	[bflag:$0x0] =	sbarrier.arrive $0xFFFF  }
0x8a: {  	[hbm:s13], [sflag:s0] =	dma.local [spmem:s4], $0x7D0  }
0x8b: {  	_ =	swait.ge [sflag:s20], $0x7D0  }
0x8c: {  	[sflag:s20] =	ssyncset.done $0x0  }
0x8d: {  	s21 =	sshrl.u32 s6, $0x3;
	[sflag:s20] =	ssyncadd.s32 $0xFFFFF830  }
0x8e: {  	[hbm:s14], [sflag:s0] =	dma.local [spmem:s21], $0x7D0  }
0x8f: {  	_ =	swait.ge [sflag:s20], $0x7D0  }
0x90: {  	[sflag:s20] =	ssyncset.done $0x0  }
0x91: {  	s26 =	sshrl.u32 s7, $0x3;
	[sflag:s20] =	ssyncadd.s32 $0xFFFFF830  }
0x92: {  	[hbm:s15], [sflag:s0] =	dma.local [spmem:s26], $0x7D0  }
0x93: {  	_ =	swait.ge [sflag:s20], $0x7D0  }
0x94: {  	[sflag:s20] =	ssyncset.done $0x0  }
0x95: {  	s28 =	sshrl.u32 s8, $0x3;
	[sflag:s20] =	ssyncadd.s32 $0xFFFFF830  }
0x96: {  	[hbm:s16], [sflag:s0] =	dma.local [spmem:s28], $0x7D0  }
0x97: {  	s30 =	sadd.s32 $0x1, s30;
	_ =	swait.ge [sflag:s20], $0x7D0  }
0x98: {  	p0 =	sne.s32 s30, s18;
	[sflag:s20] =	ssyncset.done $0x0  }
.Ltmp2:
0x99: {  	s31 =	sshrl.u32 s9, $0x3;
	[sflag:s20] =	ssyncadd.s32 $0xFFFFF830;
	(pc) =	sbr.rel @p0 .LBB2_1-.Ltmp2, $4  }
0x9a: {  	[hbm:s17], [sflag:s0] =	dma.local [spmem:s31], $0x7D0  }
0x9b: {  	_ =	swait.ge [sflag:s20], $0x7D0  }
0x9c: {  	[sflag:s20] =	ssyncset.done $0x0  }
0x9d: {  	[sflag:s20] =	ssyncadd.s32 $0xFFFFF830  }
0x9e: {  	_ =	sfence.sel $0x180000  }
0x9f: {  	[bflag:$0x0] =	sbarrier.arrive $0xFFFF  }
0xa0: {  	_ =	strace $0x9000004D  }
0xa1: {  	s0 =	stileid.u32;
	[bflag:$0x2] =	sbarrier.arrive $0xFFFF  }
0xa2: {  	p0 =	sne.s32 s0, $0x0;
	s0 =	rddreg [dreg:$0x3]  }
0xa3: {  	s0 =	sadd.s32 @!p0 $0x100000, s0  }
0xa4: {  	[sflag:s0] =	ssyncadd.tile.s32 @!p0 $0x1;
	_ =	shalt  }
.Lfunc_end2:
_tile_overlayer_lowered:
.L_overlay_start_2:
0xa5: {  	(tag) =	ssettag $0x2  }
0xa6: {  	s0 =	rddreg [dreg:$0x0];
	s2 =	stileid.u32  }
0xa7: {  	s1 =	rddreg [dreg:$0x1];
	p0 =	sne.s32 s2, $0x0  }
0xa8: {  	s3 =	rddreg [dreg:$0x2];
	[bflag:$0x3] =	sbarrier.arrive $0xFFFF;
	s2 =	simm.s32 @!p0 $0x1C03  }
0xa9: {  	[timem:s3], [sflag:s2] =	dma.local @!p0 [hbm:s0], s1  }
0xaa: {  	s0 =	simm.s32 @!p0 $0x3  }
0xab: {  	_ =	swait.ge @!p0 [sflag:s0], s1  }
0xac: {  	s1 =	ssub.s32 @!p0 $0x0, s1;
	[sflag:s0] =	ssyncset.done @!p0 $0x0  }
0xad: {  	[sflag:s0] =	ssyncadd.s32 @!p0 s1  }
0xae: {  	[bflag:$0x3] =	sbarrier.arrive $0xFFFF  }
0xaf: {  	_ =	shalt  }

// kernel: kernel.19.cloned.1.call-start
scs
__scs_entry_jumppad:
0x0: {  	(pc) =	sbr.rel $0x88, $3  }
0x1: {  	(tag) =	ssettag $0x0;
	lr =	simm.s32 $0x1  }
0x2: {  	[smem:$0x3F91] =	sst lr;
	_ =	strace $0xD0000000  }
0x3: {  	_ = 	snop  }
0x4: {  	_ = 	snop  }
0x5: {  	_ = 	snop  }
0x6: {  	_ = 	snop  }
0x7: {  	_ = 	snop  }
__scs_overlays_trampoline_lowered:
0x8: {  	[smem:$0x3FA0] =	sst s0  }
0x9: {  	[smem:$0x3FA1] =	sst s1  }
0xa: {  	[smem:$0x3FA2] =	sst s2  }
0xb: {  	[smem:$0x3FA3] =	sst s3  }
0xc: {  	[smem:$0x3FA4] =	sst s4  }
0xd: {  	[smem:$0x3FA5] =	sst s5  }
0xe: {  	[smem:$0x3FA6] =	sst s6  }
0xf: {  	[smem:$0x3FA7] =	sst s7  }
0x10: {  	[smem:$0x3FA8] =	sst s8  }
0x11: {  	[smem:$0x3FA9] =	sst s9;
	s0 =	simm.s32 @!p0 $0x0  }
0x12: {  	s1 =	sld [smem:$0x3F8F];
	s0 =	simm.s32 @p0 $0x1  }
0x13: {  	[smem:$0x3FAA] =	sst s0;
	s0 =	simm.s32 @!p1 $0x0  }
0x14: {  	s2 =	sld [smem:$0x3F8E];
	s0 =	simm.s32 @p1 $0x1  }
0x15: {  	[smem:$0x3FAB] =	sst s0;
	s0 =	simm.s32 @!p2 $0x0  }
0x16: {  	s3 =	sld [smem:$0x3FDB];
	s0 =	simm.s32 @p2 $0x1  }
0x17: {  	s4 =	simm.s32 $0x1BF5;
	[smem:$0x3FAD] =	sst s0  }
0x18: {  	s0 =	sld [smem:$0x3F90];
	_ =	swait.ge [sflag:s4], $0x0  }
0x19: {  	s7 =	sld [smem:$0x3F91]  }
0x1a: {  	s8 =	sadd.s32 $0xFFFFE003, lr  }
0x1b: {  	s9 =	sadd.s32 $0xFFFFFEF7, lr;
	s5 =	simm.s32 $0xFFFFFFFF;
	p2 =	slt.u32 s8, $0xFFFFF086  }
0x1c: {  	p1 =	slt.u32 s9, $0xF7A;
	s5 =	simm.s32 @!p2 $0x0  }
0x1d: {  	s5 =	simm.s32 @p1 $0x1;
	p0 =	seq.s32 s7, s2  }
0x1e: {  	s7 =	smul.u32 @!p0 $0xF7A, s2;
	p2 =	seq.s32 @!p0 s5, $0x0  }
0x1f: {  	s9 =	smul.u32 $0xF7A, s1;
	s8 =	simm.s32 @!p0 $0x1BF5;
	p2 =	por !p2, p0  }
0x20: {  	[sflag:s8] =	ssyncset.s32 @!p0 $0xFFFFF086;
	s6 =	sadd.s32 @!p0 s3, s7;
	s7 =	simm.s32 @!p0 $0x108  }
0x21: {  	s3 =	sadd.s32 s3, s9;
	s6 =	sadd.s32 @!p0 $0x88, s6;
	s7 =	simm.s32 @p2 $0x1082  }
0x22: {  	[simem:s7], [sflag:s8] =	dma.local @!p0 [hbm:s6], $0xF7A  }
0x23: {  	s9 =	sor.u32 $0xD0000000, s2;
	s6 =	simm.s32 $0x108;
	_ =	swait.ge @!p0 [sflag:s8], $0x0  }
0x24: {  	s3 =	sadd.s32 $0x88, s3;
	s6 =	simm.s32 @!p1 $0x1082;
	[sflag:s4] =	ssyncset.s32 $0xFFFFF086  }
0x25: {  	[simem:s6], [sflag:s4] =	dma.local [hbm:s3], $0xF7A  }
0x26: {  	[smem:$0x3F91] =	sst s1;
	(tag) =	ssettag s2;
	_ =	strace s9  }
0x27: {  	s1 =	sld [smem:$0x3FA1]  }
0x28: {  	s2 =	sld [smem:$0x3FA2]  }
0x29: {  	s4 =	sld [smem:$0x3FA4]  }
0x2a: {  	p0 =	seq.s32 s5, $0x0;
	s5 =	sld [smem:$0x3FA5]  }
0x2b: {  	s6 =	sld [smem:$0x3FA6]  }
0x2c: {  	s7 =	sld [smem:$0x3FA7]  }
0x2d: {  	s3 =	simm.s32 $0x108;
	s8 =	sld [smem:$0x3FA8]  }
0x2e: {  	s3 =	simm.s32 @!p0 $0x1082;
	s9 =	sld [smem:$0x3FA9]  }
0x2f: {  	lr =	sadd.s32 s0, s3;
	s0 =	sld [smem:$0x3FA0]  }
0x30: {  	s3 =	sld [smem:$0x3FA3]  }
0x31: {  	[smem:$0x3FAC] =	sst s10  }
0x32: {  	s10 =	sld [smem:$0x3FAA];
	_ =	sdelay $0x3  }
0x33: {  	p0 =	seq.s32 s10, $0x1;
	s10 =	sld [smem:$0x3FAC];
	_ =	sdelay $0x3  }
0x34: {  	[smem:$0x3FAC] =	sst s10  }
0x35: {  	s10 =	sld [smem:$0x3FAB];
	_ =	sdelay $0x3  }
0x36: {  	p1 =	seq.s32 s10, $0x1;
	s10 =	sld [smem:$0x3FAC];
	_ =	sdelay $0x3  }
0x37: {  	[smem:$0x3FAC] =	sst s10  }
0x38: {  	s10 =	sld [smem:$0x3FAD]  }
0x39: {  	_ = 	snop;
	(pc) =	sbr.ind lr, $3  }
0x3a: {  	_ = 	snop  }
0x3b: {  	_ = 	snop  }
0x3c: {  	p2 =	seq.s32 s10, $0x1;
	s10 =	sld [smem:$0x3FAC]  }
0x3d: {  	_ =	shalt  }
0x3e: {  	_ =	shalt  }
0x3f: {  	_ =	shalt  }
0x40: {  	_ =	shalt  }
0x41: {  	_ =	shalt  }
0x42: {  	_ =	shalt  }
0x43: {  	_ =	shalt  }
0x44: {  	_ =	shalt  }
0x45: {  	_ =	shalt  }
0x46: {  	_ =	shalt  }
0x47: {  	_ =	shalt  }
0x48: {  	_ =	shalt  }
0x49: {  	_ =	shalt  }
0x4a: {  	_ =	shalt  }
0x4b: {  	_ =	shalt  }
0x4c: {  	_ =	shalt  }
0x4d: {  	_ =	shalt  }
0x4e: {  	_ =	shalt  }
0x4f: {  	_ =	shalt  }
0x50: {  	_ =	shalt  }
0x51: {  	_ =	shalt  }
0x52: {  	_ =	shalt  }
0x53: {  	_ =	shalt  }
0x54: {  	_ =	shalt  }
0x55: {  	_ =	shalt  }
0x56: {  	_ =	shalt  }
0x57: {  	_ =	shalt  }
0x58: {  	_ =	shalt  }
0x59: {  	_ =	shalt  }
0x5a: {  	_ =	shalt  }
0x5b: {  	_ =	shalt  }
0x5c: {  	_ =	shalt  }
0x5d: {  	_ =	shalt  }
0x5e: {  	_ =	shalt  }
0x5f: {  	_ =	shalt  }
0x60: {  	_ =	shalt  }
0x61: {  	_ =	shalt  }
0x62: {  	_ =	shalt  }
0x63: {  	_ =	shalt  }
0x64: {  	_ =	shalt  }
0x65: {  	_ =	shalt  }
0x66: {  	_ =	shalt  }
0x67: {  	_ =	shalt  }
0x68: {  	_ =	shalt  }
0x69: {  	_ =	shalt  }
0x6a: {  	_ =	shalt  }
0x6b: {  	_ =	shalt  }
0x6c: {  	_ =	shalt  }
0x6d: {  	_ =	shalt  }
0x6e: {  	_ =	shalt  }
0x6f: {  	_ =	shalt  }
0x70: {  	_ =	shalt  }
0x71: {  	_ =	shalt  }
0x72: {  	_ =	shalt  }
0x73: {  	_ =	shalt  }
0x74: {  	_ =	shalt  }
0x75: {  	_ =	shalt  }
0x76: {  	_ =	shalt  }
0x77: {  	_ =	shalt  }
0x78: {  	_ =	shalt  }
0x79: {  	_ =	shalt  }
0x7a: {  	_ =	shalt  }
0x7b: {  	_ =	shalt  }
0x7c: {  	_ =	shalt  }
0x7d: {  	_ =	shalt  }
0x7e: {  	_ =	shalt  }
0x7f: {  	_ =	shalt  }
0x80: {  	_ =	shalt  }
0x81: {  	_ =	shalt  }
0x82: {  	_ =	shalt  }
0x83: {  	_ =	shalt  }
0x84: {  	_ =	shalt  }
0x85: {  	_ =	shalt  }
0x86: {  	_ =	shalt  }
0x87: {  	_ =	shalt  }
.Lfunc_end0:
.L_simem_size_0:
called_computation.3_lowered:
.L_overlay_start_0:
0x88: {  	s2 =	sld [smem:$0x3FD9]  }
0x89: {  	s3 =	sld [smem:$0x3FFE];
	_ =	sdelay $0x1  }
0x8a: {  	s1 =	srdreg.scid  }
0x8b: {  	s0 =	sand.u32 $0x1, s1  }
0x8c: {  	s17 =	sshll.u32 s0, $0xA;
	s2 =	sadd.s32 s3, s2  }
0x8d: {  	s2 =	sadd.s32 s2, s17  }
0x8e: {  	[smem:$0x3FB8] =	sst s2  }
0x8f: {  	_ = 	snop  }
0x90: {  	s2 =	sld [smem:$0x3FD0];
	(tm) =	ssettm $0x1  }
0x91: {  	s18 =	sld [smem:$0x3FFB];
	_ =	sdelay $0x3  }
0x92: {  	_ =	strace s18  }
0x93: {  	s3 =	sld [smem:$0x3FFC];
	_ =	sdelay $0x3  }
0x94: {  	_ =	strace s3  }
0x95: {  	s3 =	sld [smem:$0x3FFD];
	_ =	sdelay $0x3  }
0x96: {  	_ =	strace s3  }
0x97: {  	_ =	strace $0x8FFFFFFF  }
0x98: {  	s19 =	sld [smem:$0x3FDB];
	_ =	sdelay $0x1  }
0x99: {  	s4 =	simm.s32 $_scs_section_size  }
0x9a: {  	s5 =	simm.s32 $_size__tile_overlayer_lowered;
	s6 =	simm.s32 $_tile_overlayer_lowered  }
0x9b: {  	s22 =	simm.s32 $0x1BFF;
	s21 =	sshll.u32 s6, $0x1;
	s3 =	sadd.s32 s4, s19  }
0x9c: {  	s7 =	simm.s32 $0x0;
	s20 =	sshll.u32 s5, $0x1;
	s5 =	sadd.s32 s21, s3  }
0x9d: {  	[timem:s7], [sflag:s22] =	dma.local [hbm:s5], s20  }
0x9e: {  	_ =	swait.ge [sflag:s22], s20  }
0x9f: {  	s4 =	ssub.s32 $0x0, s20;
	[sflag:s22] =	ssyncset.done $0x0  }
0xa0: {  	[sflag:s22] =	ssyncadd.s32 s4;
	_ =	sdelay $0x1  }
0xa1: {  	s23 =	simm.s32 $0x1B8B  }
0xa2: {  	_ =	swait.ge [sflag:s23], $0x1  }
0xa3: {  	[sflag:s23] =	ssyncset.done $0x0  }
0xa4: {  	s25 =	simm.s32 $0x1B8E;
	s24 =	sld [smem:$0x3FFE];
	[sflag:s23] =	ssyncadd.s32 $0xFFFFFFFF  }
0xa5: {  	s26 =	simm.s32 $execute0_lowered;
	[smem:$0x3FD2] =	sst s25  }
0xa6: {  	s5 =	sshll.u32 s26, $0x1;
	_ =	strace $0x8000004F;
	[dreg:$0x1] =	wrdreg $0xFFFFFFFF  }
0xa7: {  	s28 =	simm.s32 $_size_execute0_lowered;
	s3 =	sadd.s32 s3, s5;
	[dreg:$0x0] =	wrdreg $0x0  }
0xa8: {  	s5 =	sshll.u32 s28, $0x1;
	[dreg:$0x2] =	wrdreg s3  }
0xa9: {  	[dreg:$0x3] =	wrdreg s5  }
0xaa: {  	[dreg:$0x4] =	wrdreg $0xC0  }
0xab: {  	_ =	task [dreg:s7], $0x5FFFF  }
0xac: {  	[dreg:$0x1] =	wrdreg $0xFFFFFFFF  }
0xad: {  	[dreg:$0x0] =	wrdreg $0x60  }
0xae: {  	[dreg:$0x2] =	wrdreg s2  }
0xaf: {  	[dreg:$0x3] =	wrdreg s24  }
0xb0: {  	[dreg:$0x4] =	wrdreg $0xB9000  }
0xb1: {  	[dreg:$0x5] =	wrdreg $0x9  }
0xb2: {  	_ =	task.clear_ibuf [dreg:s7], $0x6FFFF;
	_ =	strace $0x9000004F  }
0xb3: {  	s29 =	simm.s32 $0x9;
	_ =	strace $0x80000051  }
0xb4: {  	_ =	swait.ge [sflag:s29], $0x1  }
0xb5: {  	[sflag:s29] =	ssyncadd.s32 $0xFFFFFFFF  }
0xb6: {  	_ =	strace $0x90000051  }
0xb7: {  	_ =	sfence  }
0xb8: {  	s30 =	sld [smem:$0x0];
	_ =	sdelay $0x2  }
0xb9: {  	s31 =	sshll.u32 s1, $0xD;
	s1 =	sshrl.u32 s1, $0x2  }
0xba: {  	s3 =	sand.u32 $0x4000, s31;
	s1 =	sadd.s32 s1, s30  }
0xbb: {  	s0 =	sor.u32 s3, s0;
	s1 =	sshll.u32 s1, $0x11  }
0xbc: {  	s0 =	sor.u32 s1, s0  }
0xbd: {  	s0 =	sadd.s32 $0x8F2B, s0  }
0xbe: {  	[sflag:s0] =	ssyncadd.remote.s32 $0x1  }
0xbf: {  	_ =	sfence.sel $0xFFFF  }
0xc0: {  	[dreg:$0x0] =	wrdreg $0xFFFFFFFF;
	(pc) =	sbr.abs _section_cstart, $3  }
0xc1: {  	[dreg:$0x1] =	wrdreg $0xFFFFFFFF  }
0xc2: {  	_ =	task.clear_ibuf [dreg:s7], $0x2FFFF;
	_ =	strace $0x9FFFFFFF  }
0xc3: {  	(tm) =	ssettm $0x7FFFFFFF  }
tec
execute0_lowered:
.L_overlay_start_1:
0x0: {  	(tag) =	ssettag $0x1  }
0x1: {  	s1 =	rddreg [dreg:$0x0]  }
0x2: {  	s0 =	srdreg.scid;
	s4 =	rddreg [dreg:$0x1]  }
0x3: {  	s26 =	stileid.u32;
	s3 =	rddreg [dreg:$0x2]  }
0x4: {  	s6 =	simm.s32 $0x0;
	s20 =	simm.s32 $0x3;
	s22 =	simm.s32 $0x7D  }
0x5: {  	s23 =	simm.s32 $0x7A80;
	s24 =	simm.s32 $0x1;
	s25 =	simm.s32 $0x2  }
0x6: {  	s29 =	simm.s32 $0x3B80;
	s30 =	simm.s32 $0x0;
	s2 =	sand.u32 $0x1, s0  }
0x7: {  	[smem:$0x7FF] =	sst s6;
	s11 =	smul.u32 $0x13880, s26;
	s5 =	sshll.u32 s2, $0x4  }
0x8: {  	s28 =	ssub.s32 $0x2, s2;
	_ =	strace $0x80000050;
	s2 =	smul.u32 $0x138800, s2  }
0x9: {  	s5 =	sor.u32 s26, s5;
	s31 =	sshrl.u32 s28, $0x1;
	s13 =	sadd.s32 $0x3E80, s11  }
0xa: {  	s15 =	sadd.s32 $0x7D00, s11;
	s16 =	sadd.s32 $0xBB80, s11;
	s17 =	sadd.s32 $0xFA00, s11  }
0xb: {  	s5 =	smul.u32 $0x2800, s5;
	s18 =	ssub.s32 s28, s31;
	s6 =	sadd.s32 s13, s3  }
0xc: {  	s7 =	sadd.s32 s15, s3;
	s8 =	sadd.s32 s16, s3;
	s9 =	sadd.s32 s17, s3  }
0xd: {  	s14 =	sadd.s32 s11, s2;
	s13 =	sadd.s32 s2, s13;
	s15 =	sadd.s32 s2, s15  }
0xe: {  	s16 =	sadd.s32 s2, s16;
	s2 =	sadd.s32 s2, s17;
	s14 =	sshrl.u32 s14, $0x3  }
0xf: {  	s19 =	sshrl.u32 s13, $0x3;
	s15 =	sshrl.u32 s15, $0x3;
	s16 =	sshrl.u32 s16, $0x3  }
0x10: {  	s2 =	sshrl.u32 s2, $0x3;
	s18 =	smax.u32 s18, $0x1;
	s5 =	sshrl.u32 s5, $0x3  }
0x11: {  	s12 =	sadd.s32 s5, s4;
	s4 =	sadd.s32 $0x22000, s4;
	s5 =	sadd.s32 s11, s3  }
0x12: {  	s10 =	sadd.s32 $0xE000, s12;
	s11 =	sadd.s32 $0x18000, s12;
	s12 =	sadd.s32 $0x18280, s12  }
0x13: {  	s13 =	sadd.s32 s4, s14;
	s14 =	sadd.s32 s4, s19;
	s15 =	sadd.s32 s4, s15  }
0x14: {  	v0 =	vimm.f32 $0.0e+00;
	s16 =	sadd.s32 s4, s16;
	s17 =	sadd.s32 s4, s2;
	s19 =	simm.s32 $0x3C00  }
.LBB2_1:
0x15: {  	s0 =	simm.s32 $0x0  }
0x16: {  	s2 =	simm.s32 $0x10;
	s4 =	sand.u32 $0x3FF0, s0  }
.LBB2_2:
0x17: {  	p0 =	sne.s32 s2, $0x3E70;
	[tilespmem:s4+$0x3C00] =	vst v0;
	s4 =	smov.u32 s2;
	s2 =	sadd.s32 $0x10, s2  }
.Ltmp0:
0x18: {  	(pc) =	sbr.rel @p0 .LBB2_2-.Ltmp0, $2  }
0x19: {  	_ =	sdelay $0x2  }
0x1a: {  	s4 =	sand.u32 $0x3FF0, s4  }
0x1b: {  	[tilespmem:s4+$0x3C00] =	vst v0  }
0x1c: {  	[spmem:s5] =	stream.linear.scatter [tilespmem:s19], [sflag:$0x3], $0x3E80, $0x38;
	[tilespmem:$0x1F180] =	vst v63  }
0x1d: {  	_ =	swait.ge [sflag:s20], $0x3E80  }
0x1e: {  	[sflag:s20] =	ssyncset.done $0x0  }
0x1f: {  	[sflag:s20] =	ssyncadd.s32 $0xFFFFC180  }
0x20: {  	[spmem:s6] =	stream.linear.scatter [tilespmem:s19], [sflag:$0x3], $0x3E80, $0x38;
	[tilespmem:$0x1F180] =	vst v63  }
0x21: {  	_ =	swait.ge [sflag:s20], $0x3E80  }
0x22: {  	[sflag:s20] =	ssyncset.done $0x0  }
0x23: {  	[sflag:s20] =	ssyncadd.s32 $0xFFFFC180  }
0x24: {  	[spmem:s7] =	stream.linear.scatter [tilespmem:s19], [sflag:$0x3], $0x3E80, $0x38;
	[tilespmem:$0x1F180] =	vst v63  }
0x25: {  	_ =	swait.ge [sflag:s20], $0x3E80  }
0x26: {  	[sflag:s20] =	ssyncset.done $0x0  }
0x27: {  	[sflag:s20] =	ssyncadd.s32 $0xFFFFC180  }
0x28: {  	[spmem:s8] =	stream.linear.scatter [tilespmem:s19], [sflag:$0x3], $0x3E80, $0x38;
	[tilespmem:$0x1F180] =	vst v63  }
0x29: {  	_ =	swait.ge [sflag:s20], $0x3E80  }
0x2a: {  	[sflag:s20] =	ssyncset.done $0x0  }
0x2b: {  	[sflag:s20] =	ssyncadd.s32 $0xFFFFC180  }
0x2c: {  	[spmem:s9] =	stream.linear.scatter [tilespmem:s19], [sflag:$0x3], $0x3E80, $0x38;
	[tilespmem:$0x1F180] =	vst v63  }
0x2d: {  	_ =	swait.ge [sflag:s20], $0x3E80  }
0x2e: {  	[sflag:s20] =	ssyncset.done $0x0  }
0x2f: {  	[sflag:s20] =	ssyncadd.s32 $0xFFFFC180  }
0x30: {  	s2 =	simm.s32 $0x0;
	[bflag:$0x0] =	sbarrier.arrive $0xFFFF  }
0x31: {  	[tilespmem:s2], [sflag:$0x3] =	stream.linear.gather [hbm4b:s10+s2], $0x2800, $0x38;
	[tilespmem:$0x1F180] =	vst v63  }
0x32: {  	_ =	swait.ge [sflag:s20], $0x2800  }
0x33: {  	[sflag:s20] =	ssyncset.done $0x0  }
0x34: {  	s0 =	simm.s32 $0x2800;
	[sflag:s20] =	ssyncadd.s32 $0xFFFFD800  }
0x35: {  	[tilespmem:s0], [sflag:$0x3] =	stream.linear.gather [hbm4b:s11+s2], $0x1400, $0x38;
	[tilespmem:$0x1F180] =	vst v63  }
0x36: {  	_ =	swait.ge [sflag:s20], $0x1400  }
0x37: {  	[sflag:s20] =	ssyncset.done $0x0  }
0x38: {  	p0 =	por $0x1, $0x1;
	[sflag:s20] =	ssyncadd.s32 $0xFFFFEC00  }
0x39: {  	[tilespmem:s19], [sflag:$0x1] =	stream.indirect.gather [hbm4b:s1+s22], $0x80, s2, s22, $0xb8;
	[tilespmem:$0x1F180] =	vst v63  }
0x3a: {  	s4 =	simm.s32 @!p0 $0x0;
	s31 =	simm.s32 @!p0 $0x2800;
	s0 =	simm.s32 @!p0 $0x3  }
0x3b: {  	[tilespmem:s31], [sflag:$0x3] =	stream.linear.gather @!p0 [hbm4b:s12+s4], $0x1400, $0x38;
	[tilespmem:$0x1F180] =	vst v63  }
0x3c: {  	_ =	swait.ge @!p0 [sflag:s0], $0x1400  }
0x3d: {  	s21 =	simm.s32 $0x80;
	[sflag:s0] =	ssyncset.done @!p0 $0x0  }
0x3e: {  	s4 =	simm.s32 $0xFFFFB000;
	[sflag:s0] =	ssyncadd.s32 @!p0 $0xFFFFEC00;
	p0 =	por $0x0, $0x0  }
0x3f: {  	[tilespmem:s23], [sflag:$0x2] =	stream.indirect.gather [hbm4b:s1+s22], $0x80, s21, s22, $0xb8;
	[tilespmem:$0x1F180] =	vst v63  }
0x40: {  	s2 =	smov.u32 @p0 s4;
	_ =	swait.ge [sflag:s24], $0x3E80  }
0x41: {  	s26 =	sshra.s32 s2, $0x2;
	[sflag:s24] =	ssyncset.done $0x0  }
0x42: {  	s2 =	sadd.s32 $0x2800, s26;
	[sflag:s24] =	ssyncadd.s32 $0xFFFFC180  }
0x43: {  	[spmem:s3] =	stream.indirect.scatter.add.f32 [tilespmem:s19], [sflag:$0x3], $0x80, s2, s22, $0xb8;
	[tilespmem:$0x1F180] =	vst v63  }
0x44: {  	_ =	swait.ge [sflag:s20], $0x3E80  }
0x45: {  	[sflag:s20] =	ssyncset.done $0x0  }
0x46: {  	s28 =	simm.s32 $0x100;
	[sflag:s20] =	ssyncadd.s32 $0xFFFFC180  }
0x47: {  	[tilespmem:s19], [sflag:$0x1] =	stream.indirect.gather [hbm4b:s1+s22], $0x80, s28, s22, $0xb8;
	[tilespmem:$0x1F180] =	vst v63  }
0x48: {  	_ =	swait.ge [sflag:s25], $0x3E80  }
0x49: {  	p1 =	por $0x1, $0x1;
	[sflag:s25] =	ssyncset.done $0x0  }
0x4a: {  	s31 =	simm.s32 $0x400;
	s0 =	sadd.s32 $0x2880, s26;
	[sflag:s25] =	ssyncadd.s32 $0xFFFFC180  }
0x4b: {  	[spmem:s3] =	stream.indirect.scatter.add.f32 [tilespmem:s23], [sflag:$0x3], $0x80, s0, s22, $0xb8;
	[tilespmem:$0x1F180] =	vst v63  }
0x4c: {  	s4 =	simm.s32 $0x800;
	s2 =	simm.s32 $0x1;
	_ =	swait.ge [sflag:s20], $0x3E80  }
.LBB2_4:
0x4d: {  	s0 =	simm.s32 @!p1 $0x0  }
0x4e: {  	s21 =	simm.s32 @!p1 $0x2800;
	[sflag:s20] =	ssyncset.done $0x0;
	s26 =	smov.u32 s4  }
0x4f: {  	s4 =	sadd.s32 $0x400, s4;
	s28 =	simm.s32 @!p1 $0x3;
	[sflag:s20] =	ssyncadd.s32 $0xFFFFC180  }
0x50: {  	[tilespmem:s21], [sflag:$0x3] =	stream.linear.gather @!p1 [hbm4b:s12+s0], $0x1400, $0x38;
	[tilespmem:$0x1F180] =	vst v63  }
0x51: {  	p0 =	sne.s32 s4, $0x9C00;
	_ =	swait.ge @!p1 [sflag:s28], $0x1400  }
0x52: {  	s0 =	sshra.s32 s31, $0x2;
	s21 =	sadd.s32 $0xFFFFB000, s31;
	[sflag:s28] =	ssyncset.done @!p1 $0x0  }
0x53: {  	[sflag:s28] =	ssyncadd.s32 @!p1 $0xFFFFEC00;
	p1 =	sgt.u32 s2, $0x13;
	s28 =	sadd.s32 $0x80, s0  }
0x54: {  	[tilespmem:s23], [sflag:$0x2] =	stream.indirect.gather [hbm4b:s1+s22], $0x80, s28, s22, $0xb8;
	[tilespmem:$0x1F180] =	vst v63  }
0x55: {  	s28 =	smov.u32 s31  }
0x56: {  	s31 =	smov.u32 s26;
	_ =	swait.ge [sflag:s24], $0x3E80;
	s28 =	smov.u32 @p1 s21  }
0x57: {  	[sflag:s24] =	ssyncset.done $0x0;
	s21 =	sshra.s32 s28, $0x2  }
0x58: {  	[sflag:s24] =	ssyncadd.s32 $0xFFFFC180;
	s26 =	sadd.s32 $0x2800, s21  }
0x59: {  	[spmem:s3] =	stream.indirect.scatter.add.f32 [tilespmem:s19], [sflag:$0x3], $0x80, s26, s22, $0xb8;
	[tilespmem:$0x1F180] =	vst v63  }
0x5a: {  	_ =	swait.ge [sflag:s20], $0x3E80  }
0x5b: {  	[sflag:s20] =	ssyncset.done $0x0  }
0x5c: {  	s0 =	sadd.s32 $0x100, s0;
	[sflag:s20] =	ssyncadd.s32 $0xFFFFC180  }
0x5d: {  	[tilespmem:s19], [sflag:$0x1] =	stream.indirect.gather [hbm4b:s1+s22], $0x80, s0, s22, $0xb8;
	[tilespmem:$0x1F180] =	vst v63  }
.Ltmp1:
0x5e: {  	_ =	swait.ge [sflag:s25], $0x3E80;
	(pc) =	sbr.rel @p0 .LBB2_4-.Ltmp1, $4  }
0x5f: {  	[sflag:s25] =	ssyncset.done $0x0  }
0x60: {  	s0 =	sadd.s32 $0x2880, s21;
	[sflag:s25] =	ssyncadd.s32 $0xFFFFC180  }
0x61: {  	[spmem:s3] =	stream.indirect.scatter.add.f32 [tilespmem:s23], [sflag:$0x3], $0x80, s0, s22, $0xb8;
	[tilespmem:$0x1F180] =	vst v63  }
0x62: {  	s2 =	sadd.s32 $0x1, s2;
	p1 =	sne.s32 s31, $0x5000;
	_ =	swait.ge [sflag:s20], $0x3E80  }
0x63: {  	[sflag:s20] =	ssyncset.done $0x0  }
0x64: {  	s0 =	simm.s32 @!p1 $0x0;
	s4 =	simm.s32 @!p1 $0x2800;
	[sflag:s20] =	ssyncadd.s32 $0xFFFFC180  }
0x65: {  	[tilespmem:s4], [sflag:$0x3] =	stream.linear.gather @!p1 [hbm4b:s12+s0], $0x1400, $0x38;
	[tilespmem:$0x1F180] =	vst v63  }
0x66: {  	s0 =	simm.s32 @!p1 $0x3  }
0x67: {  	_ =	swait.ge @!p1 [sflag:s0], $0x1400  }
0x68: {  	s26 =	sshra.s32 s31, $0x2;
	p0 =	sgt.u32 s2, $0x13;
	[sflag:s0] =	ssyncset.done @!p1 $0x0  }
0x69: {  	s28 =	sadd.s32 $0x80, s26;
	[sflag:s0] =	ssyncadd.s32 @!p1 $0xFFFFEC00;
	s0 =	sadd.s32 $0xFFFFB000, s31  }
0x6a: {  	[tilespmem:s23], [sflag:$0x2] =	stream.indirect.gather [hbm4b:s1+s22], $0x80, s28, s22, $0xb8;
	[tilespmem:$0x1F180] =	vst v63  }
0x6b: {  	s31 =	smov.u32 @p0 s0;
	_ =	swait.ge [sflag:s24], $0x3E80  }
0x6c: {  	s0 =	sshra.s32 s31, $0x2;
	[sflag:s24] =	ssyncset.done $0x0  }
0x6d: {  	s21 =	sadd.s32 $0x2800, s0;
	[sflag:s24] =	ssyncadd.s32 $0xFFFFC180  }
0x6e: {  	[spmem:s3] =	stream.indirect.scatter.add.f32 [tilespmem:s19], [sflag:$0x3], $0x80, s21, s22, $0xb8;
	[tilespmem:$0x1F180] =	vst v63  }
0x6f: {  	_ =	swait.ge [sflag:s20], $0x3E80  }
0x70: {  	[sflag:s20] =	ssyncset.done $0x0  }
0x71: {  	s26 =	sadd.s32 $0x100, s26;
	[sflag:s20] =	ssyncadd.s32 $0xFFFFC180  }
0x72: {  	[tilespmem:s19], [sflag:$0x1] =	stream.indirect.gather [hbm4b:s1+s22], $0x80, s26, s22, $0xb8;
	[tilespmem:$0x1F180] =	vst v63  }
0x73: {  	_ =	swait.ge [sflag:s25], $0x3E80  }
0x74: {  	[sflag:s25] =	ssyncset.done $0x0  }
0x75: {  	s0 =	sadd.s32 $0x2880, s0;
	[sflag:s25] =	ssyncadd.s32 $0xFFFFC180  }
0x76: {  	[spmem:s3] =	stream.indirect.scatter.add.f32 [tilespmem:s23], [sflag:$0x3], $0x80, s0, s22, $0xb8;
	[tilespmem:$0x1F180] =	vst v63  }
0x77: {  	_ =	swait.ge [sflag:s20], $0x3E80  }
0x78: {  	[sflag:s20] =	ssyncset.done $0x0  }
0x79: {  	s28 =	simm.s32 $0x2780;
	[sflag:s20] =	ssyncadd.s32 $0xFFFFC180  }
0x7a: {  	[tilespmem:s23], [sflag:$0x2] =	stream.indirect.gather [hbm4b:s1+s22], $0x80, s28, s22, $0xb8;
	[tilespmem:$0x1F180] =	vst v63  }
0x7b: {  	_ =	swait.ge [sflag:s24], $0x3E80  }
0x7c: {  	[sflag:s24] =	ssyncset.done $0x0  }
0x7d: {  	s31 =	simm.s32 $0x3B00;
	[sflag:s24] =	ssyncadd.s32 $0xFFFFC180  }
0x7e: {  	[spmem:s3] =	stream.indirect.scatter.add.f32 [tilespmem:s19], [sflag:$0x3], $0x80, s31, s22, $0xb8;
	[tilespmem:$0x1F180] =	vst v63  }
0x7f: {  	_ =	swait.ge [sflag:s20], $0x3E80  }
0x80: {  	[sflag:s20] =	ssyncset.done $0x0  }
0x81: {  	[sflag:s20] =	ssyncadd.s32 $0xFFFFC180  }
0x82: {  	_ =	swait.ge [sflag:s25], $0x3E80  }
0x83: {  	[sflag:s25] =	ssyncset.done $0x0  }
0x84: {  	[sflag:s25] =	ssyncadd.s32 $0xFFFFC180  }
0x85: {  	[spmem:s3] =	stream.indirect.scatter.add.f32 [tilespmem:s23], [sflag:$0x3], $0x80, s29, s22, $0xb8;
	[tilespmem:$0x1F180] =	vst v63  }
0x86: {  	_ =	swait.ge [sflag:s20], $0x3E80  }
0x87: {  	s2 =	stileid.u32;
	[sflag:s20] =	ssyncset.done $0x0  }
0x88: {  	s0 =	sshll.u32 s2, $0x6;
	[sflag:s20] =	ssyncadd.s32 $0xFFFFC180  }
0x89: {  	s4 =	sshrl.u32 s5, $0x3;
	s0 =	sor.u32 $0x1C03, s0;
	[bflag:$0x0] =	sbarrier.arrive $0xFFFF  }
0x8a: {  	[hbm:s13], [sflag:s0] =	dma.local [spmem:s4], $0x7D0  }
0x8b: {  	_ =	swait.ge [sflag:s20], $0x7D0  }
0x8c: {  	[sflag:s20] =	ssyncset.done $0x0  }
0x8d: {  	s21 =	sshrl.u32 s6, $0x3;
	[sflag:s20] =	ssyncadd.s32 $0xFFFFF830  }
0x8e: {  	[hbm:s14], [sflag:s0] =	dma.local [spmem:s21], $0x7D0  }
0x8f: {  	_ =	swait.ge [sflag:s20], $0x7D0  }
0x90: {  	[sflag:s20] =	ssyncset.done $0x0  }
0x91: {  	s26 =	sshrl.u32 s7, $0x3;
	[sflag:s20] =	ssyncadd.s32 $0xFFFFF830  }
0x92: {  	[hbm:s15], [sflag:s0] =	dma.local [spmem:s26], $0x7D0  }
0x93: {  	_ =	swait.ge [sflag:s20], $0x7D0  }
0x94: {  	[sflag:s20] =	ssyncset.done $0x0  }
0x95: {  	s28 =	sshrl.u32 s8, $0x3;
	[sflag:s20] =	ssyncadd.s32 $0xFFFFF830  }
0x96: {  	[hbm:s16], [sflag:s0] =	dma.local [spmem:s28], $0x7D0  }
0x97: {  	s30 =	sadd.s32 $0x1, s30;
	_ =	swait.ge [sflag:s20], $0x7D0  }
0x98: {  	p0 =	sne.s32 s30, s18;
	[sflag:s20] =	ssyncset.done $0x0  }
.Ltmp2:
0x99: {  	s31 =	sshrl.u32 s9, $0x3;
	[sflag:s20] =	ssyncadd.s32 $0xFFFFF830;
	(pc) =	sbr.rel @p0 .LBB2_1-.Ltmp2, $4  }
0x9a: {  	[hbm:s17], [sflag:s0] =	dma.local [spmem:s31], $0x7D0  }
0x9b: {  	_ =	swait.ge [sflag:s20], $0x7D0  }
0x9c: {  	[sflag:s20] =	ssyncset.done $0x0  }
0x9d: {  	[sflag:s20] =	ssyncadd.s32 $0xFFFFF830  }
0x9e: {  	_ =	sfence.sel $0x180000  }
0x9f: {  	[bflag:$0x0] =	sbarrier.arrive $0xFFFF  }
0xa0: {  	_ =	strace $0x90000050  }
0xa1: {  	s0 =	stileid.u32;
	[bflag:$0x2] =	sbarrier.arrive $0xFFFF  }
0xa2: {  	p0 =	sne.s32 s0, $0x0;
	s0 =	rddreg [dreg:$0x3]  }
0xa3: {  	s0 =	sadd.s32 @!p0 $0x100000, s0  }
0xa4: {  	[sflag:s0] =	ssyncadd.tile.s32 @!p0 $0x1;
	_ =	shalt  }
.Lfunc_end2:
_tile_overlayer_lowered:
.L_overlay_start_2:
0xa5: {  	(tag) =	ssettag $0x2  }
0xa6: {  	s0 =	rddreg [dreg:$0x0];
	s2 =	stileid.u32  }
0xa7: {  	s1 =	rddreg [dreg:$0x1];
	p0 =	sne.s32 s2, $0x0  }
0xa8: {  	s3 =	rddreg [dreg:$0x2];
	[bflag:$0x3] =	sbarrier.arrive $0xFFFF;
	s2 =	simm.s32 @!p0 $0x1C03  }
0xa9: {  	[timem:s3], [sflag:s2] =	dma.local @!p0 [hbm:s0], s1  }
0xaa: {  	s0 =	simm.s32 @!p0 $0x3  }
0xab: {  	_ =	swait.ge @!p0 [sflag:s0], s1  }
0xac: {  	s1 =	ssub.s32 @!p0 $0x0, s1;
	[sflag:s0] =	ssyncset.done @!p0 $0x0  }
0xad: {  	[sflag:s0] =	ssyncadd.s32 @!p0 s1  }
0xae: {  	[bflag:$0x3] =	sbarrier.arrive $0xFFFF  }
0xaf: {  	_ =	shalt  }

</sc_bundles>
